<compile_context>
chip_gen: v7x
topology: tpu7x:2x2x1
jax: 0.10.2.dev20260603
libtpu: 0.0.44.dev20260713+nightly
codegen_flags: <defaults>
</compile_context>

<pallas_src>
import functools

import jax
import jax.numpy as jnp
from jax import lax
from jax.experimental import pallas as pl
from jax.experimental.pallas import tpu as pltpu
from jax.experimental.pallas import tpu_sc as plsc

_SIDE = 14
_CELL = 30
_B = 256
_NC = 2
_NS = 16
_NW = _NC * _NS
_SC_ROWS = 8
_SC_PAIRS = _SC_ROWS * (_SIDE // 2)
_TC_ROWS = _SIDE - _SC_ROWS
_COORD_SCALE = 5.0
_NOOBJ_SCALE = 0.5


def _sqrt16(x):
    i = plsc.bitcast(x, jnp.int32)
    t = plsc.bitcast((i >> 1) + jnp.int32(0x1FBD1DF5), jnp.float32)
    for _ in range(2):
        t = 0.5 * (t + x / t)
    return t


def _cell_loss(gx, gy, sqrt_fn, where_fn, class_term=None):
    s = 1.0 / _SIDE

    conf = gy(4)
    objf = where_fn(conf > 0.0, 1.0, 0.0)
    noobjf = where_fn(conf == 0.0, 1.0, 0.0)

    if class_term is None:
        for c in range(10, 30):
            dc = gx(c) - gy(c)
            sq = dc * dc
            class_term = sq if class_term is None else class_term + sq

    px0, py0, pw0, ph0, pc0 = gx(0), gx(1), gx(2), gx(3), gx(4)
    px1, py1, pw1, ph1, pc1 = gx(5), gx(6), gx(7), gx(8), gx(9)
    lx, ly, lw, lh = gy(0), gy(1), gy(2), gy(3)

    d4 = pc0 - conf
    d9 = pc1 - gy(9)
    noobj_term = d4 * d4 + d9 * d9

    l1x = lx * s - 0.5 * lw
    l1y = ly * s - 0.5 * lh
    l2x = lx * s + 0.5 * lw
    l2y = ly * s + 0.5 * lh

    def iou(px, py, pw, ph):
        p1x = px * s - 0.5 * pw
        p1y = py * s - 0.5 * ph
        p2x = px * s + 0.5 * pw
        p2y = py * s + 0.5 * ph
        iw = jnp.maximum(jnp.minimum(p2x, l2x) - jnp.maximum(p1x, l1x), 0.0)
        ih = jnp.maximum(jnp.minimum(p2y, l2y) - jnp.maximum(p1y, l1y), 0.0)
        inter = iw * ih
        a1 = (p2x - p1x) * (p2y - p1y)
        a2 = (l2x - l1x) * (l2y - l1y)
        return inter / (a1 + a2 - inter)

    iou0 = iou(px0, py0, pw0, ph0)
    iou1 = iou(px1, py1, pw1, ph1)
    sel = iou1 > iou0
    miou = jnp.maximum(iou0, iou1)

    rx = where_fn(sel, px1, px0)
    ry = where_fn(sel, py1, py0)
    rw = where_fn(sel, pw1, pw0)
    rh = where_fn(sel, ph1, ph0)
    rc = where_fn(sel, pc1, pc0)
    nrc = where_fn(sel, pc0, pc1)

    lrx = where_fn(sel, gy(5), lx)
    lry = where_fn(sel, gy(6), ly)
    lrw = where_fn(sel, gy(7), lw)
    lrh = where_fn(sel, gy(8), lh)

    dr = rc - miou
    resp_term = dr * dr
    dx = rx - lrx
    dy = ry - lry
    xy_term = dx * dx + dy * dy
    dw = sqrt_fn(rw) - sqrt_fn(lrw)
    dh = sqrt_fn(rh) - sqrt_fn(lrh)
    wh_term = dw * dw + dh * dh

    return (objf * (_COORD_SCALE * (xy_term + wh_term)
                    + 2.0 * resp_term + nrc * nrc + class_term)
            + _NOOBJ_SCALE * noobjf * noobj_term)



def _sc_compute_chunk(xbuf, ybuf):
    def grp(g, acc):
        sl = g // 16
        b0 = (g % 16) * 16

        def gx(c):
            return xbuf[sl, c, pl.ds(b0, 16)]

        def gy(c):
            return ybuf[sl, c, pl.ds(b0, 16)]

        return acc + _cell_loss(gx, gy, _sqrt16, jnp.where)

    return lax.fori_loop(0, 32, grp, jnp.zeros((16,), jnp.float32))


def _sc_body(x_hbm, y_hbm, out_hbm, xv0, yv0, xv1, yv1, acc_ref,
             sx0, sy0, sx1, sy1):
    cid = lax.axis_index("c")
    sid = lax.axis_index("s")
    wid = sid * _NC + cid

    def start(pair, xbuf, ybuf, semx, semy):
        i = pair // (_SIDE // 2)
        j0 = (pair % (_SIDE // 2)) * 2
        hx = pltpu.async_copy(x_hbm.at[i, pl.ds(j0, 2)], xbuf, semx)
        hy = pltpu.async_copy(y_hbm.at[i, pl.ds(j0, 2)], ybuf, semy)
        return hx, hy

    p1 = jnp.minimum(wid, _SC_PAIRS - 1)
    p2 = jnp.minimum(wid + _NW, _SC_PAIRS - 1)

    h0 = start(p1, xv0, yv0, sx0, sy0)
    h1 = start(p2, xv1, yv1, sx1, sy1)

    acc_ref[...] = jnp.zeros((16,), jnp.float32)
    h0[0].wait()
    h0[1].wait()

    @pl.when(wid < _SC_PAIRS)
    def _round1():
        acc_ref[...] = _sc_compute_chunk(xv0, yv0)

    h1[0].wait()
    h1[1].wait()

    @pl.when(wid + _NW < _SC_PAIRS)
    def _round2():
        acc_ref[...] = acc_ref[...] + _sc_compute_chunk(xv1, yv1)

    pltpu.sync_copy(acc_ref, out_hbm.at[wid])


def _sc_partials(x, y):
    mesh = plsc.VectorSubcoreMesh(core_axis_name="c", subcore_axis_name="s")
    run = functools.partial(
        pl.kernel,
        mesh=mesh,
        out_type=jax.ShapeDtypeStruct((_NW, 16), jnp.float32),
        scratch_types=[
            pltpu.VMEM((2, _CELL, _B), jnp.float32),
            pltpu.VMEM((2, _CELL, _B), jnp.float32),
            pltpu.VMEM((2, _CELL, _B), jnp.float32),
            pltpu.VMEM((2, _CELL, _B), jnp.float32),
            pltpu.VMEM((16,), jnp.float32),
            pltpu.SemaphoreType.DMA,
            pltpu.SemaphoreType.DMA,
            pltpu.SemaphoreType.DMA,
            pltpu.SemaphoreType.DMA,
        ],
        compiler_params=pltpu.CompilerParams(needs_layout_passes=False),
    )(_sc_body)
    return run(x, y)



def _tc_body(x_ref, y_ref, out_ref):
    i = pl.program_id(0)
    x = x_ref[0]
    y = y_ref[0]

    def gx(c):
        return x[:, c:c + 1, :]

    def gy(c):
        return y[:, c:c + 1, :]

    cd = x[:, 10:30, :] - y[:, 10:30, :]
    class_term = jnp.sum(cd * cd, axis=1, keepdims=True)
    row = _cell_loss(gx, gy, jnp.sqrt, jnp.where, class_term=class_term)
    part = jnp.sum(row)

    @pl.when(i == 0)
    def _init():
        out_ref[0, 0] = 0.0

    out_ref[0, 0] += part


def _tc_total(x, y):
    total = pl.pallas_call(
        _tc_body,
        grid=(_TC_ROWS,),
        in_specs=[
            pl.BlockSpec((1, _SIDE, _CELL, _B),
                         lambda i: (i + _SC_ROWS, 0, 0, 0)),
            pl.BlockSpec((1, _SIDE, _CELL, _B),
                         lambda i: (i + _SC_ROWS, 0, 0, 0)),
        ],
        out_specs=pl.BlockSpec(memory_space=pltpu.SMEM),
        out_shape=jax.ShapeDtypeStruct((1, 1), jnp.float32),
    )(x, y)
    return total[0, 0]


def kernel(preds, labels):
    x = jnp.transpose(preds, (1, 2, 3, 0))
    y = jnp.transpose(labels, (1, 2, 3, 0))
    sc = _sc_partials(x, y)
    tc = _tc_total(x, y)
    return (tc + jnp.sum(sc)) / _B

# --- scband reference (transcript-rebuilt; emitter-appended) ---
"""Pipeline reference for scband-yololoss-83021717832615 (READ-ONLY COPY).

The authoritative reference and input builder live on the scoring server;
editing this copy changes nothing except your own understanding.
"""

import jax, jax.numpy as jnp
import numpy as np

SIDE = 14
NUM = 2
CLASS_NUM = 20
COORD_SCALE = 5.0
NOOBJ_SCALE = 0.5


def setup_inputs(seed: int = 0) -> dict:
    key = jax.random.key(seed)
    k1, k2, k3 = jax.random.split(key, 3)
    B = 256
    cell = NUM * 5 + CLASS_NUM
    # uniform in [0.05, 0.95] so sqrt() of w/h channels is well-behaved (matches torch usage)
    preds = jax.random.uniform(k1, (B, SIDE, SIDE, cell), dtype=jnp.float32, minval=0.05, maxval=0.95)
    labels = jax.random.uniform(k2, (B, SIDE, SIDE, cell), dtype=jnp.float32, minval=0.05, maxval=0.95)
    # sparsify object confidence channel (labels[...,4] > 0 defines obj cells), ~15% cells contain objects
    obj = jax.random.uniform(k3, (B, SIDE, SIDE)) < 0.15
    labels = labels.at[:, :, :, 4].set(jnp.where(obj, labels[:, :, :, 4], 0.0))
    return {"preds": preds, "labels": labels}


def _yolo_loss(preds, labels, obj_mask, noobj_mask):
    N = preds.shape[0]
    bbox_size = NUM * 5
    cell = bbox_size + CLASS_NUM
    pf = preds.reshape(-1, cell)
    lf = labels.reshape(-1, cell)
    objf = obj_mask.astype(pf.dtype)
    noobjf = noobj_mask.astype(pf.dtype)

    # no-object confidence loss: only columns i*5+4 are compared
    conf_cols = jnp.array([i * 5 + 4 for i in range(NUM)], dtype=jnp.int32)
    noobj_loss = jnp.sum(noobjf * jnp.sum((pf[:, conf_cols] - lf[:, conf_cols]) ** 2, axis=1))

    bp = pf[:, :bbox_size].reshape(-1, NUM, 5)   # [G, NUM, 5] predicted boxes per cell
    bl = lf[:, :bbox_size].reshape(-1, NUM, 5)   # [G, NUM, 5] label boxes per cell
    class_pred = pf[:, bbox_size:]
    class_label = lf[:, bbox_size:]

    s = 1.0 / SIDE
    # predicted boxes in corner coords
    p1 = bp[:, :, :2] * s - 0.5 * bp[:, :, 2:4]
    p2 = bp[:, :, :2] * s + 0.5 * bp[:, :, 2:4]
    # the torch loop uses box_label[i] (the first box row of the group) as the label box
    lab = bl[:, 0, :]
    l1 = (lab[:, :2] * s - 0.5 * lab[:, 2:4])[:, None, :]
    l2 = (lab[:, :2] * s + 0.5 * lab[:, 2:4])[:, None, :]

    ix1 = jnp.maximum(p1, l1)
    ix2 = jnp.minimum(p2, l2)
    inter_wh = jnp.maximum(ix2 - ix1, 0.0)
    inter_area = inter_wh[..., 0] * inter_wh[..., 1]
    a1 = (p2[..., 0] - p1[..., 0]) * (p2[..., 1] - p1[..., 1])
    a2 = (l2[..., 0] - l1[..., 0]) * (l2[..., 1] - l1[..., 1])
    iou = inter_area / (a1 + a2 - inter_area)  # [G, NUM]

    max_index = jnp.argmax(iou, axis=1)                       # responsible box per cell
    max_iou = jax.lax.stop_gradient(jnp.max(iou, axis=1))     # torch uses max_iou.data (detached)

    G = bp.shape[0]
    gi = jnp.arange(G)
    bp_resp = bp[gi, max_index]  # [G, 5]
    bl_resp = bl[gi, max_index]  # [G, 5] (torch gathers box_label at i+max_index)

    response_loss = jnp.sum(objf * (bp_resp[:, 4] - max_iou) ** 2)
    xy_loss = jnp.sum(objf * jnp.sum((bp_resp[:, :2] - bl_resp[:, :2]) ** 2, axis=1))
    wh_loss = jnp.sum(objf * jnp.sum((jnp.sqrt(bp_resp[:, 2:4]) - jnp.sqrt(bl_resp[:, 2:4])) ** 2, axis=1))

    # non-responsible boxes: confidence pushed to 0 (torch sets box_label_not_response[:,4]=0)
    onehot = jax.nn.one_hot(max_index, NUM, dtype=bp.dtype)
    not_response_loss = jnp.sum(objf * jnp.sum((1.0 - onehot) * bp[:, :, 4] ** 2, axis=1))

    class_loss = jnp.sum(objf * jnp.sum((class_pred - class_label) ** 2, axis=1))

    total = (COORD_SCALE * (xy_loss + wh_loss)
             + 2.0 * response_loss
             + not_response_loss
             + NOOBJ_SCALE * noobj_loss
             + class_loss)
    return total / N


def reference(preds, labels):
    conf = labels[:, :, :, 4].reshape(-1)
    obj_mask = conf > 0
    noobj_mask = conf == 0
    return _yolo_loss(preds, labels, obj_mask, noobj_mask)

if __name__ == "__main__":
    import jax
    _d = setup_inputs()
    print(jax.jit(kernel)(*tuple(_d.values())))

</pallas_src>

<mosaic_0001>
#map = affine_map<(d0, d1) -> (0, 0, 0, 0)>
#map1 = affine_map<(d0, d1) -> (0, 0)>
module attributes {stable_mosaic.version = 14 : i64} {
  func.func @_sc_body(%arg0: i32, %arg1: i32, %arg2: memref<14x14x30x256xf32, #tpu.memory_space<hbm>>, %arg3: memref<14x14x30x256xf32, #tpu.memory_space<hbm>>, %arg4: memref<32x16xf32, #tpu.memory_space<hbm>>, %arg5: memref<2x30x256xf32, #tpu.memory_space<vmem>>, %arg6: memref<2x30x256xf32, #tpu.memory_space<vmem>>, %arg7: memref<2x30x256xf32, #tpu.memory_space<vmem>>, %arg8: memref<2x30x256xf32, #tpu.memory_space<vmem>>, %arg9: memref<16xf32, #tpu.memory_space<vmem>>, %arg10: memref<!tpu.dma_semaphore, #tpu.memory_space<semaphore_mem>>, %arg11: memref<!tpu.dma_semaphore, #tpu.memory_space<semaphore_mem>>, %arg12: memref<!tpu.dma_semaphore, #tpu.memory_space<semaphore_mem>>, %arg13: memref<!tpu.dma_semaphore, #tpu.memory_space<semaphore_mem>>) attributes {dimension_semantics = [#tpu.dimension_semantics<core_parallel>, #tpu.dimension_semantics<subcore_parallel>], iteration_bounds = array<i64: 2, 16>, scalar_prefetch = 0 : i64, scratch_operands = 9 : i64, tpu.core_type = #tpu.core_type<sc_vector_subcore>, window_params = [{transform_indices = #map}, {transform_indices = #map}, {transform_indices = #map1}]} {
    %mul3A = arith.constant 2 : i32
    %mul3A_0 = arith.muli %arg1, %mul3A : i32
    %add3A = arith.addi %mul3A_0, %arg0 : i32
    %min3A = arith.constant 55 : i32
    %min3A_1 = arith.minsi %add3A, %min3A : i32
    %add3A_2 = arith.constant 32 : i32
    %add3A_3 = arith.addi %add3A, %add3A_2 : i32
    %min3A_4 = arith.constant 55 : i32
    %min3A_5 = arith.minsi %add3A_3, %min3A_4 : i32
    %jit3A = arith.constant 7 : i32
    %div3A = arith.divsi %min3A_1, %jit3A : i32
    %sign3A = arith.constant 0 : i32
    %sign3A_6 = arith.cmpi sgt, %min3A_1, %sign3A : i32
    %sign3A_7 = arith.extui %sign3A_6 : i1 to i32
    %sign3A_8 = arith.constant 0 : i32
    %sign3A_9 = arith.cmpi slt, %min3A_1, %sign3A_8 : i32
    %sign3A_10 = arith.extui %sign3A_9 : i1 to i32
    %sign3A_11 = arith.subi %sign3A_7, %sign3A_10 : i32
    %sign3A_12 = arith.constant 0 : i32
    %sign3A_13 = arith.cmpi sgt, %jit3A, %sign3A_12 : i32
    %sign3A_14 = arith.extui %sign3A_13 : i1 to i32
    %sign3A_15 = arith.constant 0 : i32
    %sign3A_16 = arith.cmpi slt, %jit3A, %sign3A_15 : i32
    %sign3A_17 = arith.extui %sign3A_16 : i1 to i32
    %sign3A_18 = arith.subi %sign3A_14, %sign3A_17 : i32
    %ne3A = arith.cmpi ne, %sign3A_11, %sign3A_18 : i32
    %rem3A = arith.remsi %min3A_1, %jit3A : i32
    %ne3A_19 = arith.constant 0 : i32
    %ne3A_20 = arith.cmpi ne, %rem3A, %ne3A_19 : i32
    %and3A = arith.andi %ne3A, %ne3A_20 : i1
    %sub3A = arith.constant 1 : i32
    %sub3A_21 = arith.subi %div3A, %sub3A : i32
    %select_n3A = arith.select %and3A, %sub3A_21, %div3A : i32
    %jit3A_22 = arith.constant 7 : i32
    %eq3A = arith.constant 0 : i32
    %eq3A_23 = arith.cmpi eq, %jit3A_22, %eq3A : i32
    %jit3A_24 = arith.constant 1 : i32
    %select_n3A_25 = arith.select %eq3A_23, %jit3A_24, %jit3A_22 : i32
    %rem3A_26 = arith.remsi %min3A_1, %select_n3A_25 : i32
    %ne3A_27 = arith.constant 0 : i32
    %ne3A_28 = arith.cmpi ne, %rem3A_26, %ne3A_27 : i32
    %lt3A = arith.constant 0 : i32
    %lt3A_29 = arith.cmpi slt, %rem3A_26, %lt3A : i32
    %lt3A_30 = arith.constant 0 : i32
    %lt3A_31 = arith.cmpi slt, %select_n3A_25, %lt3A_30 : i32
    %ne3A_32 = arith.xori %lt3A_29, %lt3A_31 : i1
    %and3A_33 = arith.andi %ne3A_32, %ne3A_28 : i1
    %add3A_34 = arith.addi %rem3A_26, %select_n3A_25 : i32
    %select_n3A_35 = arith.select %and3A_33, %add3A_34, %rem3A_26 : i32
    %mul3A_36 = arith.constant 2 : i32
    %mul3A_37 = arith.muli %select_n3A_35, %mul3A_36 : i32
    %dma_start3A = arith.constant 0 : i32
    %dma_start3A_38 = arith.constant 0 : i32
    %dma_start3A_39 = tpu.memref_slice %arg2[%select_n3A, %mul3A_37, %dma_start3A, %dma_start3A_38] : memref<14x14x30x256xf32, #tpu.memory_space<hbm>> -> memref<1x2x30x256xf32, #tpu.memory_space<hbm>>
    %dma_start3A_40 = tpu.memref_squeeze %dma_start3A_39 : memref<1x2x30x256xf32, #tpu.memory_space<hbm>> -> memref<2x30x256xf32, #tpu.memory_space<hbm>>
    %dma_start3A_41 = arith.constant 0 : i32
    %dma_start3A_42 = arith.constant 0 : i32
    %dma_start3A_43 = tpu.memref_slice %arg2[%select_n3A, %mul3A_37, %dma_start3A_41, %dma_start3A_42] : memref<14x14x30x256xf32, #tpu.memory_space<hbm>> -> memref<1x2x30x256xf32, #tpu.memory_space<hbm>>
    %dma_start3A_44 = tpu.memref_squeeze %dma_start3A_43 : memref<1x2x30x256xf32, #tpu.memory_space<hbm>> -> memref<2x30x256xf32, #tpu.memory_space<hbm>>
    tpu.enqueue_dma source(%dma_start3A_44 : memref<2x30x256xf32, #tpu.memory_space<hbm>>) target(%arg5 : memref<2x30x256xf32, #tpu.memory_space<vmem>>) target_semaphore(%arg10 : memref<!tpu.dma_semaphore, #tpu.memory_space<semaphore_mem>>)
    %dma_start3A_45 = arith.constant 0 : i32
    %dma_start3A_46 = arith.constant 0 : i32
    %dma_start3A_47 = tpu.memref_slice %arg3[%select_n3A, %mul3A_37, %dma_start3A_45, %dma_start3A_46] : memref<14x14x30x256xf32, #tpu.memory_space<hbm>> -> memref<1x2x30x256xf32, #tpu.memory_space<hbm>>
    %dma_start3A_48 = tpu.memref_squeeze %dma_start3A_47 : memref<1x2x30x256xf32, #tpu.memory_space<hbm>> -> memref<2x30x256xf32, #tpu.memory_space<hbm>>
    %dma_start3A_49 = arith.constant 0 : i32
    %dma_start3A_50 = arith.constant 0 : i32
    %dma_start3A_51 = tpu.memref_slice %arg3[%select_n3A, %mul3A_37, %dma_start3A_49, %dma_start3A_50] : memref<14x14x30x256xf32, #tpu.memory_space<hbm>> -> memref<1x2x30x256xf32, #tpu.memory_space<hbm>>
    %dma_start3A_52 = tpu.memref_squeeze %dma_start3A_51 : memref<1x2x30x256xf32, #tpu.memory_space<hbm>> -> memref<2x30x256xf32, #tpu.memory_space<hbm>>
    tpu.enqueue_dma source(%dma_start3A_52 : memref<2x30x256xf32, #tpu.memory_space<hbm>>) target(%arg6 : memref<2x30x256xf32, #tpu.memory_space<vmem>>) target_semaphore(%arg11 : memref<!tpu.dma_semaphore, #tpu.memory_space<semaphore_mem>>)
    %jit3A_53 = arith.constant 7 : i32
    %div3A_54 = arith.divsi %min3A_5, %jit3A_53 : i32
    %sign3A_55 = arith.constant 0 : i32
    %sign3A_56 = arith.cmpi sgt, %min3A_5, %sign3A_55 : i32
    %sign3A_57 = arith.extui %sign3A_56 : i1 to i32
    %sign3A_58 = arith.constant 0 : i32
    %sign3A_59 = arith.cmpi slt, %min3A_5, %sign3A_58 : i32
    %sign3A_60 = arith.extui %sign3A_59 : i1 to i32
    %sign3A_61 = arith.subi %sign3A_57, %sign3A_60 : i32
    %sign3A_62 = arith.constant 0 : i32
    %sign3A_63 = arith.cmpi sgt, %jit3A_53, %sign3A_62 : i32
    %sign3A_64 = arith.extui %sign3A_63 : i1 to i32
    %sign3A_65 = arith.constant 0 : i32
    %sign3A_66 = arith.cmpi slt, %jit3A_53, %sign3A_65 : i32
    %sign3A_67 = arith.extui %sign3A_66 : i1 to i32
    %sign3A_68 = arith.subi %sign3A_64, %sign3A_67 : i32
    %ne3A_69 = arith.cmpi ne, %sign3A_61, %sign3A_68 : i32
    %rem3A_70 = arith.remsi %min3A_5, %jit3A_53 : i32
    %ne3A_71 = arith.constant 0 : i32
    %ne3A_72 = arith.cmpi ne, %rem3A_70, %ne3A_71 : i32
    %and3A_73 = arith.andi %ne3A_69, %ne3A_72 : i1
    %sub3A_74 = arith.constant 1 : i32
    %sub3A_75 = arith.subi %div3A_54, %sub3A_74 : i32
    %select_n3A_76 = arith.select %and3A_73, %sub3A_75, %div3A_54 : i32
    %jit3A_77 = arith.constant 7 : i32
    %eq3A_78 = arith.constant 0 : i32
    %eq3A_79 = arith.cmpi eq, %jit3A_77, %eq3A_78 : i32
    %jit3A_80 = arith.constant 1 : i32
    %select_n3A_81 = arith.select %eq3A_79, %jit3A_80, %jit3A_77 : i32
    %rem3A_82 = arith.remsi %min3A_5, %select_n3A_81 : i32
    %ne3A_83 = arith.constant 0 : i32
    %ne3A_84 = arith.cmpi ne, %rem3A_82, %ne3A_83 : i32
    %lt3A_85 = arith.constant 0 : i32
    %lt3A_86 = arith.cmpi slt, %rem3A_82, %lt3A_85 : i32
    %lt3A_87 = arith.constant 0 : i32
    %lt3A_88 = arith.cmpi slt, %select_n3A_81, %lt3A_87 : i32
    %ne3A_89 = arith.xori %lt3A_86, %lt3A_88 : i1
    %and3A_90 = arith.andi %ne3A_89, %ne3A_84 : i1
    %add3A_91 = arith.addi %rem3A_82, %select_n3A_81 : i32
    %select_n3A_92 = arith.select %and3A_90, %add3A_91, %rem3A_82 : i32
    %mul3A_93 = arith.constant 2 : i32
    %mul3A_94 = arith.muli %select_n3A_92, %mul3A_93 : i32
    %dma_start3A_95 = arith.constant 0 : i32
    %dma_start3A_96 = arith.constant 0 : i32
    %dma_start3A_97 = tpu.memref_slice %arg2[%select_n3A_76, %mul3A_94, %dma_start3A_95, %dma_start3A_96] : memref<14x14x30x256xf32, #tpu.memory_space<hbm>> -> memref<1x2x30x256xf32, #tpu.memory_space<hbm>>
    %dma_start3A_98 = tpu.memref_squeeze %dma_start3A_97 : memref<1x2x30x256xf32, #tpu.memory_space<hbm>> -> memref<2x30x256xf32, #tpu.memory_space<hbm>>
    %dma_start3A_99 = arith.constant 0 : i32
    %dma_start3A_100 = arith.constant 0 : i32
    %dma_start3A_101 = tpu.memref_slice %arg2[%select_n3A_76, %mul3A_94, %dma_start3A_99, %dma_start3A_100] : memref<14x14x30x256xf32, #tpu.memory_space<hbm>> -> memref<1x2x30x256xf32, #tpu.memory_space<hbm>>
    %dma_start3A_102 = tpu.memref_squeeze %dma_start3A_101 : memref<1x2x30x256xf32, #tpu.memory_space<hbm>> -> memref<2x30x256xf32, #tpu.memory_space<hbm>>
    tpu.enqueue_dma source(%dma_start3A_102 : memref<2x30x256xf32, #tpu.memory_space<hbm>>) target(%arg7 : memref<2x30x256xf32, #tpu.memory_space<vmem>>) target_semaphore(%arg12 : memref<!tpu.dma_semaphore, #tpu.memory_space<semaphore_mem>>)
    %dma_start3A_103 = arith.constant 0 : i32
    %dma_start3A_104 = arith.constant 0 : i32
    %dma_start3A_105 = tpu.memref_slice %arg3[%select_n3A_76, %mul3A_94, %dma_start3A_103, %dma_start3A_104] : memref<14x14x30x256xf32, #tpu.memory_space<hbm>> -> memref<1x2x30x256xf32, #tpu.memory_space<hbm>>
    %dma_start3A_106 = tpu.memref_squeeze %dma_start3A_105 : memref<1x2x30x256xf32, #tpu.memory_space<hbm>> -> memref<2x30x256xf32, #tpu.memory_space<hbm>>
    %dma_start3A_107 = arith.constant 0 : i32
    %dma_start3A_108 = arith.constant 0 : i32
    %dma_start3A_109 = tpu.memref_slice %arg3[%select_n3A_76, %mul3A_94, %dma_start3A_107, %dma_start3A_108] : memref<14x14x30x256xf32, #tpu.memory_space<hbm>> -> memref<1x2x30x256xf32, #tpu.memory_space<hbm>>
    %dma_start3A_110 = tpu.memref_squeeze %dma_start3A_109 : memref<1x2x30x256xf32, #tpu.memory_space<hbm>> -> memref<2x30x256xf32, #tpu.memory_space<hbm>>
    tpu.enqueue_dma source(%dma_start3A_110 : memref<2x30x256xf32, #tpu.memory_space<hbm>>) target(%arg8 : memref<2x30x256xf32, #tpu.memory_space<vmem>>) target_semaphore(%arg13 : memref<!tpu.dma_semaphore, #tpu.memory_space<semaphore_mem>>)
    %broadcast_in_dim3A = arith.constant 0.000000e+00 : f32
    %broadcast_in_dim3A_111 = vector.broadcast %broadcast_in_dim3A : f32 to vector<16xf32>
    %swap3A = arith.constant 0 : index
    %swap3A_112 = tpu.vector_load %arg9[%swap3A] {strides = array<i32>} : memref<16xf32, #tpu.memory_space<vmem>>, vector<16xf32>,
    tpu.vector_store %arg9[%swap3A], %broadcast_in_dim3A_111 {strides = array<i32>} : memref<16xf32, #tpu.memory_space<vmem>>, vector<16xf32>,
    %dma_wait3A = arith.constant 0 : i32
    %dma_wait3A_113 = arith.constant 0 : i32
    %dma_wait3A_114 = tpu.memref_slice %arg2[%select_n3A, %mul3A_37, %dma_wait3A, %dma_wait3A_113] : memref<14x14x30x256xf32, #tpu.memory_space<hbm>> -> memref<1x2x30x256xf32, #tpu.memory_space<hbm>>
    %dma_wait3A_115 = tpu.memref_squeeze %dma_wait3A_114 : memref<1x2x30x256xf32, #tpu.memory_space<hbm>> -> memref<2x30x256xf32, #tpu.memory_space<hbm>>
    %dma_wait3A_116 = arith.constant 0 : i32
    %dma_wait3A_117 = arith.constant 0 : i32
    %dma_wait3A_118 = tpu.memref_slice %arg2[%select_n3A, %mul3A_37, %dma_wait3A_116, %dma_wait3A_117] : memref<14x14x30x256xf32, #tpu.memory_space<hbm>> -> memref<1x2x30x256xf32, #tpu.memory_space<hbm>>
    %dma_wait3A_119 = tpu.memref_squeeze %dma_wait3A_118 : memref<1x2x30x256xf32, #tpu.memory_space<hbm>> -> memref<2x30x256xf32, #tpu.memory_space<hbm>>
    tpu.wait_dma2 semaphore(%arg10 : memref<!tpu.dma_semaphore, #tpu.memory_space<semaphore_mem>>) src(%dma_wait3A_119 : memref<2x30x256xf32, #tpu.memory_space<hbm>>) dst(%arg5 : memref<2x30x256xf32, #tpu.memory_space<vmem>>)
    %dma_wait3A_120 = arith.constant 0 : i32
    %dma_wait3A_121 = arith.constant 0 : i32
    %dma_wait3A_122 = tpu.memref_slice %arg3[%select_n3A, %mul3A_37, %dma_wait3A_120, %dma_wait3A_121] : memref<14x14x30x256xf32, #tpu.memory_space<hbm>> -> memref<1x2x30x256xf32, #tpu.memory_space<hbm>>
    %dma_wait3A_123 = tpu.memref_squeeze %dma_wait3A_122 : memref<1x2x30x256xf32, #tpu.memory_space<hbm>> -> memref<2x30x256xf32, #tpu.memory_space<hbm>>
    %dma_wait3A_124 = arith.constant 0 : i32
    %dma_wait3A_125 = arith.constant 0 : i32
    %dma_wait3A_126 = tpu.memref_slice %arg3[%select_n3A, %mul3A_37, %dma_wait3A_124, %dma_wait3A_125] : memref<14x14x30x256xf32, #tpu.memory_space<hbm>> -> memref<1x2x30x256xf32, #tpu.memory_space<hbm>>
    %dma_wait3A_127 = tpu.memref_squeeze %dma_wait3A_126 : memref<1x2x30x256xf32, #tpu.memory_space<hbm>> -> memref<2x30x256xf32, #tpu.memory_space<hbm>>
    tpu.wait_dma2 semaphore(%arg11 : memref<!tpu.dma_semaphore, #tpu.memory_space<semaphore_mem>>) src(%dma_wait3A_127 : memref<2x30x256xf32, #tpu.memory_space<hbm>>) dst(%arg6 : memref<2x30x256xf32, #tpu.memory_space<vmem>>)
    %lt3A_128 = arith.constant 56 : i32
    %lt3A_129 = arith.cmpi slt, %add3A, %lt3A_128 : i32
    %convert_element_type3A = arith.extui %lt3A_129 : i1 to i32
    %cond3A = arith.constant 0 : i32
    %cond3A_130 = arith.cmpi ne, %convert_element_type3A, %cond3A : i32
    scf.if %cond3A_130 {
      %broadcast_in_dim3A_154 = arith.constant 0.000000e+00 : f32
      %broadcast_in_dim3A_155 = vector.broadcast %broadcast_in_dim3A_154 : f32 to vector<16xf32>
      %scan3A = arith.constant 0 : i32
      %scan3A_156 = arith.constant 32 : i32
      %scan3A_157 = arith.addi %scan3A, %scan3A_156 : i32
      %scan3A_158 = arith.constant 1 : i32
      %scan3A_159 = scf.for %scan3A_163 = %scan3A to %scan3A_157 step %scan3A_158 iter_args(%scan3A_164 = %broadcast_in_dim3A_155) -> (vector<16xf32>)  : i32 {
        %jit3A_165 = arith.constant 16 : i32
        %div3A_166 = arith.divsi %scan3A_163, %jit3A_165 : i32
        %sign3A_167 = arith.constant 0 : i32
        %sign3A_168 = arith.cmpi sgt, %scan3A_163, %sign3A_167 : i32
        %sign3A_169 = arith.extui %sign3A_168 : i1 to i32
        %sign3A_170 = arith.constant 0 : i32
        %sign3A_171 = arith.cmpi slt, %scan3A_163, %sign3A_170 : i32
        %sign3A_172 = arith.extui %sign3A_171 : i1 to i32
        %sign3A_173 = arith.subi %sign3A_169, %sign3A_172 : i32
        %sign3A_174 = arith.constant 0 : i32
        %sign3A_175 = arith.cmpi sgt, %jit3A_165, %sign3A_174 : i32
        %sign3A_176 = arith.extui %sign3A_175 : i1 to i32
        %sign3A_177 = arith.constant 0 : i32
        %sign3A_178 = arith.cmpi slt, %jit3A_165, %sign3A_177 : i32
        %sign3A_179 = arith.extui %sign3A_178 : i1 to i32
        %sign3A_180 = arith.subi %sign3A_176, %sign3A_179 : i32
        %ne3A_181 = arith.cmpi ne, %sign3A_173, %sign3A_180 : i32
        %rem3A_182 = arith.remsi %scan3A_163, %jit3A_165 : i32
        %ne3A_183 = arith.constant 0 : i32
        %ne3A_184 = arith.cmpi ne, %rem3A_182, %ne3A_183 : i32
        %and3A_185 = arith.andi %ne3A_181, %ne3A_184 : i1
        %sub3A_186 = arith.constant 1 : i32
        %sub3A_187 = arith.subi %div3A_166, %sub3A_186 : i32
        %select_n3A_188 = arith.select %and3A_185, %sub3A_187, %div3A_166 : i32
        %jit3A_189 = arith.constant 16 : i32
        %eq3A_190 = arith.constant 0 : i32
        %eq3A_191 = arith.cmpi eq, %jit3A_189, %eq3A_190 : i32
        %jit3A_192 = arith.constant 1 : i32
        %select_n3A_193 = arith.select %eq3A_191, %jit3A_192, %jit3A_189 : i32
        %rem3A_194 = arith.remsi %scan3A_163, %select_n3A_193 : i32
        %ne3A_195 = arith.constant 0 : i32
        %ne3A_196 = arith.cmpi ne, %rem3A_194, %ne3A_195 : i32
        %lt3A_197 = arith.constant 0 : i32
        %lt3A_198 = arith.cmpi slt, %rem3A_194, %lt3A_197 : i32
        %lt3A_199 = arith.constant 0 : i32
        %lt3A_200 = arith.cmpi slt, %select_n3A_193, %lt3A_199 : i32
        %ne3A_201 = arith.xori %lt3A_198, %lt3A_200 : i1
        %and3A_202 = arith.andi %ne3A_201, %ne3A_196 : i1
        %add3A_203 = arith.addi %rem3A_194, %select_n3A_193 : i32
        %select_n3A_204 = arith.select %and3A_202, %add3A_203, %rem3A_194 : i32
        %mul3A_205 = arith.constant 16 : i32
        %mul3A_206 = arith.muli %select_n3A_204, %mul3A_205 : i32
        %get3A = arith.constant 4 : i32
        %get3A_207 = arith.index_cast %select_n3A_188 : i32 to index
        %get3A_208 = arith.index_cast %get3A : i32 to index
        %get3A_209 = arith.index_cast %mul3A_206 : i32 to index
        %get3A_210 = tpu.vector_load %arg6[%get3A_207, %get3A_208, %get3A_209] {strides = array<i32>} : memref<2x30x256xf32, #tpu.memory_space<vmem>>, vector<16xf32>,
        %gt3A = arith.constant 0.000000e+00 : f32
        %gt3A_211 = vector.broadcast %gt3A : f32 to vector<16xf32>
        %gt3A_212 = arith.cmpf ogt, %get3A_210, %gt3A_211 : vector<16xf32>
        %jit3A_213 = arith.constant 1.000000e+00 : f32
        %jit3A_214 = arith.constant 0.000000e+00 : f32
        %broadcast_in_dim3A_215 = vector.broadcast %jit3A_213 : f32 to vector<16xf32>
        %broadcast_in_dim3A_216 = vector.broadcast %jit3A_214 : f32 to vector<16xf32>
        %select_n3A_217 = arith.select %gt3A_212, %broadcast_in_dim3A_215, %broadcast_in_dim3A_216 : vector<16xi1>, vector<16xf32>
        %eq3A_218 = arith.constant 0.000000e+00 : f32
        %eq3A_219 = vector.broadcast %eq3A_218 : f32 to vector<16xf32>
        %eq3A_220 = arith.cmpf oeq, %get3A_210, %eq3A_219 : vector<16xf32>
        %jit3A_221 = arith.constant 1.000000e+00 : f32
        %jit3A_222 = arith.constant 0.000000e+00 : f32
        %broadcast_in_dim3A_223 = vector.broadcast %jit3A_221 : f32 to vector<16xf32>
        %broadcast_in_dim3A_224 = vector.broadcast %jit3A_222 : f32 to vector<16xf32>
        %select_n3A_225 = arith.select %eq3A_220, %broadcast_in_dim3A_223, %broadcast_in_dim3A_224 : vector<16xi1>, vector<16xf32>
        %get3A_226 = arith.constant 10 : i32
        %get3A_227 = arith.index_cast %select_n3A_188 : i32 to index
        %get3A_228 = arith.index_cast %get3A_226 : i32 to index
        %get3A_229 = arith.index_cast %mul3A_206 : i32 to index
        %get3A_230 = tpu.vector_load %arg5[%get3A_227, %get3A_228, %get3A_229] {strides = array<i32>} : memref<2x30x256xf32, #tpu.memory_space<vmem>>, vector<16xf32>,
        %get3A_231 = arith.constant 10 : i32
        %get3A_232 = arith.index_cast %select_n3A_188 : i32 to index
        %get3A_233 = arith.index_cast %get3A_231 : i32 to index
        %get3A_234 = arith.index_cast %mul3A_206 : i32 to index
        %get3A_235 = tpu.vector_load %arg6[%get3A_232, %get3A_233, %get3A_234] {strides = array<i32>} : memref<2x30x256xf32, #tpu.memory_space<vmem>>, vector<16xf32>,
        %sub3A_236 = arith.subf %get3A_230, %get3A_235 : vector<16xf32>
        %mul3A_237 = arith.mulf %sub3A_236, %sub3A_236 : vector<16xf32>
        %get3A_238 = arith.constant 11 : i32
        %get3A_239 = arith.index_cast %select_n3A_188 : i32 to index
        %get3A_240 = arith.index_cast %get3A_238 : i32 to index
        %get3A_241 = arith.index_cast %mul3A_206 : i32 to index
        %get3A_242 = tpu.vector_load %arg5[%get3A_239, %get3A_240, %get3A_241] {strides = array<i32>} : memref<2x30x256xf32, #tpu.memory_space<vmem>>, vector<16xf32>,
        %get3A_243 = arith.constant 11 : i32
        %get3A_244 = arith.index_cast %select_n3A_188 : i32 to index
        %get3A_245 = arith.index_cast %get3A_243 : i32 to index
        %get3A_246 = arith.index_cast %mul3A_206 : i32 to index
        %get3A_247 = tpu.vector_load %arg6[%get3A_244, %get3A_245, %get3A_246] {strides = array<i32>} : memref<2x30x256xf32, #tpu.memory_space<vmem>>, vector<16xf32>,
        %sub3A_248 = arith.subf %get3A_242, %get3A_247 : vector<16xf32>
        %mul3A_249 = arith.mulf %sub3A_248, %sub3A_248 : vector<16xf32>
        %add3A_250 = arith.addf %mul3A_237, %mul3A_249 : vector<16xf32>
        %get3A_251 = arith.constant 12 : i32
        %get3A_252 = arith.index_cast %select_n3A_188 : i32 to index
        %get3A_253 = arith.index_cast %get3A_251 : i32 to index
        %get3A_254 = arith.index_cast %mul3A_206 : i32 to index
        %get3A_255 = tpu.vector_load %arg5[%get3A_252, %get3A_253, %get3A_254] {strides = array<i32>} : memref<2x30x256xf32, #tpu.memory_space<vmem>>, vector<16xf32>,
        %get3A_256 = arith.constant 12 : i32
        %get3A_257 = arith.index_cast %select_n3A_188 : i32 to index
        %get3A_258 = arith.index_cast %get3A_256 : i32 to index
        %get3A_259 = arith.index_cast %mul3A_206 : i32 to index
        %get3A_260 = tpu.vector_load %arg6[%get3A_257, %get3A_258, %get3A_259] {strides = array<i32>} : memref<2x30x256xf32, #tpu.memory_space<vmem>>, vector<16xf32>,
        %sub3A_261 = arith.subf %get3A_255, %get3A_260 : vector<16xf32>
        %mul3A_262 = arith.mulf %sub3A_261, %sub3A_261 : vector<16xf32>
        %add3A_263 = arith.addf %add3A_250, %mul3A_262 : vector<16xf32>
        %get3A_264 = arith.constant 13 : i32
        %get3A_265 = arith.index_cast %select_n3A_188 : i32 to index
        %get3A_266 = arith.index_cast %get3A_264 : i32 to index
        %get3A_267 = arith.index_cast %mul3A_206 : i32 to index
        %get3A_268 = tpu.vector_load %arg5[%get3A_265, %get3A_266, %get3A_267] {strides = array<i32>} : memref<2x30x256xf32, #tpu.memory_space<vmem>>, vector<16xf32>,
        %get3A_269 = arith.constant 13 : i32
        %get3A_270 = arith.index_cast %select_n3A_188 : i32 to index
        %get3A_271 = arith.index_cast %get3A_269 : i32 to index
        %get3A_272 = arith.index_cast %mul3A_206 : i32 to index
        %get3A_273 = tpu.vector_load %arg6[%get3A_270, %get3A_271, %get3A_272] {strides = array<i32>} : memref<2x30x256xf32, #tpu.memory_space<vmem>>, vector<16xf32>,
        %sub3A_274 = arith.subf %get3A_268, %get3A_273 : vector<16xf32>
        %mul3A_275 = arith.mulf %sub3A_274, %sub3A_274 : vector<16xf32>
        %add3A_276 = arith.addf %add3A_263, %mul3A_275 : vector<16xf32>
        %get3A_277 = arith.constant 14 : i32
        %get3A_278 = arith.index_cast %select_n3A_188 : i32 to index
        %get3A_279 = arith.index_cast %get3A_277 : i32 to index
        %get3A_280 = arith.index_cast %mul3A_206 : i32 to index
        %get3A_281 = tpu.vector_load %arg5[%get3A_278, %get3A_279, %get3A_280] {strides = array<i32>} : memref<2x30x256xf32, #tpu.memory_space<vmem>>, vector<16xf32>,
        %get3A_282 = arith.constant 14 : i32
        %get3A_283 = arith.index_cast %select_n3A_188 : i32 to index
        %get3A_284 = arith.index_cast %get3A_282 : i32 to index
        %get3A_285 = arith.index_cast %mul3A_206 : i32 to index
        %get3A_286 = tpu.vector_load %arg6[%get3A_283, %get3A_284, %get3A_285] {strides = array<i32>} : memref<2x30x256xf32, #tpu.memory_space<vmem>>, vector<16xf32>,
        %sub3A_287 = arith.subf %get3A_281, %get3A_286 : vector<16xf32>
        %mul3A_288 = arith.mulf %sub3A_287, %sub3A_287 : vector<16xf32>
        %add3A_289 = arith.addf %add3A_276, %mul3A_288 : vector<16xf32>
        %get3A_290 = arith.constant 15 : i32
        %get3A_291 = arith.index_cast %select_n3A_188 : i32 to index
        %get3A_292 = arith.index_cast %get3A_290 : i32 to index
        %get3A_293 = arith.index_cast %mul3A_206 : i32 to index
        %get3A_294 = tpu.vector_load %arg5[%get3A_291, %get3A_292, %get3A_293] {strides = array<i32>} : memref<2x30x256xf32, #tpu.memory_space<vmem>>, vector<16xf32>,
        %get3A_295 = arith.constant 15 : i32
        %get3A_296 = arith.index_cast %select_n3A_188 : i32 to index
        %get3A_297 = arith.index_cast %get3A_295 : i32 to index
        %get3A_298 = arith.index_cast %mul3A_206 : i32 to index
        %get3A_299 = tpu.vector_load %arg6[%get3A_296, %get3A_297, %get3A_298] {strides = array<i32>} : memref<2x30x256xf32, #tpu.memory_space<vmem>>, vector<16xf32>,
        %sub3A_300 = arith.subf %get3A_294, %get3A_299 : vector<16xf32>
        %mul3A_301 = arith.mulf %sub3A_300, %sub3A_300 : vector<16xf32>
        %add3A_302 = arith.addf %add3A_289, %mul3A_301 : vector<16xf32>
        %get3A_303 = arith.constant 16 : i32
        %get3A_304 = arith.index_cast %select_n3A_188 : i32 to index
        %get3A_305 = arith.index_cast %get3A_303 : i32 to index
        %get3A_306 = arith.index_cast %mul3A_206 : i32 to index
        %get3A_307 = tpu.vector_load %arg5[%get3A_304, %get3A_305, %get3A_306] {strides = array<i32>} : memref<2x30x256xf32, #tpu.memory_space<vmem>>, vector<16xf32>,
        %get3A_308 = arith.constant 16 : i32
        %get3A_309 = arith.index_cast %select_n3A_188 : i32 to index
        %get3A_310 = arith.index_cast %get3A_308 : i32 to index
        %get3A_311 = arith.index_cast %mul3A_206 : i32 to index
        %get3A_312 = tpu.vector_load %arg6[%get3A_309, %get3A_310, %get3A_311] {strides = array<i32>} : memref<2x30x256xf32, #tpu.memory_space<vmem>>, vector<16xf32>,
        %sub3A_313 = arith.subf %get3A_307, %get3A_312 : vector<16xf32>
        %mul3A_314 = arith.mulf %sub3A_313, %sub3A_313 : vector<16xf32>
        %add3A_315 = arith.addf %add3A_302, %mul3A_314 : vector<16xf32>
        %get3A_316 = arith.constant 17 : i32
        %get3A_317 = arith.index_cast %select_n3A_188 : i32 to index
        %get3A_318 = arith.index_cast %get3A_316 : i32 to index
        %get3A_319 = arith.index_cast %mul3A_206 : i32 to index
        %get3A_320 = tpu.vector_load %arg5[%get3A_317, %get3A_318, %get3A_319] {strides = array<i32>} : memref<2x30x256xf32, #tpu.memory_space<vmem>>, vector<16xf32>,
        %get3A_321 = arith.constant 17 : i32
        %get3A_322 = arith.index_cast %select_n3A_188 : i32 to index
        %get3A_323 = arith.index_cast %get3A_321 : i32 to index
        %get3A_324 = arith.index_cast %mul3A_206 : i32 to index
        %get3A_325 = tpu.vector_load %arg6[%get3A_322, %get3A_323, %get3A_324] {strides = array<i32>} : memref<2x30x256xf32, #tpu.memory_space<vmem>>, vector<16xf32>,
        %sub3A_326 = arith.subf %get3A_320, %get3A_325 : vector<16xf32>
        %mul3A_327 = arith.mulf %sub3A_326, %sub3A_326 : vector<16xf32>
        %add3A_328 = arith.addf %add3A_315, %mul3A_327 : vector<16xf32>
        %get3A_329 = arith.constant 18 : i32
        %get3A_330 = arith.index_cast %select_n3A_188 : i32 to index
        %get3A_331 = arith.index_cast %get3A_329 : i32 to index
        %get3A_332 = arith.index_cast %mul3A_206 : i32 to index
        %get3A_333 = tpu.vector_load %arg5[%get3A_330, %get3A_331, %get3A_332] {strides = array<i32>} : memref<2x30x256xf32, #tpu.memory_space<vmem>>, vector<16xf32>,
        %get3A_334 = arith.constant 18 : i32
        %get3A_335 = arith.index_cast %select_n3A_188 : i32 to index
        %get3A_336 = arith.index_cast %get3A_334 : i32 to index
        %get3A_337 = arith.index_cast %mul3A_206 : i32 to index
        %get3A_338 = tpu.vector_load %arg6[%get3A_335, %get3A_336, %get3A_337] {strides = array<i32>} : memref<2x30x256xf32, #tpu.memory_space<vmem>>, vector<16xf32>,
        %sub3A_339 = arith.subf %get3A_333, %get3A_338 : vector<16xf32>
        %mul3A_340 = arith.mulf %sub3A_339, %sub3A_339 : vector<16xf32>
        %add3A_341 = arith.addf %add3A_328, %mul3A_340 : vector<16xf32>
        %get3A_342 = arith.constant 19 : i32
        %get3A_343 = arith.index_cast %select_n3A_188 : i32 to index
        %get3A_344 = arith.index_cast %get3A_342 : i32 to index
        %get3A_345 = arith.index_cast %mul3A_206 : i32 to index
        %get3A_346 = tpu.vector_load %arg5[%get3A_343, %get3A_344, %get3A_345] {strides = array<i32>} : memref<2x30x256xf32, #tpu.memory_space<vmem>>, vector<16xf32>,
        %get3A_347 = arith.constant 19 : i32
        %get3A_348 = arith.index_cast %select_n3A_188 : i32 to index
        %get3A_349 = arith.index_cast %get3A_347 : i32 to index
        %get3A_350 = arith.index_cast %mul3A_206 : i32 to index
        %get3A_351 = tpu.vector_load %arg6[%get3A_348, %get3A_349, %get3A_350] {strides = array<i32>} : memref<2x30x256xf32, #tpu.memory_space<vmem>>, vector<16xf32>,
        %sub3A_352 = arith.subf %get3A_346, %get3A_351 : vector<16xf32>
        %mul3A_353 = arith.mulf %sub3A_352, %sub3A_352 : vector<16xf32>
        %add3A_354 = arith.addf %add3A_341, %mul3A_353 : vector<16xf32>
        %get3A_355 = arith.constant 20 : i32
        %get3A_356 = arith.index_cast %select_n3A_188 : i32 to index
        %get3A_357 = arith.index_cast %get3A_355 : i32 to index
        %get3A_358 = arith.index_cast %mul3A_206 : i32 to index
        %get3A_359 = tpu.vector_load %arg5[%get3A_356, %get3A_357, %get3A_358] {strides = array<i32>} : memref<2x30x256xf32, #tpu.memory_space<vmem>>, vector<16xf32>,
        %get3A_360 = arith.constant 20 : i32
        %get3A_361 = arith.index_cast %select_n3A_188 : i32 to index
        %get3A_362 = arith.index_cast %get3A_360 : i32 to index
        %get3A_363 = arith.index_cast %mul3A_206 : i32 to index
        %get3A_364 = tpu.vector_load %arg6[%get3A_361, %get3A_362, %get3A_363] {strides = array<i32>} : memref<2x30x256xf32, #tpu.memory_space<vmem>>, vector<16xf32>,
        %sub3A_365 = arith.subf %get3A_359, %get3A_364 : vector<16xf32>
        %mul3A_366 = arith.mulf %sub3A_365, %sub3A_365 : vector<16xf32>
        %add3A_367 = arith.addf %add3A_354, %mul3A_366 : vector<16xf32>
        %get3A_368 = arith.constant 21 : i32
        %get3A_369 = arith.index_cast %select_n3A_188 : i32 to index
        %get3A_370 = arith.index_cast %get3A_368 : i32 to index
        %get3A_371 = arith.index_cast %mul3A_206 : i32 to index
        %get3A_372 = tpu.vector_load %arg5[%get3A_369, %get3A_370, %get3A_371] {strides = array<i32>} : memref<2x30x256xf32, #tpu.memory_space<vmem>>, vector<16xf32>,
        %get3A_373 = arith.constant 21 : i32
        %get3A_374 = arith.index_cast %select_n3A_188 : i32 to index
        %get3A_375 = arith.index_cast %get3A_373 : i32 to index
        %get3A_376 = arith.index_cast %mul3A_206 : i32 to index
        %get3A_377 = tpu.vector_load %arg6[%get3A_374, %get3A_375, %get3A_376] {strides = array<i32>} : memref<2x30x256xf32, #tpu.memory_space<vmem>>, vector<16xf32>,
        %sub3A_378 = arith.subf %get3A_372, %get3A_377 : vector<16xf32>
        %mul3A_379 = arith.mulf %sub3A_378, %sub3A_378 : vector<16xf32>
        %add3A_380 = arith.addf %add3A_367, %mul3A_379 : vector<16xf32>
        %get3A_381 = arith.constant 22 : i32
        %get3A_382 = arith.index_cast %select_n3A_188 : i32 to index
        %get3A_383 = arith.index_cast %get3A_381 : i32 to index
        %get3A_384 = arith.index_cast %mul3A_206 : i32 to index
        %get3A_385 = tpu.vector_load %arg5[%get3A_382, %get3A_383, %get3A_384] {strides = array<i32>} : memref<2x30x256xf32, #tpu.memory_space<vmem>>, vector<16xf32>,
        %get3A_386 = arith.constant 22 : i32
        %get3A_387 = arith.index_cast %select_n3A_188 : i32 to index
        %get3A_388 = arith.index_cast %get3A_386 : i32 to index
        %get3A_389 = arith.index_cast %mul3A_206 : i32 to index
        %get3A_390 = tpu.vector_load %arg6[%get3A_387, %get3A_388, %get3A_389] {strides = array<i32>} : memref<2x30x256xf32, #tpu.memory_space<vmem>>, vector<16xf32>,
        %sub3A_391 = arith.subf %get3A_385, %get3A_390 : vector<16xf32>
        %mul3A_392 = arith.mulf %sub3A_391, %sub3A_391 : vector<16xf32>
        %add3A_393 = arith.addf %add3A_380, %mul3A_392 : vector<16xf32>
        %get3A_394 = arith.constant 23 : i32
        %get3A_395 = arith.index_cast %select_n3A_188 : i32 to index
        %get3A_396 = arith.index_cast %get3A_394 : i32 to index
        %get3A_397 = arith.index_cast %mul3A_206 : i32 to index
        %get3A_398 = tpu.vector_load %arg5[%get3A_395, %get3A_396, %get3A_397] {strides = array<i32>} : memref<2x30x256xf32, #tpu.memory_space<vmem>>, vector<16xf32>,
        %get3A_399 = arith.constant 23 : i32
        %get3A_400 = arith.index_cast %select_n3A_188 : i32 to index
        %get3A_401 = arith.index_cast %get3A_399 : i32 to index
        %get3A_402 = arith.index_cast %mul3A_206 : i32 to index
        %get3A_403 = tpu.vector_load %arg6[%get3A_400, %get3A_401, %get3A_402] {strides = array<i32>} : memref<2x30x256xf32, #tpu.memory_space<vmem>>, vector<16xf32>,
        %sub3A_404 = arith.subf %get3A_398, %get3A_403 : vector<16xf32>
        %mul3A_405 = arith.mulf %sub3A_404, %sub3A_404 : vector<16xf32>
        %add3A_406 = arith.addf %add3A_393, %mul3A_405 : vector<16xf32>
        %get3A_407 = arith.constant 24 : i32
        %get3A_408 = arith.index_cast %select_n3A_188 : i32 to index
        %get3A_409 = arith.index_cast %get3A_407 : i32 to index
        %get3A_410 = arith.index_cast %mul3A_206 : i32 to index
        %get3A_411 = tpu.vector_load %arg5[%get3A_408, %get3A_409, %get3A_410] {strides = array<i32>} : memref<2x30x256xf32, #tpu.memory_space<vmem>>, vector<16xf32>,
        %get3A_412 = arith.constant 24 : i32
        %get3A_413 = arith.index_cast %select_n3A_188 : i32 to index
        %get3A_414 = arith.index_cast %get3A_412 : i32 to index
        %get3A_415 = arith.index_cast %mul3A_206 : i32 to index
        %get3A_416 = tpu.vector_load %arg6[%get3A_413, %get3A_414, %get3A_415] {strides = array<i32>} : memref<2x30x256xf32, #tpu.memory_space<vmem>>, vector<16xf32>,
        %sub3A_417 = arith.subf %get3A_411, %get3A_416 : vector<16xf32>
        %mul3A_418 = arith.mulf %sub3A_417, %sub3A_417 : vector<16xf32>
        %add3A_419 = arith.addf %add3A_406, %mul3A_418 : vector<16xf32>
        %get3A_420 = arith.constant 25 : i32
        %get3A_421 = arith.index_cast %select_n3A_188 : i32 to index
        %get3A_422 = arith.index_cast %get3A_420 : i32 to index
        %get3A_423 = arith.index_cast %mul3A_206 : i32 to index
        %get3A_424 = tpu.vector_load %arg5[%get3A_421, %get3A_422, %get3A_423] {strides = array<i32>} : memref<2x30x256xf32, #tpu.memory_space<vmem>>, vector<16xf32>,
        %get3A_425 = arith.constant 25 : i32
        %get3A_426 = arith.index_cast %select_n3A_188 : i32 to index
        %get3A_427 = arith.index_cast %get3A_425 : i32 to index
        %get3A_428 = arith.index_cast %mul3A_206 : i32 to index
        %get3A_429 = tpu.vector_load %arg6[%get3A_426, %get3A_427, %get3A_428] {strides = array<i32>} : memref<2x30x256xf32, #tpu.memory_space<vmem>>, vector<16xf32>,
        %sub3A_430 = arith.subf %get3A_424, %get3A_429 : vector<16xf32>
        %mul3A_431 = arith.mulf %sub3A_430, %sub3A_430 : vector<16xf32>
        %add3A_432 = arith.addf %add3A_419, %mul3A_431 : vector<16xf32>
        %get3A_433 = arith.constant 26 : i32
        %get3A_434 = arith.index_cast %select_n3A_188 : i32 to index
        %get3A_435 = arith.index_cast %get3A_433 : i32 to index
        %get3A_436 = arith.index_cast %mul3A_206 : i32 to index
        %get3A_437 = tpu.vector_load %arg5[%get3A_434, %get3A_435, %get3A_436] {strides = array<i32>} : memref<2x30x256xf32, #tpu.memory_space<vmem>>, vector<16xf32>,
        %get3A_438 = arith.constant 26 : i32
        %get3A_439 = arith.index_cast %select_n3A_188 : i32 to index
        %get3A_440 = arith.index_cast %get3A_438 : i32 to index
        %get3A_441 = arith.index_cast %mul3A_206 : i32 to index
        %get3A_442 = tpu.vector_load %arg6[%get3A_439, %get3A_440, %get3A_441] {strides = array<i32>} : memref<2x30x256xf32, #tpu.memory_space<vmem>>, vector<16xf32>,
        %sub3A_443 = arith.subf %get3A_437, %get3A_442 : vector<16xf32>
        %mul3A_444 = arith.mulf %sub3A_443, %sub3A_443 : vector<16xf32>
        %add3A_445 = arith.addf %add3A_432, %mul3A_444 : vector<16xf32>
        %get3A_446 = arith.constant 27 : i32
        %get3A_447 = arith.index_cast %select_n3A_188 : i32 to index
        %get3A_448 = arith.index_cast %get3A_446 : i32 to index
        %get3A_449 = arith.index_cast %mul3A_206 : i32 to index
        %get3A_450 = tpu.vector_load %arg5[%get3A_447, %get3A_448, %get3A_449] {strides = array<i32>} : memref<2x30x256xf32, #tpu.memory_space<vmem>>, vector<16xf32>,
        %get3A_451 = arith.constant 27 : i32
        %get3A_452 = arith.index_cast %select_n3A_188 : i32 to index
        %get3A_453 = arith.index_cast %get3A_451 : i32 to index
        %get3A_454 = arith.index_cast %mul3A_206 : i32 to index
        %get3A_455 = tpu.vector_load %arg6[%get3A_452, %get3A_453, %get3A_454] {strides = array<i32>} : memref<2x30x256xf32, #tpu.memory_space<vmem>>, vector<16xf32>,
        %sub3A_456 = arith.subf %get3A_450, %get3A_455 : vector<16xf32>
        %mul3A_457 = arith.mulf %sub3A_456, %sub3A_456 : vector<16xf32>
        %add3A_458 = arith.addf %add3A_445, %mul3A_457 : vector<16xf32>
        %get3A_459 = arith.constant 28 : i32
        %get3A_460 = arith.index_cast %select_n3A_188 : i32 to index
        %get3A_461 = arith.index_cast %get3A_459 : i32 to index
        %get3A_462 = arith.index_cast %mul3A_206 : i32 to index
        %get3A_463 = tpu.vector_load %arg5[%get3A_460, %get3A_461, %get3A_462] {strides = array<i32>} : memref<2x30x256xf32, #tpu.memory_space<vmem>>, vector<16xf32>,
        %get3A_464 = arith.constant 28 : i32
        %get3A_465 = arith.index_cast %select_n3A_188 : i32 to index
        %get3A_466 = arith.index_cast %get3A_464 : i32 to index
        %get3A_467 = arith.index_cast %mul3A_206 : i32 to index
        %get3A_468 = tpu.vector_load %arg6[%get3A_465, %get3A_466, %get3A_467] {strides = array<i32>} : memref<2x30x256xf32, #tpu.memory_space<vmem>>, vector<16xf32>,
        %sub3A_469 = arith.subf %get3A_463, %get3A_468 : vector<16xf32>
        %mul3A_470 = arith.mulf %sub3A_469, %sub3A_469 : vector<16xf32>
        %add3A_471 = arith.addf %add3A_458, %mul3A_470 : vector<16xf32>
        %get3A_472 = arith.constant 29 : i32
        %get3A_473 = arith.index_cast %select_n3A_188 : i32 to index
        %get3A_474 = arith.index_cast %get3A_472 : i32 to index
        %get3A_475 = arith.index_cast %mul3A_206 : i32 to index
        %get3A_476 = tpu.vector_load %arg5[%get3A_473, %get3A_474, %get3A_475] {strides = array<i32>} : memref<2x30x256xf32, #tpu.memory_space<vmem>>, vector<16xf32>,
        %get3A_477 = arith.constant 29 : i32
        %get3A_478 = arith.index_cast %select_n3A_188 : i32 to index
        %get3A_479 = arith.index_cast %get3A_477 : i32 to index
        %get3A_480 = arith.index_cast %mul3A_206 : i32 to index
        %get3A_481 = tpu.vector_load %arg6[%get3A_478, %get3A_479, %get3A_480] {strides = array<i32>} : memref<2x30x256xf32, #tpu.memory_space<vmem>>, vector<16xf32>,
        %sub3A_482 = arith.subf %get3A_476, %get3A_481 : vector<16xf32>
        %mul3A_483 = arith.mulf %sub3A_482, %sub3A_482 : vector<16xf32>
        %add3A_484 = arith.addf %add3A_471, %mul3A_483 : vector<16xf32>
        %get3A_485 = arith.constant 0 : i32
        %get3A_486 = arith.index_cast %select_n3A_188 : i32 to index
        %get3A_487 = arith.index_cast %get3A_485 : i32 to index
        %get3A_488 = arith.index_cast %mul3A_206 : i32 to index
        %get3A_489 = tpu.vector_load %arg5[%get3A_486, %get3A_487, %get3A_488] {strides = array<i32>} : memref<2x30x256xf32, #tpu.memory_space<vmem>>, vector<16xf32>,
        %get3A_490 = arith.constant 1 : i32
        %get3A_491 = arith.index_cast %select_n3A_188 : i32 to index
        %get3A_492 = arith.index_cast %get3A_490 : i32 to index
        %get3A_493 = arith.index_cast %mul3A_206 : i32 to index
        %get3A_494 = tpu.vector_load %arg5[%get3A_491, %get3A_492, %get3A_493] {strides = array<i32>} : memref<2x30x256xf32, #tpu.memory_space<vmem>>, vector<16xf32>,
        %get3A_495 = arith.constant 2 : i32
        %get3A_496 = arith.index_cast %select_n3A_188 : i32 to index
        %get3A_497 = arith.index_cast %get3A_495 : i32 to index
        %get3A_498 = arith.index_cast %mul3A_206 : i32 to index
        %get3A_499 = tpu.vector_load %arg5[%get3A_496, %get3A_497, %get3A_498] {strides = array<i32>} : memref<2x30x256xf32, #tpu.memory_space<vmem>>, vector<16xf32>,
        %get3A_500 = arith.constant 3 : i32
        %get3A_501 = arith.index_cast %select_n3A_188 : i32 to index
        %get3A_502 = arith.index_cast %get3A_500 : i32 to index
        %get3A_503 = arith.index_cast %mul3A_206 : i32 to index
        %get3A_504 = tpu.vector_load %arg5[%get3A_501, %get3A_502, %get3A_503] {strides = array<i32>} : memref<2x30x256xf32, #tpu.memory_space<vmem>>, vector<16xf32>,
        %get3A_505 = arith.constant 4 : i32
        %get3A_506 = arith.index_cast %select_n3A_188 : i32 to index
        %get3A_507 = arith.index_cast %get3A_505 : i32 to index
        %get3A_508 = arith.index_cast %mul3A_206 : i32 to index
        %get3A_509 = tpu.vector_load %arg5[%get3A_506, %get3A_507, %get3A_508] {strides = array<i32>} : memref<2x30x256xf32, #tpu.memory_space<vmem>>, vector<16xf32>,
        %get3A_510 = arith.constant 5 : i32
        %get3A_511 = arith.index_cast %select_n3A_188 : i32 to index
        %get3A_512 = arith.index_cast %get3A_510 : i32 to index
        %get3A_513 = arith.index_cast %mul3A_206 : i32 to index
        %get3A_514 = tpu.vector_load %arg5[%get3A_511, %get3A_512, %get3A_513] {strides = array<i32>} : memref<2x30x256xf32, #tpu.memory_space<vmem>>, vector<16xf32>,
        %get3A_515 = arith.constant 6 : i32
        %get3A_516 = arith.index_cast %select_n3A_188 : i32 to index
        %get3A_517 = arith.index_cast %get3A_515 : i32 to index
        %get3A_518 = arith.index_cast %mul3A_206 : i32 to index
        %get3A_519 = tpu.vector_load %arg5[%get3A_516, %get3A_517, %get3A_518] {strides = array<i32>} : memref<2x30x256xf32, #tpu.memory_space<vmem>>, vector<16xf32>,
        %get3A_520 = arith.constant 7 : i32
        %get3A_521 = arith.index_cast %select_n3A_188 : i32 to index
        %get3A_522 = arith.index_cast %get3A_520 : i32 to index
        %get3A_523 = arith.index_cast %mul3A_206 : i32 to index
        %get3A_524 = tpu.vector_load %arg5[%get3A_521, %get3A_522, %get3A_523] {strides = array<i32>} : memref<2x30x256xf32, #tpu.memory_space<vmem>>, vector<16xf32>,
        %get3A_525 = arith.constant 8 : i32
        %get3A_526 = arith.index_cast %select_n3A_188 : i32 to index
        %get3A_527 = arith.index_cast %get3A_525 : i32 to index
        %get3A_528 = arith.index_cast %mul3A_206 : i32 to index
        %get3A_529 = tpu.vector_load %arg5[%get3A_526, %get3A_527, %get3A_528] {strides = array<i32>} : memref<2x30x256xf32, #tpu.memory_space<vmem>>, vector<16xf32>,
        %get3A_530 = arith.constant 9 : i32
        %get3A_531 = arith.index_cast %select_n3A_188 : i32 to index
        %get3A_532 = arith.index_cast %get3A_530 : i32 to index
        %get3A_533 = arith.index_cast %mul3A_206 : i32 to index
        %get3A_534 = tpu.vector_load %arg5[%get3A_531, %get3A_532, %get3A_533] {strides = array<i32>} : memref<2x30x256xf32, #tpu.memory_space<vmem>>, vector<16xf32>,
        %get3A_535 = arith.constant 0 : i32
        %get3A_536 = arith.index_cast %select_n3A_188 : i32 to index
        %get3A_537 = arith.index_cast %get3A_535 : i32 to index
        %get3A_538 = arith.index_cast %mul3A_206 : i32 to index
        %get3A_539 = tpu.vector_load %arg6[%get3A_536, %get3A_537, %get3A_538] {strides = array<i32>} : memref<2x30x256xf32, #tpu.memory_space<vmem>>, vector<16xf32>,
        %get3A_540 = arith.constant 1 : i32
        %get3A_541 = arith.index_cast %select_n3A_188 : i32 to index
        %get3A_542 = arith.index_cast %get3A_540 : i32 to index
        %get3A_543 = arith.index_cast %mul3A_206 : i32 to index
        %get3A_544 = tpu.vector_load %arg6[%get3A_541, %get3A_542, %get3A_543] {strides = array<i32>} : memref<2x30x256xf32, #tpu.memory_space<vmem>>, vector<16xf32>,
        %get3A_545 = arith.constant 2 : i32
        %get3A_546 = arith.index_cast %select_n3A_188 : i32 to index
        %get3A_547 = arith.index_cast %get3A_545 : i32 to index
        %get3A_548 = arith.index_cast %mul3A_206 : i32 to index
        %get3A_549 = tpu.vector_load %arg6[%get3A_546, %get3A_547, %get3A_548] {strides = array<i32>} : memref<2x30x256xf32, #tpu.memory_space<vmem>>, vector<16xf32>,
        %get3A_550 = arith.constant 3 : i32
        %get3A_551 = arith.index_cast %select_n3A_188 : i32 to index
        %get3A_552 = arith.index_cast %get3A_550 : i32 to index
        %get3A_553 = arith.index_cast %mul3A_206 : i32 to index
        %get3A_554 = tpu.vector_load %arg6[%get3A_551, %get3A_552, %get3A_553] {strides = array<i32>} : memref<2x30x256xf32, #tpu.memory_space<vmem>>, vector<16xf32>,
        %sub3A_555 = arith.subf %get3A_509, %get3A_210 : vector<16xf32>
        %get3A_556 = arith.constant 9 : i32
        %get3A_557 = arith.index_cast %select_n3A_188 : i32 to index
        %get3A_558 = arith.index_cast %get3A_556 : i32 to index
        %get3A_559 = arith.index_cast %mul3A_206 : i32 to index
        %get3A_560 = tpu.vector_load %arg6[%get3A_557, %get3A_558, %get3A_559] {strides = array<i32>} : memref<2x30x256xf32, #tpu.memory_space<vmem>>, vector<16xf32>,
        %sub3A_561 = arith.subf %get3A_534, %get3A_560 : vector<16xf32>
        %mul3A_562 = arith.mulf %sub3A_555, %sub3A_555 : vector<16xf32>
        %mul3A_563 = arith.mulf %sub3A_561, %sub3A_561 : vector<16xf32>
        %add3A_564 = arith.addf %mul3A_562, %mul3A_563 : vector<16xf32>
        %mul3A_565 = arith.constant 0.0714285746 : f32
        %mul3A_566 = vector.broadcast %mul3A_565 : f32 to vector<16xf32>
        %mul3A_567 = arith.mulf %get3A_539, %mul3A_566 : vector<16xf32>
        %mul3A_568 = arith.constant 5.000000e-01 : f32
        %mul3A_569 = vector.broadcast %mul3A_568 : f32 to vector<16xf32>
        %mul3A_570 = arith.mulf %mul3A_569, %get3A_549 : vector<16xf32>
        %sub3A_571 = arith.subf %mul3A_567, %mul3A_570 : vector<16xf32>
        %mul3A_572 = arith.constant 0.0714285746 : f32
        %mul3A_573 = vector.broadcast %mul3A_572 : f32 to vector<16xf32>
        %mul3A_574 = arith.mulf %get3A_544, %mul3A_573 : vector<16xf32>
        %mul3A_575 = arith.constant 5.000000e-01 : f32
        %mul3A_576 = vector.broadcast %mul3A_575 : f32 to vector<16xf32>
        %mul3A_577 = arith.mulf %mul3A_576, %get3A_554 : vector<16xf32>
        %sub3A_578 = arith.subf %mul3A_574, %mul3A_577 : vector<16xf32>
        %mul3A_579 = arith.constant 0.0714285746 : f32
        %mul3A_580 = vector.broadcast %mul3A_579 : f32 to vector<16xf32>
        %mul3A_581 = arith.mulf %get3A_539, %mul3A_580 : vector<16xf32>
        %mul3A_582 = arith.constant 5.000000e-01 : f32
        %mul3A_583 = vector.broadcast %mul3A_582 : f32 to vector<16xf32>
        %mul3A_584 = arith.mulf %mul3A_583, %get3A_549 : vector<16xf32>
        %add3A_585 = arith.addf %mul3A_581, %mul3A_584 : vector<16xf32>
        %mul3A_586 = arith.constant 0.0714285746 : f32
        %mul3A_587 = vector.broadcast %mul3A_586 : f32 to vector<16xf32>
        %mul3A_588 = arith.mulf %get3A_544, %mul3A_587 : vector<16xf32>
        %mul3A_589 = arith.constant 5.000000e-01 : f32
        %mul3A_590 = vector.broadcast %mul3A_589 : f32 to vector<16xf32>
        %mul3A_591 = arith.mulf %mul3A_590, %get3A_554 : vector<16xf32>
        %add3A_592 = arith.addf %mul3A_588, %mul3A_591 : vector<16xf32>
        %mul3A_593 = arith.constant 0.0714285746 : f32
        %mul3A_594 = vector.broadcast %mul3A_593 : f32 to vector<16xf32>
        %mul3A_595 = arith.mulf %get3A_489, %mul3A_594 : vector<16xf32>
        %mul3A_596 = arith.constant 5.000000e-01 : f32
        %mul3A_597 = vector.broadcast %mul3A_596 : f32 to vector<16xf32>
        %mul3A_598 = arith.mulf %mul3A_597, %get3A_499 : vector<16xf32>
        %sub3A_599 = arith.subf %mul3A_595, %mul3A_598 : vector<16xf32>
        %mul3A_600 = arith.constant 0.0714285746 : f32
        %mul3A_601 = vector.broadcast %mul3A_600 : f32 to vector<16xf32>
        %mul3A_602 = arith.mulf %get3A_494, %mul3A_601 : vector<16xf32>
        %mul3A_603 = arith.constant 5.000000e-01 : f32
        %mul3A_604 = vector.broadcast %mul3A_603 : f32 to vector<16xf32>
        %mul3A_605 = arith.mulf %mul3A_604, %get3A_504 : vector<16xf32>
        %sub3A_606 = arith.subf %mul3A_602, %mul3A_605 : vector<16xf32>
        %mul3A_607 = arith.constant 0.0714285746 : f32
        %mul3A_608 = vector.broadcast %mul3A_607 : f32 to vector<16xf32>
        %mul3A_609 = arith.mulf %get3A_489, %mul3A_608 : vector<16xf32>
        %mul3A_610 = arith.constant 5.000000e-01 : f32
        %mul3A_611 = vector.broadcast %mul3A_610 : f32 to vector<16xf32>
        %mul3A_612 = arith.mulf %mul3A_611, %get3A_499 : vector<16xf32>
        %add3A_613 = arith.addf %mul3A_609, %mul3A_612 : vector<16xf32>
        %mul3A_614 = arith.constant 0.0714285746 : f32
        %mul3A_615 = vector.broadcast %mul3A_614 : f32 to vector<16xf32>
        %mul3A_616 = arith.mulf %get3A_494, %mul3A_615 : vector<16xf32>
        %mul3A_617 = arith.constant 5.000000e-01 : f32
        %mul3A_618 = vector.broadcast %mul3A_617 : f32 to vector<16xf32>
        %mul3A_619 = arith.mulf %mul3A_618, %get3A_504 : vector<16xf32>
        %add3A_620 = arith.addf %mul3A_616, %mul3A_619 : vector<16xf32>
        %min3A_621 = arith.minimumf %add3A_613, %add3A_585 : vector<16xf32>
        %max3A = arith.maximumf %sub3A_599, %sub3A_571 : vector<16xf32>
        %sub3A_622 = arith.subf %min3A_621, %max3A : vector<16xf32>
        %max3A_623 = arith.constant 0.000000e+00 : f32
        %max3A_624 = vector.broadcast %max3A_623 : f32 to vector<16xf32>
        %max3A_625 = arith.maximumf %sub3A_622, %max3A_624 : vector<16xf32>
        %min3A_626 = arith.minimumf %add3A_620, %add3A_592 : vector<16xf32>
        %max3A_627 = arith.maximumf %sub3A_606, %sub3A_578 : vector<16xf32>
        %sub3A_628 = arith.subf %min3A_626, %max3A_627 : vector<16xf32>
        %max3A_629 = arith.constant 0.000000e+00 : f32
        %max3A_630 = vector.broadcast %max3A_629 : f32 to vector<16xf32>
        %max3A_631 = arith.maximumf %sub3A_628, %max3A_630 : vector<16xf32>
        %mul3A_632 = arith.mulf %max3A_625, %max3A_631 : vector<16xf32>
        %sub3A_633 = arith.subf %add3A_613, %sub3A_599 : vector<16xf32>
        %sub3A_634 = arith.subf %add3A_620, %sub3A_606 : vector<16xf32>
        %mul3A_635 = arith.mulf %sub3A_633, %sub3A_634 : vector<16xf32>
        %sub3A_636 = arith.subf %add3A_585, %sub3A_571 : vector<16xf32>
        %sub3A_637 = arith.subf %add3A_592, %sub3A_578 : vector<16xf32>
        %mul3A_638 = arith.mulf %sub3A_636, %sub3A_637 : vector<16xf32>
        %add3A_639 = arith.addf %mul3A_635, %mul3A_638 : vector<16xf32>
        %sub3A_640 = arith.subf %add3A_639, %mul3A_632 : vector<16xf32>
        %div3A_641 = arith.divf %mul3A_632, %sub3A_640 : vector<16xf32>
        %mul3A_642 = arith.constant 0.0714285746 : f32
        %mul3A_643 = vector.broadcast %mul3A_642 : f32 to vector<16xf32>
        %mul3A_644 = arith.mulf %get3A_514, %mul3A_643 : vector<16xf32>
        %mul3A_645 = arith.constant 5.000000e-01 : f32
        %mul3A_646 = vector.broadcast %mul3A_645 : f32 to vector<16xf32>
        %mul3A_647 = arith.mulf %mul3A_646, %get3A_524 : vector<16xf32>
        %sub3A_648 = arith.subf %mul3A_644, %mul3A_647 : vector<16xf32>
        %mul3A_649 = arith.constant 0.0714285746 : f32
        %mul3A_650 = vector.broadcast %mul3A_649 : f32 to vector<16xf32>
        %mul3A_651 = arith.mulf %get3A_519, %mul3A_650 : vector<16xf32>
        %mul3A_652 = arith.constant 5.000000e-01 : f32
        %mul3A_653 = vector.broadcast %mul3A_652 : f32 to vector<16xf32>
        %mul3A_654 = arith.mulf %mul3A_653, %get3A_529 : vector<16xf32>
        %sub3A_655 = arith.subf %mul3A_651, %mul3A_654 : vector<16xf32>
        %mul3A_656 = arith.constant 0.0714285746 : f32
        %mul3A_657 = vector.broadcast %mul3A_656 : f32 to vector<16xf32>
        %mul3A_658 = arith.mulf %get3A_514, %mul3A_657 : vector<16xf32>
        %mul3A_659 = arith.constant 5.000000e-01 : f32
        %mul3A_660 = vector.broadcast %mul3A_659 : f32 to vector<16xf32>
        %mul3A_661 = arith.mulf %mul3A_660, %get3A_524 : vector<16xf32>
        %add3A_662 = arith.addf %mul3A_658, %mul3A_661 : vector<16xf32>
        %mul3A_663 = arith.constant 0.0714285746 : f32
        %mul3A_664 = vector.broadcast %mul3A_663 : f32 to vector<16xf32>
        %mul3A_665 = arith.mulf %get3A_519, %mul3A_664 : vector<16xf32>
        %mul3A_666 = arith.constant 5.000000e-01 : f32
        %mul3A_667 = vector.broadcast %mul3A_666 : f32 to vector<16xf32>
        %mul3A_668 = arith.mulf %mul3A_667, %get3A_529 : vector<16xf32>
        %add3A_669 = arith.addf %mul3A_665, %mul3A_668 : vector<16xf32>
        %min3A_670 = arith.minimumf %add3A_662, %add3A_585 : vector<16xf32>
        %max3A_671 = arith.maximumf %sub3A_648, %sub3A_571 : vector<16xf32>
        %sub3A_672 = arith.subf %min3A_670, %max3A_671 : vector<16xf32>
        %max3A_673 = arith.constant 0.000000e+00 : f32
        %max3A_674 = vector.broadcast %max3A_673 : f32 to vector<16xf32>
        %max3A_675 = arith.maximumf %sub3A_672, %max3A_674 : vector<16xf32>
        %min3A_676 = arith.minimumf %add3A_669, %add3A_592 : vector<16xf32>
        %max3A_677 = arith.maximumf %sub3A_655, %sub3A_578 : vector<16xf32>
        %sub3A_678 = arith.subf %min3A_676, %max3A_677 : vector<16xf32>
        %max3A_679 = arith.constant 0.000000e+00 : f32
        %max3A_680 = vector.broadcast %max3A_679 : f32 to vector<16xf32>
        %max3A_681 = arith.maximumf %sub3A_678, %max3A_680 : vector<16xf32>
        %mul3A_682 = arith.mulf %max3A_675, %max3A_681 : vector<16xf32>
        %sub3A_683 = arith.subf %add3A_662, %sub3A_648 : vector<16xf32>
        %sub3A_684 = arith.subf %add3A_669, %sub3A_655 : vector<16xf32>
        %mul3A_685 = arith.mulf %sub3A_683, %sub3A_684 : vector<16xf32>
        %sub3A_686 = arith.subf %add3A_585, %sub3A_571 : vector<16xf32>
        %sub3A_687 = arith.subf %add3A_592, %sub3A_578 : vector<16xf32>
        %mul3A_688 = arith.mulf %sub3A_686, %sub3A_687 : vector<16xf32>
        %add3A_689 = arith.addf %mul3A_685, %mul3A_688 : vector<16xf32>
        %sub3A_690 = arith.subf %add3A_689, %mul3A_682 : vector<16xf32>
        %div3A_691 = arith.divf %mul3A_682, %sub3A_690 : vector<16xf32>
        %gt3A_692 = arith.cmpf ogt, %div3A_691, %div3A_641 : vector<16xf32>
        %max3A_693 = arith.maximumf %div3A_641, %div3A_691 : vector<16xf32>
        %select_n3A_694 = arith.select %gt3A_692, %get3A_514, %get3A_489 : vector<16xi1>, vector<16xf32>
        %select_n3A_695 = arith.select %gt3A_692, %get3A_519, %get3A_494 : vector<16xi1>, vector<16xf32>
        %select_n3A_696 = arith.select %gt3A_692, %get3A_524, %get3A_499 : vector<16xi1>, vector<16xf32>
        %select_n3A_697 = arith.select %gt3A_692, %get3A_529, %get3A_504 : vector<16xi1>, vector<16xf32>
        %select_n3A_698 = arith.select %gt3A_692, %get3A_534, %get3A_509 : vector<16xi1>, vector<16xf32>
        %select_n3A_699 = arith.select %gt3A_692, %get3A_509, %get3A_534 : vector<16xi1>, vector<16xf32>
        %get3A_700 = arith.constant 5 : i32
        %get3A_701 = arith.index_cast %select_n3A_188 : i32 to index
        %get3A_702 = arith.index_cast %get3A_700 : i32 to index
        %get3A_703 = arith.index_cast %mul3A_206 : i32 to index
        %get3A_704 = tpu.vector_load %arg6[%get3A_701, %get3A_702, %get3A_703] {strides = array<i32>} : memref<2x30x256xf32, #tpu.memory_space<vmem>>, vector<16xf32>,
        %select_n3A_705 = arith.select %gt3A_692, %get3A_704, %get3A_539 : vector<16xi1>, vector<16xf32>
        %get3A_706 = arith.constant 6 : i32
        %get3A_707 = arith.index_cast %select_n3A_188 : i32 to index
        %get3A_708 = arith.index_cast %get3A_706 : i32 to index
        %get3A_709 = arith.index_cast %mul3A_206 : i32 to index
        %get3A_710 = tpu.vector_load %arg6[%get3A_707, %get3A_708, %get3A_709] {strides = array<i32>} : memref<2x30x256xf32, #tpu.memory_space<vmem>>, vector<16xf32>,
        %select_n3A_711 = arith.select %gt3A_692, %get3A_710, %get3A_544 : vector<16xi1>, vector<16xf32>
        %get3A_712 = arith.constant 7 : i32
        %get3A_713 = arith.index_cast %select_n3A_188 : i32 to index
        %get3A_714 = arith.index_cast %get3A_712 : i32 to index
        %get3A_715 = arith.index_cast %mul3A_206 : i32 to index
        %get3A_716 = tpu.vector_load %arg6[%get3A_713, %get3A_714, %get3A_715] {strides = array<i32>} : memref<2x30x256xf32, #tpu.memory_space<vmem>>, vector<16xf32>,
        %select_n3A_717 = arith.select %gt3A_692, %get3A_716, %get3A_549 : vector<16xi1>, vector<16xf32>
        %get3A_718 = arith.constant 8 : i32
        %get3A_719 = arith.index_cast %select_n3A_188 : i32 to index
        %get3A_720 = arith.index_cast %get3A_718 : i32 to index
        %get3A_721 = arith.index_cast %mul3A_206 : i32 to index
        %get3A_722 = tpu.vector_load %arg6[%get3A_719, %get3A_720, %get3A_721] {strides = array<i32>} : memref<2x30x256xf32, #tpu.memory_space<vmem>>, vector<16xf32>,
        %select_n3A_723 = arith.select %gt3A_692, %get3A_722, %get3A_554 : vector<16xi1>, vector<16xf32>
        %sub3A_724 = arith.subf %select_n3A_698, %max3A_693 : vector<16xf32>
        %mul3A_725 = arith.mulf %sub3A_724, %sub3A_724 : vector<16xf32>
        %sub3A_726 = arith.subf %select_n3A_694, %select_n3A_705 : vector<16xf32>
        %sub3A_727 = arith.subf %select_n3A_695, %select_n3A_711 : vector<16xf32>
        %mul3A_728 = arith.mulf %sub3A_726, %sub3A_726 : vector<16xf32>
        %mul3A_729 = arith.mulf %sub3A_727, %sub3A_727 : vector<16xf32>
        %add3A_730 = arith.addf %mul3A_728, %mul3A_729 : vector<16xf32>
        %bitcast3A = vector.bitcast %select_n3A_696 : vector<16xf32> to vector<16xi32>
        %shift_right_arithmetic3A = arith.constant 1 : i32
        %shift_right_arithmetic3A_731 = vector.broadcast %shift_right_arithmetic3A : i32 to vector<16xi32>
        %shift_right_arithmetic3A_732 = arith.shrsi %bitcast3A, %shift_right_arithmetic3A_731 : vector<16xi32>
        %add3A_733 = arith.constant 532487669 : i32
        %add3A_734 = vector.broadcast %add3A_733 : i32 to vector<16xi32>
        %add3A_735 = arith.addi %shift_right_arithmetic3A_732, %add3A_734 : vector<16xi32>
        %bitcast3A_736 = vector.bitcast %add3A_735 : vector<16xi32> to vector<16xf32>
        %div3A_737 = arith.divf %select_n3A_696, %bitcast3A_736 : vector<16xf32>
        %add3A_738 = arith.addf %bitcast3A_736, %div3A_737 : vector<16xf32>
        %mul3A_739 = arith.constant 5.000000e-01 : f32
        %mul3A_740 = vector.broadcast %mul3A_739 : f32 to vector<16xf32>
        %mul3A_741 = arith.mulf %mul3A_740, %add3A_738 : vector<16xf32>
        %div3A_742 = arith.divf %select_n3A_696, %mul3A_741 : vector<16xf32>
        %add3A_743 = arith.addf %mul3A_741, %div3A_742 : vector<16xf32>
        %mul3A_744 = arith.constant 5.000000e-01 : f32
        %mul3A_745 = vector.broadcast %mul3A_744 : f32 to vector<16xf32>
        %mul3A_746 = arith.mulf %mul3A_745, %add3A_743 : vector<16xf32>
        %bitcast3A_747 = vector.bitcast %select_n3A_717 : vector<16xf32> to vector<16xi32>
        %shift_right_arithmetic3A_748 = arith.constant 1 : i32
        %shift_right_arithmetic3A_749 = vector.broadcast %shift_right_arithmetic3A_748 : i32 to vector<16xi32>
        %shift_right_arithmetic3A_750 = arith.shrsi %bitcast3A_747, %shift_right_arithmetic3A_749 : vector<16xi32>
        %add3A_751 = arith.constant 532487669 : i32
        %add3A_752 = vector.broadcast %add3A_751 : i32 to vector<16xi32>
        %add3A_753 = arith.addi %shift_right_arithmetic3A_750, %add3A_752 : vector<16xi32>
        %bitcast3A_754 = vector.bitcast %add3A_753 : vector<16xi32> to vector<16xf32>
        %div3A_755 = arith.divf %select_n3A_717, %bitcast3A_754 : vector<16xf32>
        %add3A_756 = arith.addf %bitcast3A_754, %div3A_755 : vector<16xf32>
        %mul3A_757 = arith.constant 5.000000e-01 : f32
        %mul3A_758 = vector.broadcast %mul3A_757 : f32 to vector<16xf32>
        %mul3A_759 = arith.mulf %mul3A_758, %add3A_756 : vector<16xf32>
        %div3A_760 = arith.divf %select_n3A_717, %mul3A_759 : vector<16xf32>
        %add3A_761 = arith.addf %mul3A_759, %div3A_760 : vector<16xf32>
        %mul3A_762 = arith.constant 5.000000e-01 : f32
        %mul3A_763 = vector.broadcast %mul3A_762 : f32 to vector<16xf32>
        %mul3A_764 = arith.mulf %mul3A_763, %add3A_761 : vector<16xf32>
        %sub3A_765 = arith.subf %mul3A_746, %mul3A_764 : vector<16xf32>
        %bitcast3A_766 = vector.bitcast %select_n3A_697 : vector<16xf32> to vector<16xi32>
        %shift_right_arithmetic3A_767 = arith.constant 1 : i32
        %shift_right_arithmetic3A_768 = vector.broadcast %shift_right_arithmetic3A_767 : i32 to vector<16xi32>
        %shift_right_arithmetic3A_769 = arith.shrsi %bitcast3A_766, %shift_right_arithmetic3A_768 : vector<16xi32>
        %add3A_770 = arith.constant 532487669 : i32
        %add3A_771 = vector.broadcast %add3A_770 : i32 to vector<16xi32>
        %add3A_772 = arith.addi %shift_right_arithmetic3A_769, %add3A_771 : vector<16xi32>
        %bitcast3A_773 = vector.bitcast %add3A_772 : vector<16xi32> to vector<16xf32>
        %div3A_774 = arith.divf %select_n3A_697, %bitcast3A_773 : vector<16xf32>
        %add3A_775 = arith.addf %bitcast3A_773, %div3A_774 : vector<16xf32>
        %mul3A_776 = arith.constant 5.000000e-01 : f32
        %mul3A_777 = vector.broadcast %mul3A_776 : f32 to vector<16xf32>
        %mul3A_778 = arith.mulf %mul3A_777, %add3A_775 : vector<16xf32>
        %div3A_779 = arith.divf %select_n3A_697, %mul3A_778 : vector<16xf32>
        %add3A_780 = arith.addf %mul3A_778, %div3A_779 : vector<16xf32>
        %mul3A_781 = arith.constant 5.000000e-01 : f32
        %mul3A_782 = vector.broadcast %mul3A_781 : f32 to vector<16xf32>
        %mul3A_783 = arith.mulf %mul3A_782, %add3A_780 : vector<16xf32>
        %bitcast3A_784 = vector.bitcast %select_n3A_723 : vector<16xf32> to vector<16xi32>
        %shift_right_arithmetic3A_785 = arith.constant 1 : i32
        %shift_right_arithmetic3A_786 = vector.broadcast %shift_right_arithmetic3A_785 : i32 to vector<16xi32>
        %shift_right_arithmetic3A_787 = arith.shrsi %bitcast3A_784, %shift_right_arithmetic3A_786 : vector<16xi32>
        %add3A_788 = arith.constant 532487669 : i32
        %add3A_789 = vector.broadcast %add3A_788 : i32 to vector<16xi32>
        %add3A_790 = arith.addi %shift_right_arithmetic3A_787, %add3A_789 : vector<16xi32>
        %bitcast3A_791 = vector.bitcast %add3A_790 : vector<16xi32> to vector<16xf32>
        %div3A_792 = arith.divf %select_n3A_723, %bitcast3A_791 : vector<16xf32>
        %add3A_793 = arith.addf %bitcast3A_791, %div3A_792 : vector<16xf32>
        %mul3A_794 = arith.constant 5.000000e-01 : f32
        %mul3A_795 = vector.broadcast %mul3A_794 : f32 to vector<16xf32>
        %mul3A_796 = arith.mulf %mul3A_795, %add3A_793 : vector<16xf32>
        %div3A_797 = arith.divf %select_n3A_723, %mul3A_796 : vector<16xf32>
        %add3A_798 = arith.addf %mul3A_796, %div3A_797 : vector<16xf32>
        %mul3A_799 = arith.constant 5.000000e-01 : f32
        %mul3A_800 = vector.broadcast %mul3A_799 : f32 to vector<16xf32>
        %mul3A_801 = arith.mulf %mul3A_800, %add3A_798 : vector<16xf32>
        %sub3A_802 = arith.subf %mul3A_783, %mul3A_801 : vector<16xf32>
        %mul3A_803 = arith.mulf %sub3A_765, %sub3A_765 : vector<16xf32>
        %mul3A_804 = arith.mulf %sub3A_802, %sub3A_802 : vector<16xf32>
        %add3A_805 = arith.addf %mul3A_803, %mul3A_804 : vector<16xf32>
        %add3A_806 = arith.addf %add3A_730, %add3A_805 : vector<16xf32>
        %mul3A_807 = arith.constant 5.000000e+00 : f32
        %mul3A_808 = vector.broadcast %mul3A_807 : f32 to vector<16xf32>
        %mul3A_809 = arith.mulf %mul3A_808, %add3A_806 : vector<16xf32>
        %mul3A_810 = arith.constant 2.000000e+00 : f32
        %mul3A_811 = vector.broadcast %mul3A_810 : f32 to vector<16xf32>
        %mul3A_812 = arith.mulf %mul3A_811, %mul3A_725 : vector<16xf32>
        %add3A_813 = arith.addf %mul3A_809, %mul3A_812 : vector<16xf32>
        %mul3A_814 = arith.mulf %select_n3A_699, %select_n3A_699 : vector<16xf32>
        %add3A_815 = arith.addf %add3A_813, %mul3A_814 : vector<16xf32>
        %add3A_816 = arith.addf %add3A_815, %add3A_484 : vector<16xf32>
        %mul3A_817 = arith.mulf %select_n3A_217, %add3A_816 : vector<16xf32>
        %mul3A_818 = arith.constant 5.000000e-01 : f32
        %mul3A_819 = vector.broadcast %mul3A_818 : f32 to vector<16xf32>
        %mul3A_820 = arith.mulf %mul3A_819, %select_n3A_225 : vector<16xf32>
        %mul3A_821 = arith.mulf %mul3A_820, %add3A_564 : vector<16xf32>
        %add3A_822 = arith.addf %mul3A_817, %mul3A_821 : vector<16xf32>
        %add3A_823 = arith.addf %scan3A_164, %add3A_822 : vector<16xf32>
        scf.yield %add3A_823 : vector<16xf32>
      }
      %scan3A_160 = arith.constant 32 : i32
      %swap3A_161 = arith.constant 0 : index
      %swap3A_162 = tpu.vector_load %arg9[%swap3A_161] {strides = array<i32>} : memref<16xf32, #tpu.memory_space<vmem>>, vector<16xf32>,
      tpu.vector_store %arg9[%swap3A_161], %scan3A_159 {strides = array<i32>} : memref<16xf32, #tpu.memory_space<vmem>>, vector<16xf32>,
    } else {
    }
    %dma_wait3A_131 = arith.constant 0 : i32
    %dma_wait3A_132 = arith.constant 0 : i32
    %dma_wait3A_133 = tpu.memref_slice %arg2[%select_n3A_76, %mul3A_94, %dma_wait3A_131, %dma_wait3A_132] : memref<14x14x30x256xf32, #tpu.memory_space<hbm>> -> memref<1x2x30x256xf32, #tpu.memory_space<hbm>>
    %dma_wait3A_134 = tpu.memref_squeeze %dma_wait3A_133 : memref<1x2x30x256xf32, #tpu.memory_space<hbm>> -> memref<2x30x256xf32, #tpu.memory_space<hbm>>
    %dma_wait3A_135 = arith.constant 0 : i32
    %dma_wait3A_136 = arith.constant 0 : i32
    %dma_wait3A_137 = tpu.memref_slice %arg2[%select_n3A_76, %mul3A_94, %dma_wait3A_135, %dma_wait3A_136] : memref<14x14x30x256xf32, #tpu.memory_space<hbm>> -> memref<1x2x30x256xf32, #tpu.memory_space<hbm>>
    %dma_wait3A_138 = tpu.memref_squeeze %dma_wait3A_137 : memref<1x2x30x256xf32, #tpu.memory_space<hbm>> -> memref<2x30x256xf32, #tpu.memory_space<hbm>>
    tpu.wait_dma2 semaphore(%arg12 : memref<!tpu.dma_semaphore, #tpu.memory_space<semaphore_mem>>) src(%dma_wait3A_138 : memref<2x30x256xf32, #tpu.memory_space<hbm>>) dst(%arg7 : memref<2x30x256xf32, #tpu.memory_space<vmem>>)
    %dma_wait3A_139 = arith.constant 0 : i32
    %dma_wait3A_140 = arith.constant 0 : i32
    %dma_wait3A_141 = tpu.memref_slice %arg3[%select_n3A_76, %mul3A_94, %dma_wait3A_139, %dma_wait3A_140] : memref<14x14x30x256xf32, #tpu.memory_space<hbm>> -> memref<1x2x30x256xf32, #tpu.memory_space<hbm>>
    %dma_wait3A_142 = tpu.memref_squeeze %dma_wait3A_141 : memref<1x2x30x256xf32, #tpu.memory_space<hbm>> -> memref<2x30x256xf32, #tpu.memory_space<hbm>>
    %dma_wait3A_143 = arith.constant 0 : i32
    %dma_wait3A_144 = arith.constant 0 : i32
    %dma_wait3A_145 = tpu.memref_slice %arg3[%select_n3A_76, %mul3A_94, %dma_wait3A_143, %dma_wait3A_144] : memref<14x14x30x256xf32, #tpu.memory_space<hbm>> -> memref<1x2x30x256xf32, #tpu.memory_space<hbm>>
    %dma_wait3A_146 = tpu.memref_squeeze %dma_wait3A_145 : memref<1x2x30x256xf32, #tpu.memory_space<hbm>> -> memref<2x30x256xf32, #tpu.memory_space<hbm>>
    tpu.wait_dma2 semaphore(%arg13 : memref<!tpu.dma_semaphore, #tpu.memory_space<semaphore_mem>>) src(%dma_wait3A_146 : memref<2x30x256xf32, #tpu.memory_space<hbm>>) dst(%arg8 : memref<2x30x256xf32, #tpu.memory_space<vmem>>)
    %add3A_147 = arith.constant 32 : i32
    %add3A_148 = arith.addi %add3A, %add3A_147 : i32
    %lt3A_149 = arith.constant 56 : i32
    %lt3A_150 = arith.cmpi slt, %add3A_148, %lt3A_149 : i32
    %convert_element_type3A_151 = arith.extui %lt3A_150 : i1 to i32
    %cond3A_152 = arith.constant 0 : i32
    %cond3A_153 = arith.cmpi ne, %convert_element_type3A_151, %cond3A_152 : i32
    scf.if %cond3A_153 {
      %get3A = arith.constant 0 : index
      %get3A_154 = tpu.vector_load %arg9[%get3A] {strides = array<i32>} : memref<16xf32, #tpu.memory_space<vmem>>, vector<16xf32>,
      %broadcast_in_dim3A_155 = arith.constant 0.000000e+00 : f32
      %broadcast_in_dim3A_156 = vector.broadcast %broadcast_in_dim3A_155 : f32 to vector<16xf32>
      %scan3A = arith.constant 0 : i32
      %scan3A_157 = arith.constant 32 : i32
      %scan3A_158 = arith.addi %scan3A, %scan3A_157 : i32
      %scan3A_159 = arith.constant 1 : i32
      %scan3A_160 = scf.for %scan3A_165 = %scan3A to %scan3A_158 step %scan3A_159 iter_args(%scan3A_166 = %broadcast_in_dim3A_156) -> (vector<16xf32>)  : i32 {
        %jit3A_167 = arith.constant 16 : i32
        %div3A_168 = arith.divsi %scan3A_165, %jit3A_167 : i32
        %sign3A_169 = arith.constant 0 : i32
        %sign3A_170 = arith.cmpi sgt, %scan3A_165, %sign3A_169 : i32
        %sign3A_171 = arith.extui %sign3A_170 : i1 to i32
        %sign3A_172 = arith.constant 0 : i32
        %sign3A_173 = arith.cmpi slt, %scan3A_165, %sign3A_172 : i32
        %sign3A_174 = arith.extui %sign3A_173 : i1 to i32
        %sign3A_175 = arith.subi %sign3A_171, %sign3A_174 : i32
        %sign3A_176 = arith.constant 0 : i32
        %sign3A_177 = arith.cmpi sgt, %jit3A_167, %sign3A_176 : i32
        %sign3A_178 = arith.extui %sign3A_177 : i1 to i32
        %sign3A_179 = arith.constant 0 : i32
        %sign3A_180 = arith.cmpi slt, %jit3A_167, %sign3A_179 : i32
        %sign3A_181 = arith.extui %sign3A_180 : i1 to i32
        %sign3A_182 = arith.subi %sign3A_178, %sign3A_181 : i32
        %ne3A_183 = arith.cmpi ne, %sign3A_175, %sign3A_182 : i32
        %rem3A_184 = arith.remsi %scan3A_165, %jit3A_167 : i32
        %ne3A_185 = arith.constant 0 : i32
        %ne3A_186 = arith.cmpi ne, %rem3A_184, %ne3A_185 : i32
        %and3A_187 = arith.andi %ne3A_183, %ne3A_186 : i1
        %sub3A_188 = arith.constant 1 : i32
        %sub3A_189 = arith.subi %div3A_168, %sub3A_188 : i32
        %select_n3A_190 = arith.select %and3A_187, %sub3A_189, %div3A_168 : i32
        %jit3A_191 = arith.constant 16 : i32
        %eq3A_192 = arith.constant 0 : i32
        %eq3A_193 = arith.cmpi eq, %jit3A_191, %eq3A_192 : i32
        %jit3A_194 = arith.constant 1 : i32
        %select_n3A_195 = arith.select %eq3A_193, %jit3A_194, %jit3A_191 : i32
        %rem3A_196 = arith.remsi %scan3A_165, %select_n3A_195 : i32
        %ne3A_197 = arith.constant 0 : i32
        %ne3A_198 = arith.cmpi ne, %rem3A_196, %ne3A_197 : i32
        %lt3A_199 = arith.constant 0 : i32
        %lt3A_200 = arith.cmpi slt, %rem3A_196, %lt3A_199 : i32
        %lt3A_201 = arith.constant 0 : i32
        %lt3A_202 = arith.cmpi slt, %select_n3A_195, %lt3A_201 : i32
        %ne3A_203 = arith.xori %lt3A_200, %lt3A_202 : i1
        %and3A_204 = arith.andi %ne3A_203, %ne3A_198 : i1
        %add3A_205 = arith.addi %rem3A_196, %select_n3A_195 : i32
        %select_n3A_206 = arith.select %and3A_204, %add3A_205, %rem3A_196 : i32
        %mul3A_207 = arith.constant 16 : i32
        %mul3A_208 = arith.muli %select_n3A_206, %mul3A_207 : i32
        %get3A_209 = arith.constant 4 : i32
        %get3A_210 = arith.index_cast %select_n3A_190 : i32 to index
        %get3A_211 = arith.index_cast %get3A_209 : i32 to index
        %get3A_212 = arith.index_cast %mul3A_208 : i32 to index
        %get3A_213 = tpu.vector_load %arg8[%get3A_210, %get3A_211, %get3A_212] {strides = array<i32>} : memref<2x30x256xf32, #tpu.memory_space<vmem>>, vector<16xf32>,
        %gt3A = arith.constant 0.000000e+00 : f32
        %gt3A_214 = vector.broadcast %gt3A : f32 to vector<16xf32>
        %gt3A_215 = arith.cmpf ogt, %get3A_213, %gt3A_214 : vector<16xf32>
        %jit3A_216 = arith.constant 1.000000e+00 : f32
        %jit3A_217 = arith.constant 0.000000e+00 : f32
        %broadcast_in_dim3A_218 = vector.broadcast %jit3A_216 : f32 to vector<16xf32>
        %broadcast_in_dim3A_219 = vector.broadcast %jit3A_217 : f32 to vector<16xf32>
        %select_n3A_220 = arith.select %gt3A_215, %broadcast_in_dim3A_218, %broadcast_in_dim3A_219 : vector<16xi1>, vector<16xf32>
        %eq3A_221 = arith.constant 0.000000e+00 : f32
        %eq3A_222 = vector.broadcast %eq3A_221 : f32 to vector<16xf32>
        %eq3A_223 = arith.cmpf oeq, %get3A_213, %eq3A_222 : vector<16xf32>
        %jit3A_224 = arith.constant 1.000000e+00 : f32
        %jit3A_225 = arith.constant 0.000000e+00 : f32
        %broadcast_in_dim3A_226 = vector.broadcast %jit3A_224 : f32 to vector<16xf32>
        %broadcast_in_dim3A_227 = vector.broadcast %jit3A_225 : f32 to vector<16xf32>
        %select_n3A_228 = arith.select %eq3A_223, %broadcast_in_dim3A_226, %broadcast_in_dim3A_227 : vector<16xi1>, vector<16xf32>
        %get3A_229 = arith.constant 10 : i32
        %get3A_230 = arith.index_cast %select_n3A_190 : i32 to index
        %get3A_231 = arith.index_cast %get3A_229 : i32 to index
        %get3A_232 = arith.index_cast %mul3A_208 : i32 to index
        %get3A_233 = tpu.vector_load %arg7[%get3A_230, %get3A_231, %get3A_232] {strides = array<i32>} : memref<2x30x256xf32, #tpu.memory_space<vmem>>, vector<16xf32>,
        %get3A_234 = arith.constant 10 : i32
        %get3A_235 = arith.index_cast %select_n3A_190 : i32 to index
        %get3A_236 = arith.index_cast %get3A_234 : i32 to index
        %get3A_237 = arith.index_cast %mul3A_208 : i32 to index
        %get3A_238 = tpu.vector_load %arg8[%get3A_235, %get3A_236, %get3A_237] {strides = array<i32>} : memref<2x30x256xf32, #tpu.memory_space<vmem>>, vector<16xf32>,
        %sub3A_239 = arith.subf %get3A_233, %get3A_238 : vector<16xf32>
        %mul3A_240 = arith.mulf %sub3A_239, %sub3A_239 : vector<16xf32>
        %get3A_241 = arith.constant 11 : i32
        %get3A_242 = arith.index_cast %select_n3A_190 : i32 to index
        %get3A_243 = arith.index_cast %get3A_241 : i32 to index
        %get3A_244 = arith.index_cast %mul3A_208 : i32 to index
        %get3A_245 = tpu.vector_load %arg7[%get3A_242, %get3A_243, %get3A_244] {strides = array<i32>} : memref<2x30x256xf32, #tpu.memory_space<vmem>>, vector<16xf32>,
        %get3A_246 = arith.constant 11 : i32
        %get3A_247 = arith.index_cast %select_n3A_190 : i32 to index
        %get3A_248 = arith.index_cast %get3A_246 : i32 to index
        %get3A_249 = arith.index_cast %mul3A_208 : i32 to index
        %get3A_250 = tpu.vector_load %arg8[%get3A_247, %get3A_248, %get3A_249] {strides = array<i32>} : memref<2x30x256xf32, #tpu.memory_space<vmem>>, vector<16xf32>,
        %sub3A_251 = arith.subf %get3A_245, %get3A_250 : vector<16xf32>
        %mul3A_252 = arith.mulf %sub3A_251, %sub3A_251 : vector<16xf32>
        %add3A_253 = arith.addf %mul3A_240, %mul3A_252 : vector<16xf32>
        %get3A_254 = arith.constant 12 : i32
        %get3A_255 = arith.index_cast %select_n3A_190 : i32 to index
        %get3A_256 = arith.index_cast %get3A_254 : i32 to index
        %get3A_257 = arith.index_cast %mul3A_208 : i32 to index
        %get3A_258 = tpu.vector_load %arg7[%get3A_255, %get3A_256, %get3A_257] {strides = array<i32>} : memref<2x30x256xf32, #tpu.memory_space<vmem>>, vector<16xf32>,
        %get3A_259 = arith.constant 12 : i32
        %get3A_260 = arith.index_cast %select_n3A_190 : i32 to index
        %get3A_261 = arith.index_cast %get3A_259 : i32 to index
        %get3A_262 = arith.index_cast %mul3A_208 : i32 to index
        %get3A_263 = tpu.vector_load %arg8[%get3A_260, %get3A_261, %get3A_262] {strides = array<i32>} : memref<2x30x256xf32, #tpu.memory_space<vmem>>, vector<16xf32>,
        %sub3A_264 = arith.subf %get3A_258, %get3A_263 : vector<16xf32>
        %mul3A_265 = arith.mulf %sub3A_264, %sub3A_264 : vector<16xf32>
        %add3A_266 = arith.addf %add3A_253, %mul3A_265 : vector<16xf32>
        %get3A_267 = arith.constant 13 : i32
        %get3A_268 = arith.index_cast %select_n3A_190 : i32 to index
        %get3A_269 = arith.index_cast %get3A_267 : i32 to index
        %get3A_270 = arith.index_cast %mul3A_208 : i32 to index
        %get3A_271 = tpu.vector_load %arg7[%get3A_268, %get3A_269, %get3A_270] {strides = array<i32>} : memref<2x30x256xf32, #tpu.memory_space<vmem>>, vector<16xf32>,
        %get3A_272 = arith.constant 13 : i32
        %get3A_273 = arith.index_cast %select_n3A_190 : i32 to index
        %get3A_274 = arith.index_cast %get3A_272 : i32 to index
        %get3A_275 = arith.index_cast %mul3A_208 : i32 to index
        %get3A_276 = tpu.vector_load %arg8[%get3A_273, %get3A_274, %get3A_275] {strides = array<i32>} : memref<2x30x256xf32, #tpu.memory_space<vmem>>, vector<16xf32>,
        %sub3A_277 = arith.subf %get3A_271, %get3A_276 : vector<16xf32>
        %mul3A_278 = arith.mulf %sub3A_277, %sub3A_277 : vector<16xf32>
        %add3A_279 = arith.addf %add3A_266, %mul3A_278 : vector<16xf32>
        %get3A_280 = arith.constant 14 : i32
        %get3A_281 = arith.index_cast %select_n3A_190 : i32 to index
        %get3A_282 = arith.index_cast %get3A_280 : i32 to index
        %get3A_283 = arith.index_cast %mul3A_208 : i32 to index
        %get3A_284 = tpu.vector_load %arg7[%get3A_281, %get3A_282, %get3A_283] {strides = array<i32>} : memref<2x30x256xf32, #tpu.memory_space<vmem>>, vector<16xf32>,
        %get3A_285 = arith.constant 14 : i32
        %get3A_286 = arith.index_cast %select_n3A_190 : i32 to index
        %get3A_287 = arith.index_cast %get3A_285 : i32 to index
        %get3A_288 = arith.index_cast %mul3A_208 : i32 to index
        %get3A_289 = tpu.vector_load %arg8[%get3A_286, %get3A_287, %get3A_288] {strides = array<i32>} : memref<2x30x256xf32, #tpu.memory_space<vmem>>, vector<16xf32>,
        %sub3A_290 = arith.subf %get3A_284, %get3A_289 : vector<16xf32>
        %mul3A_291 = arith.mulf %sub3A_290, %sub3A_290 : vector<16xf32>
        %add3A_292 = arith.addf %add3A_279, %mul3A_291 : vector<16xf32>
        %get3A_293 = arith.constant 15 : i32
        %get3A_294 = arith.index_cast %select_n3A_190 : i32 to index
        %get3A_295 = arith.index_cast %get3A_293 : i32 to index
        %get3A_296 = arith.index_cast %mul3A_208 : i32 to index
        %get3A_297 = tpu.vector_load %arg7[%get3A_294, %get3A_295, %get3A_296] {strides = array<i32>} : memref<2x30x256xf32, #tpu.memory_space<vmem>>, vector<16xf32>,
        %get3A_298 = arith.constant 15 : i32
        %get3A_299 = arith.index_cast %select_n3A_190 : i32 to index
        %get3A_300 = arith.index_cast %get3A_298 : i32 to index
        %get3A_301 = arith.index_cast %mul3A_208 : i32 to index
        %get3A_302 = tpu.vector_load %arg8[%get3A_299, %get3A_300, %get3A_301] {strides = array<i32>} : memref<2x30x256xf32, #tpu.memory_space<vmem>>, vector<16xf32>,
        %sub3A_303 = arith.subf %get3A_297, %get3A_302 : vector<16xf32>
        %mul3A_304 = arith.mulf %sub3A_303, %sub3A_303 : vector<16xf32>
        %add3A_305 = arith.addf %add3A_292, %mul3A_304 : vector<16xf32>
        %get3A_306 = arith.constant 16 : i32
        %get3A_307 = arith.index_cast %select_n3A_190 : i32 to index
        %get3A_308 = arith.index_cast %get3A_306 : i32 to index
        %get3A_309 = arith.index_cast %mul3A_208 : i32 to index
        %get3A_310 = tpu.vector_load %arg7[%get3A_307, %get3A_308, %get3A_309] {strides = array<i32>} : memref<2x30x256xf32, #tpu.memory_space<vmem>>, vector<16xf32>,
        %get3A_311 = arith.constant 16 : i32
        %get3A_312 = arith.index_cast %select_n3A_190 : i32 to index
        %get3A_313 = arith.index_cast %get3A_311 : i32 to index
        %get3A_314 = arith.index_cast %mul3A_208 : i32 to index
        %get3A_315 = tpu.vector_load %arg8[%get3A_312, %get3A_313, %get3A_314] {strides = array<i32>} : memref<2x30x256xf32, #tpu.memory_space<vmem>>, vector<16xf32>,
        %sub3A_316 = arith.subf %get3A_310, %get3A_315 : vector<16xf32>
        %mul3A_317 = arith.mulf %sub3A_316, %sub3A_316 : vector<16xf32>
        %add3A_318 = arith.addf %add3A_305, %mul3A_317 : vector<16xf32>
        %get3A_319 = arith.constant 17 : i32
        %get3A_320 = arith.index_cast %select_n3A_190 : i32 to index
        %get3A_321 = arith.index_cast %get3A_319 : i32 to index
        %get3A_322 = arith.index_cast %mul3A_208 : i32 to index
        %get3A_323 = tpu.vector_load %arg7[%get3A_320, %get3A_321, %get3A_322] {strides = array<i32>} : memref<2x30x256xf32, #tpu.memory_space<vmem>>, vector<16xf32>,
        %get3A_324 = arith.constant 17 : i32
        %get3A_325 = arith.index_cast %select_n3A_190 : i32 to index
        %get3A_326 = arith.index_cast %get3A_324 : i32 to index
        %get3A_327 = arith.index_cast %mul3A_208 : i32 to index
        %get3A_328 = tpu.vector_load %arg8[%get3A_325, %get3A_326, %get3A_327] {strides = array<i32>} : memref<2x30x256xf32, #tpu.memory_space<vmem>>, vector<16xf32>,
        %sub3A_329 = arith.subf %get3A_323, %get3A_328 : vector<16xf32>
        %mul3A_330 = arith.mulf %sub3A_329, %sub3A_329 : vector<16xf32>
        %add3A_331 = arith.addf %add3A_318, %mul3A_330 : vector<16xf32>
        %get3A_332 = arith.constant 18 : i32
        %get3A_333 = arith.index_cast %select_n3A_190 : i32 to index
        %get3A_334 = arith.index_cast %get3A_332 : i32 to index
        %get3A_335 = arith.index_cast %mul3A_208 : i32 to index
        %get3A_336 = tpu.vector_load %arg7[%get3A_333, %get3A_334, %get3A_335] {strides = array<i32>} : memref<2x30x256xf32, #tpu.memory_space<vmem>>, vector<16xf32>,
        %get3A_337 = arith.constant 18 : i32
        %get3A_338 = arith.index_cast %select_n3A_190 : i32 to index
        %get3A_339 = arith.index_cast %get3A_337 : i32 to index
        %get3A_340 = arith.index_cast %mul3A_208 : i32 to index
        %get3A_341 = tpu.vector_load %arg8[%get3A_338, %get3A_339, %get3A_340] {strides = array<i32>} : memref<2x30x256xf32, #tpu.memory_space<vmem>>, vector<16xf32>,
        %sub3A_342 = arith.subf %get3A_336, %get3A_341 : vector<16xf32>
        %mul3A_343 = arith.mulf %sub3A_342, %sub3A_342 : vector<16xf32>
        %add3A_344 = arith.addf %add3A_331, %mul3A_343 : vector<16xf32>
        %get3A_345 = arith.constant 19 : i32
        %get3A_346 = arith.index_cast %select_n3A_190 : i32 to index
        %get3A_347 = arith.index_cast %get3A_345 : i32 to index
        %get3A_348 = arith.index_cast %mul3A_208 : i32 to index
        %get3A_349 = tpu.vector_load %arg7[%get3A_346, %get3A_347, %get3A_348] {strides = array<i32>} : memref<2x30x256xf32, #tpu.memory_space<vmem>>, vector<16xf32>,
        %get3A_350 = arith.constant 19 : i32
        %get3A_351 = arith.index_cast %select_n3A_190 : i32 to index
        %get3A_352 = arith.index_cast %get3A_350 : i32 to index
        %get3A_353 = arith.index_cast %mul3A_208 : i32 to index
        %get3A_354 = tpu.vector_load %arg8[%get3A_351, %get3A_352, %get3A_353] {strides = array<i32>} : memref<2x30x256xf32, #tpu.memory_space<vmem>>, vector<16xf32>,
        %sub3A_355 = arith.subf %get3A_349, %get3A_354 : vector<16xf32>
        %mul3A_356 = arith.mulf %sub3A_355, %sub3A_355 : vector<16xf32>
        %add3A_357 = arith.addf %add3A_344, %mul3A_356 : vector<16xf32>
        %get3A_358 = arith.constant 20 : i32
        %get3A_359 = arith.index_cast %select_n3A_190 : i32 to index
        %get3A_360 = arith.index_cast %get3A_358 : i32 to index
        %get3A_361 = arith.index_cast %mul3A_208 : i32 to index
        %get3A_362 = tpu.vector_load %arg7[%get3A_359, %get3A_360, %get3A_361] {strides = array<i32>} : memref<2x30x256xf32, #tpu.memory_space<vmem>>, vector<16xf32>,
        %get3A_363 = arith.constant 20 : i32
        %get3A_364 = arith.index_cast %select_n3A_190 : i32 to index
        %get3A_365 = arith.index_cast %get3A_363 : i32 to index
        %get3A_366 = arith.index_cast %mul3A_208 : i32 to index
        %get3A_367 = tpu.vector_load %arg8[%get3A_364, %get3A_365, %get3A_366] {strides = array<i32>} : memref<2x30x256xf32, #tpu.memory_space<vmem>>, vector<16xf32>,
        %sub3A_368 = arith.subf %get3A_362, %get3A_367 : vector<16xf32>
        %mul3A_369 = arith.mulf %sub3A_368, %sub3A_368 : vector<16xf32>
        %add3A_370 = arith.addf %add3A_357, %mul3A_369 : vector<16xf32>
        %get3A_371 = arith.constant 21 : i32
        %get3A_372 = arith.index_cast %select_n3A_190 : i32 to index
        %get3A_373 = arith.index_cast %get3A_371 : i32 to index
        %get3A_374 = arith.index_cast %mul3A_208 : i32 to index
        %get3A_375 = tpu.vector_load %arg7[%get3A_372, %get3A_373, %get3A_374] {strides = array<i32>} : memref<2x30x256xf32, #tpu.memory_space<vmem>>, vector<16xf32>,
        %get3A_376 = arith.constant 21 : i32
        %get3A_377 = arith.index_cast %select_n3A_190 : i32 to index
        %get3A_378 = arith.index_cast %get3A_376 : i32 to index
        %get3A_379 = arith.index_cast %mul3A_208 : i32 to index
        %get3A_380 = tpu.vector_load %arg8[%get3A_377, %get3A_378, %get3A_379] {strides = array<i32>} : memref<2x30x256xf32, #tpu.memory_space<vmem>>, vector<16xf32>,
        %sub3A_381 = arith.subf %get3A_375, %get3A_380 : vector<16xf32>
        %mul3A_382 = arith.mulf %sub3A_381, %sub3A_381 : vector<16xf32>
        %add3A_383 = arith.addf %add3A_370, %mul3A_382 : vector<16xf32>
        %get3A_384 = arith.constant 22 : i32
        %get3A_385 = arith.index_cast %select_n3A_190 : i32 to index
        %get3A_386 = arith.index_cast %get3A_384 : i32 to index
        %get3A_387 = arith.index_cast %mul3A_208 : i32 to index
        %get3A_388 = tpu.vector_load %arg7[%get3A_385, %get3A_386, %get3A_387] {strides = array<i32>} : memref<2x30x256xf32, #tpu.memory_space<vmem>>, vector<16xf32>,
        %get3A_389 = arith.constant 22 : i32
        %get3A_390 = arith.index_cast %select_n3A_190 : i32 to index
        %get3A_391 = arith.index_cast %get3A_389 : i32 to index
        %get3A_392 = arith.index_cast %mul3A_208 : i32 to index
        %get3A_393 = tpu.vector_load %arg8[%get3A_390, %get3A_391, %get3A_392] {strides = array<i32>} : memref<2x30x256xf32, #tpu.memory_space<vmem>>, vector<16xf32>,
        %sub3A_394 = arith.subf %get3A_388, %get3A_393 : vector<16xf32>
        %mul3A_395 = arith.mulf %sub3A_394, %sub3A_394 : vector<16xf32>
        %add3A_396 = arith.addf %add3A_383, %mul3A_395 : vector<16xf32>
        %get3A_397 = arith.constant 23 : i32
        %get3A_398 = arith.index_cast %select_n3A_190 : i32 to index
        %get3A_399 = arith.index_cast %get3A_397 : i32 to index
        %get3A_400 = arith.index_cast %mul3A_208 : i32 to index
        %get3A_401 = tpu.vector_load %arg7[%get3A_398, %get3A_399, %get3A_400] {strides = array<i32>} : memref<2x30x256xf32, #tpu.memory_space<vmem>>, vector<16xf32>,
        %get3A_402 = arith.constant 23 : i32
        %get3A_403 = arith.index_cast %select_n3A_190 : i32 to index
        %get3A_404 = arith.index_cast %get3A_402 : i32 to index
        %get3A_405 = arith.index_cast %mul3A_208 : i32 to index
        %get3A_406 = tpu.vector_load %arg8[%get3A_403, %get3A_404, %get3A_405] {strides = array<i32>} : memref<2x30x256xf32, #tpu.memory_space<vmem>>, vector<16xf32>,
        %sub3A_407 = arith.subf %get3A_401, %get3A_406 : vector<16xf32>
        %mul3A_408 = arith.mulf %sub3A_407, %sub3A_407 : vector<16xf32>
        %add3A_409 = arith.addf %add3A_396, %mul3A_408 : vector<16xf32>
        %get3A_410 = arith.constant 24 : i32
        %get3A_411 = arith.index_cast %select_n3A_190 : i32 to index
        %get3A_412 = arith.index_cast %get3A_410 : i32 to index
        %get3A_413 = arith.index_cast %mul3A_208 : i32 to index
        %get3A_414 = tpu.vector_load %arg7[%get3A_411, %get3A_412, %get3A_413] {strides = array<i32>} : memref<2x30x256xf32, #tpu.memory_space<vmem>>, vector<16xf32>,
        %get3A_415 = arith.constant 24 : i32
        %get3A_416 = arith.index_cast %select_n3A_190 : i32 to index
        %get3A_417 = arith.index_cast %get3A_415 : i32 to index
        %get3A_418 = arith.index_cast %mul3A_208 : i32 to index
        %get3A_419 = tpu.vector_load %arg8[%get3A_416, %get3A_417, %get3A_418] {strides = array<i32>} : memref<2x30x256xf32, #tpu.memory_space<vmem>>, vector<16xf32>,
        %sub3A_420 = arith.subf %get3A_414, %get3A_419 : vector<16xf32>
        %mul3A_421 = arith.mulf %sub3A_420, %sub3A_420 : vector<16xf32>
        %add3A_422 = arith.addf %add3A_409, %mul3A_421 : vector<16xf32>
        %get3A_423 = arith.constant 25 : i32
        %get3A_424 = arith.index_cast %select_n3A_190 : i32 to index
        %get3A_425 = arith.index_cast %get3A_423 : i32 to index
        %get3A_426 = arith.index_cast %mul3A_208 : i32 to index
        %get3A_427 = tpu.vector_load %arg7[%get3A_424, %get3A_425, %get3A_426] {strides = array<i32>} : memref<2x30x256xf32, #tpu.memory_space<vmem>>, vector<16xf32>,
        %get3A_428 = arith.constant 25 : i32
        %get3A_429 = arith.index_cast %select_n3A_190 : i32 to index
        %get3A_430 = arith.index_cast %get3A_428 : i32 to index
        %get3A_431 = arith.index_cast %mul3A_208 : i32 to index
        %get3A_432 = tpu.vector_load %arg8[%get3A_429, %get3A_430, %get3A_431] {strides = array<i32>} : memref<2x30x256xf32, #tpu.memory_space<vmem>>, vector<16xf32>,
        %sub3A_433 = arith.subf %get3A_427, %get3A_432 : vector<16xf32>
        %mul3A_434 = arith.mulf %sub3A_433, %sub3A_433 : vector<16xf32>
        %add3A_435 = arith.addf %add3A_422, %mul3A_434 : vector<16xf32>
        %get3A_436 = arith.constant 26 : i32
        %get3A_437 = arith.index_cast %select_n3A_190 : i32 to index
        %get3A_438 = arith.index_cast %get3A_436 : i32 to index
        %get3A_439 = arith.index_cast %mul3A_208 : i32 to index
        %get3A_440 = tpu.vector_load %arg7[%get3A_437, %get3A_438, %get3A_439] {strides = array<i32>} : memref<2x30x256xf32, #tpu.memory_space<vmem>>, vector<16xf32>,
        %get3A_441 = arith.constant 26 : i32
        %get3A_442 = arith.index_cast %select_n3A_190 : i32 to index
        %get3A_443 = arith.index_cast %get3A_441 : i32 to index
        %get3A_444 = arith.index_cast %mul3A_208 : i32 to index
        %get3A_445 = tpu.vector_load %arg8[%get3A_442, %get3A_443, %get3A_444] {strides = array<i32>} : memref<2x30x256xf32, #tpu.memory_space<vmem>>, vector<16xf32>,
        %sub3A_446 = arith.subf %get3A_440, %get3A_445 : vector<16xf32>
        %mul3A_447 = arith.mulf %sub3A_446, %sub3A_446 : vector<16xf32>
        %add3A_448 = arith.addf %add3A_435, %mul3A_447 : vector<16xf32>
        %get3A_449 = arith.constant 27 : i32
        %get3A_450 = arith.index_cast %select_n3A_190 : i32 to index
        %get3A_451 = arith.index_cast %get3A_449 : i32 to index
        %get3A_452 = arith.index_cast %mul3A_208 : i32 to index
        %get3A_453 = tpu.vector_load %arg7[%get3A_450, %get3A_451, %get3A_452] {strides = array<i32>} : memref<2x30x256xf32, #tpu.memory_space<vmem>>, vector<16xf32>,
        %get3A_454 = arith.constant 27 : i32
        %get3A_455 = arith.index_cast %select_n3A_190 : i32 to index
        %get3A_456 = arith.index_cast %get3A_454 : i32 to index
        %get3A_457 = arith.index_cast %mul3A_208 : i32 to index
        %get3A_458 = tpu.vector_load %arg8[%get3A_455, %get3A_456, %get3A_457] {strides = array<i32>} : memref<2x30x256xf32, #tpu.memory_space<vmem>>, vector<16xf32>,
        %sub3A_459 = arith.subf %get3A_453, %get3A_458 : vector<16xf32>
        %mul3A_460 = arith.mulf %sub3A_459, %sub3A_459 : vector<16xf32>
        %add3A_461 = arith.addf %add3A_448, %mul3A_460 : vector<16xf32>
        %get3A_462 = arith.constant 28 : i32
        %get3A_463 = arith.index_cast %select_n3A_190 : i32 to index
        %get3A_464 = arith.index_cast %get3A_462 : i32 to index
        %get3A_465 = arith.index_cast %mul3A_208 : i32 to index
        %get3A_466 = tpu.vector_load %arg7[%get3A_463, %get3A_464, %get3A_465] {strides = array<i32>} : memref<2x30x256xf32, #tpu.memory_space<vmem>>, vector<16xf32>,
        %get3A_467 = arith.constant 28 : i32
        %get3A_468 = arith.index_cast %select_n3A_190 : i32 to index
        %get3A_469 = arith.index_cast %get3A_467 : i32 to index
        %get3A_470 = arith.index_cast %mul3A_208 : i32 to index
        %get3A_471 = tpu.vector_load %arg8[%get3A_468, %get3A_469, %get3A_470] {strides = array<i32>} : memref<2x30x256xf32, #tpu.memory_space<vmem>>, vector<16xf32>,
        %sub3A_472 = arith.subf %get3A_466, %get3A_471 : vector<16xf32>
        %mul3A_473 = arith.mulf %sub3A_472, %sub3A_472 : vector<16xf32>
        %add3A_474 = arith.addf %add3A_461, %mul3A_473 : vector<16xf32>
        %get3A_475 = arith.constant 29 : i32
        %get3A_476 = arith.index_cast %select_n3A_190 : i32 to index
        %get3A_477 = arith.index_cast %get3A_475 : i32 to index
        %get3A_478 = arith.index_cast %mul3A_208 : i32 to index
        %get3A_479 = tpu.vector_load %arg7[%get3A_476, %get3A_477, %get3A_478] {strides = array<i32>} : memref<2x30x256xf32, #tpu.memory_space<vmem>>, vector<16xf32>,
        %get3A_480 = arith.constant 29 : i32
        %get3A_481 = arith.index_cast %select_n3A_190 : i32 to index
        %get3A_482 = arith.index_cast %get3A_480 : i32 to index
        %get3A_483 = arith.index_cast %mul3A_208 : i32 to index
        %get3A_484 = tpu.vector_load %arg8[%get3A_481, %get3A_482, %get3A_483] {strides = array<i32>} : memref<2x30x256xf32, #tpu.memory_space<vmem>>, vector<16xf32>,
        %sub3A_485 = arith.subf %get3A_479, %get3A_484 : vector<16xf32>
        %mul3A_486 = arith.mulf %sub3A_485, %sub3A_485 : vector<16xf32>
        %add3A_487 = arith.addf %add3A_474, %mul3A_486 : vector<16xf32>
        %get3A_488 = arith.constant 0 : i32
        %get3A_489 = arith.index_cast %select_n3A_190 : i32 to index
        %get3A_490 = arith.index_cast %get3A_488 : i32 to index
        %get3A_491 = arith.index_cast %mul3A_208 : i32 to index
        %get3A_492 = tpu.vector_load %arg7[%get3A_489, %get3A_490, %get3A_491] {strides = array<i32>} : memref<2x30x256xf32, #tpu.memory_space<vmem>>, vector<16xf32>,
        %get3A_493 = arith.constant 1 : i32
        %get3A_494 = arith.index_cast %select_n3A_190 : i32 to index
        %get3A_495 = arith.index_cast %get3A_493 : i32 to index
        %get3A_496 = arith.index_cast %mul3A_208 : i32 to index
        %get3A_497 = tpu.vector_load %arg7[%get3A_494, %get3A_495, %get3A_496] {strides = array<i32>} : memref<2x30x256xf32, #tpu.memory_space<vmem>>, vector<16xf32>,
        %get3A_498 = arith.constant 2 : i32
        %get3A_499 = arith.index_cast %select_n3A_190 : i32 to index
        %get3A_500 = arith.index_cast %get3A_498 : i32 to index
        %get3A_501 = arith.index_cast %mul3A_208 : i32 to index
        %get3A_502 = tpu.vector_load %arg7[%get3A_499, %get3A_500, %get3A_501] {strides = array<i32>} : memref<2x30x256xf32, #tpu.memory_space<vmem>>, vector<16xf32>,
        %get3A_503 = arith.constant 3 : i32
        %get3A_504 = arith.index_cast %select_n3A_190 : i32 to index
        %get3A_505 = arith.index_cast %get3A_503 : i32 to index
        %get3A_506 = arith.index_cast %mul3A_208 : i32 to index
        %get3A_507 = tpu.vector_load %arg7[%get3A_504, %get3A_505, %get3A_506] {strides = array<i32>} : memref<2x30x256xf32, #tpu.memory_space<vmem>>, vector<16xf32>,
        %get3A_508 = arith.constant 4 : i32
        %get3A_509 = arith.index_cast %select_n3A_190 : i32 to index
        %get3A_510 = arith.index_cast %get3A_508 : i32 to index
        %get3A_511 = arith.index_cast %mul3A_208 : i32 to index
        %get3A_512 = tpu.vector_load %arg7[%get3A_509, %get3A_510, %get3A_511] {strides = array<i32>} : memref<2x30x256xf32, #tpu.memory_space<vmem>>, vector<16xf32>,
        %get3A_513 = arith.constant 5 : i32
        %get3A_514 = arith.index_cast %select_n3A_190 : i32 to index
        %get3A_515 = arith.index_cast %get3A_513 : i32 to index
        %get3A_516 = arith.index_cast %mul3A_208 : i32 to index
        %get3A_517 = tpu.vector_load %arg7[%get3A_514, %get3A_515, %get3A_516] {strides = array<i32>} : memref<2x30x256xf32, #tpu.memory_space<vmem>>, vector<16xf32>,
        %get3A_518 = arith.constant 6 : i32
        %get3A_519 = arith.index_cast %select_n3A_190 : i32 to index
        %get3A_520 = arith.index_cast %get3A_518 : i32 to index
        %get3A_521 = arith.index_cast %mul3A_208 : i32 to index
        %get3A_522 = tpu.vector_load %arg7[%get3A_519, %get3A_520, %get3A_521] {strides = array<i32>} : memref<2x30x256xf32, #tpu.memory_space<vmem>>, vector<16xf32>,
        %get3A_523 = arith.constant 7 : i32
        %get3A_524 = arith.index_cast %select_n3A_190 : i32 to index
        %get3A_525 = arith.index_cast %get3A_523 : i32 to index
        %get3A_526 = arith.index_cast %mul3A_208 : i32 to index
        %get3A_527 = tpu.vector_load %arg7[%get3A_524, %get3A_525, %get3A_526] {strides = array<i32>} : memref<2x30x256xf32, #tpu.memory_space<vmem>>, vector<16xf32>,
        %get3A_528 = arith.constant 8 : i32
        %get3A_529 = arith.index_cast %select_n3A_190 : i32 to index
        %get3A_530 = arith.index_cast %get3A_528 : i32 to index
        %get3A_531 = arith.index_cast %mul3A_208 : i32 to index
        %get3A_532 = tpu.vector_load %arg7[%get3A_529, %get3A_530, %get3A_531] {strides = array<i32>} : memref<2x30x256xf32, #tpu.memory_space<vmem>>, vector<16xf32>,
        %get3A_533 = arith.constant 9 : i32
        %get3A_534 = arith.index_cast %select_n3A_190 : i32 to index
        %get3A_535 = arith.index_cast %get3A_533 : i32 to index
        %get3A_536 = arith.index_cast %mul3A_208 : i32 to index
        %get3A_537 = tpu.vector_load %arg7[%get3A_534, %get3A_535, %get3A_536] {strides = array<i32>} : memref<2x30x256xf32, #tpu.memory_space<vmem>>, vector<16xf32>,
        %get3A_538 = arith.constant 0 : i32
        %get3A_539 = arith.index_cast %select_n3A_190 : i32 to index
        %get3A_540 = arith.index_cast %get3A_538 : i32 to index
        %get3A_541 = arith.index_cast %mul3A_208 : i32 to index
        %get3A_542 = tpu.vector_load %arg8[%get3A_539, %get3A_540, %get3A_541] {strides = array<i32>} : memref<2x30x256xf32, #tpu.memory_space<vmem>>, vector<16xf32>,
        %get3A_543 = arith.constant 1 : i32
        %get3A_544 = arith.index_cast %select_n3A_190 : i32 to index
        %get3A_545 = arith.index_cast %get3A_543 : i32 to index
        %get3A_546 = arith.index_cast %mul3A_208 : i32 to index
        %get3A_547 = tpu.vector_load %arg8[%get3A_544, %get3A_545, %get3A_546] {strides = array<i32>} : memref<2x30x256xf32, #tpu.memory_space<vmem>>, vector<16xf32>,
        %get3A_548 = arith.constant 2 : i32
        %get3A_549 = arith.index_cast %select_n3A_190 : i32 to index
        %get3A_550 = arith.index_cast %get3A_548 : i32 to index
        %get3A_551 = arith.index_cast %mul3A_208 : i32 to index
        %get3A_552 = tpu.vector_load %arg8[%get3A_549, %get3A_550, %get3A_551] {strides = array<i32>} : memref<2x30x256xf32, #tpu.memory_space<vmem>>, vector<16xf32>,
        %get3A_553 = arith.constant 3 : i32
        %get3A_554 = arith.index_cast %select_n3A_190 : i32 to index
        %get3A_555 = arith.index_cast %get3A_553 : i32 to index
        %get3A_556 = arith.index_cast %mul3A_208 : i32 to index
        %get3A_557 = tpu.vector_load %arg8[%get3A_554, %get3A_555, %get3A_556] {strides = array<i32>} : memref<2x30x256xf32, #tpu.memory_space<vmem>>, vector<16xf32>,
        %sub3A_558 = arith.subf %get3A_512, %get3A_213 : vector<16xf32>
        %get3A_559 = arith.constant 9 : i32
        %get3A_560 = arith.index_cast %select_n3A_190 : i32 to index
        %get3A_561 = arith.index_cast %get3A_559 : i32 to index
        %get3A_562 = arith.index_cast %mul3A_208 : i32 to index
        %get3A_563 = tpu.vector_load %arg8[%get3A_560, %get3A_561, %get3A_562] {strides = array<i32>} : memref<2x30x256xf32, #tpu.memory_space<vmem>>, vector<16xf32>,
        %sub3A_564 = arith.subf %get3A_537, %get3A_563 : vector<16xf32>
        %mul3A_565 = arith.mulf %sub3A_558, %sub3A_558 : vector<16xf32>
        %mul3A_566 = arith.mulf %sub3A_564, %sub3A_564 : vector<16xf32>
        %add3A_567 = arith.addf %mul3A_565, %mul3A_566 : vector<16xf32>
        %mul3A_568 = arith.constant 0.0714285746 : f32
        %mul3A_569 = vector.broadcast %mul3A_568 : f32 to vector<16xf32>
        %mul3A_570 = arith.mulf %get3A_542, %mul3A_569 : vector<16xf32>
        %mul3A_571 = arith.constant 5.000000e-01 : f32
        %mul3A_572 = vector.broadcast %mul3A_571 : f32 to vector<16xf32>
        %mul3A_573 = arith.mulf %mul3A_572, %get3A_552 : vector<16xf32>
        %sub3A_574 = arith.subf %mul3A_570, %mul3A_573 : vector<16xf32>
        %mul3A_575 = arith.constant 0.0714285746 : f32
        %mul3A_576 = vector.broadcast %mul3A_575 : f32 to vector<16xf32>
        %mul3A_577 = arith.mulf %get3A_547, %mul3A_576 : vector<16xf32>
        %mul3A_578 = arith.constant 5.000000e-01 : f32
        %mul3A_579 = vector.broadcast %mul3A_578 : f32 to vector<16xf32>
        %mul3A_580 = arith.mulf %mul3A_579, %get3A_557 : vector<16xf32>
        %sub3A_581 = arith.subf %mul3A_577, %mul3A_580 : vector<16xf32>
        %mul3A_582 = arith.constant 0.0714285746 : f32
        %mul3A_583 = vector.broadcast %mul3A_582 : f32 to vector<16xf32>
        %mul3A_584 = arith.mulf %get3A_542, %mul3A_583 : vector<16xf32>
        %mul3A_585 = arith.constant 5.000000e-01 : f32
        %mul3A_586 = vector.broadcast %mul3A_585 : f32 to vector<16xf32>
        %mul3A_587 = arith.mulf %mul3A_586, %get3A_552 : vector<16xf32>
        %add3A_588 = arith.addf %mul3A_584, %mul3A_587 : vector<16xf32>
        %mul3A_589 = arith.constant 0.0714285746 : f32
        %mul3A_590 = vector.broadcast %mul3A_589 : f32 to vector<16xf32>
        %mul3A_591 = arith.mulf %get3A_547, %mul3A_590 : vector<16xf32>
        %mul3A_592 = arith.constant 5.000000e-01 : f32
        %mul3A_593 = vector.broadcast %mul3A_592 : f32 to vector<16xf32>
        %mul3A_594 = arith.mulf %mul3A_593, %get3A_557 : vector<16xf32>
        %add3A_595 = arith.addf %mul3A_591, %mul3A_594 : vector<16xf32>
        %mul3A_596 = arith.constant 0.0714285746 : f32
        %mul3A_597 = vector.broadcast %mul3A_596 : f32 to vector<16xf32>
        %mul3A_598 = arith.mulf %get3A_492, %mul3A_597 : vector<16xf32>
        %mul3A_599 = arith.constant 5.000000e-01 : f32
        %mul3A_600 = vector.broadcast %mul3A_599 : f32 to vector<16xf32>
        %mul3A_601 = arith.mulf %mul3A_600, %get3A_502 : vector<16xf32>
        %sub3A_602 = arith.subf %mul3A_598, %mul3A_601 : vector<16xf32>
        %mul3A_603 = arith.constant 0.0714285746 : f32
        %mul3A_604 = vector.broadcast %mul3A_603 : f32 to vector<16xf32>
        %mul3A_605 = arith.mulf %get3A_497, %mul3A_604 : vector<16xf32>
        %mul3A_606 = arith.constant 5.000000e-01 : f32
        %mul3A_607 = vector.broadcast %mul3A_606 : f32 to vector<16xf32>
        %mul3A_608 = arith.mulf %mul3A_607, %get3A_507 : vector<16xf32>
        %sub3A_609 = arith.subf %mul3A_605, %mul3A_608 : vector<16xf32>
        %mul3A_610 = arith.constant 0.0714285746 : f32
        %mul3A_611 = vector.broadcast %mul3A_610 : f32 to vector<16xf32>
        %mul3A_612 = arith.mulf %get3A_492, %mul3A_611 : vector<16xf32>
        %mul3A_613 = arith.constant 5.000000e-01 : f32
        %mul3A_614 = vector.broadcast %mul3A_613 : f32 to vector<16xf32>
        %mul3A_615 = arith.mulf %mul3A_614, %get3A_502 : vector<16xf32>
        %add3A_616 = arith.addf %mul3A_612, %mul3A_615 : vector<16xf32>
        %mul3A_617 = arith.constant 0.0714285746 : f32
        %mul3A_618 = vector.broadcast %mul3A_617 : f32 to vector<16xf32>
        %mul3A_619 = arith.mulf %get3A_497, %mul3A_618 : vector<16xf32>
        %mul3A_620 = arith.constant 5.000000e-01 : f32
        %mul3A_621 = vector.broadcast %mul3A_620 : f32 to vector<16xf32>
        %mul3A_622 = arith.mulf %mul3A_621, %get3A_507 : vector<16xf32>
        %add3A_623 = arith.addf %mul3A_619, %mul3A_622 : vector<16xf32>
        %min3A_624 = arith.minimumf %add3A_616, %add3A_588 : vector<16xf32>
        %max3A = arith.maximumf %sub3A_602, %sub3A_574 : vector<16xf32>
        %sub3A_625 = arith.subf %min3A_624, %max3A : vector<16xf32>
        %max3A_626 = arith.constant 0.000000e+00 : f32
        %max3A_627 = vector.broadcast %max3A_626 : f32 to vector<16xf32>
        %max3A_628 = arith.maximumf %sub3A_625, %max3A_627 : vector<16xf32>
        %min3A_629 = arith.minimumf %add3A_623, %add3A_595 : vector<16xf32>
        %max3A_630 = arith.maximumf %sub3A_609, %sub3A_581 : vector<16xf32>
        %sub3A_631 = arith.subf %min3A_629, %max3A_630 : vector<16xf32>
        %max3A_632 = arith.constant 0.000000e+00 : f32
        %max3A_633 = vector.broadcast %max3A_632 : f32 to vector<16xf32>
        %max3A_634 = arith.maximumf %sub3A_631, %max3A_633 : vector<16xf32>
        %mul3A_635 = arith.mulf %max3A_628, %max3A_634 : vector<16xf32>
        %sub3A_636 = arith.subf %add3A_616, %sub3A_602 : vector<16xf32>
        %sub3A_637 = arith.subf %add3A_623, %sub3A_609 : vector<16xf32>
        %mul3A_638 = arith.mulf %sub3A_636, %sub3A_637 : vector<16xf32>
        %sub3A_639 = arith.subf %add3A_588, %sub3A_574 : vector<16xf32>
        %sub3A_640 = arith.subf %add3A_595, %sub3A_581 : vector<16xf32>
        %mul3A_641 = arith.mulf %sub3A_639, %sub3A_640 : vector<16xf32>
        %add3A_642 = arith.addf %mul3A_638, %mul3A_641 : vector<16xf32>
        %sub3A_643 = arith.subf %add3A_642, %mul3A_635 : vector<16xf32>
        %div3A_644 = arith.divf %mul3A_635, %sub3A_643 : vector<16xf32>
        %mul3A_645 = arith.constant 0.0714285746 : f32
        %mul3A_646 = vector.broadcast %mul3A_645 : f32 to vector<16xf32>
        %mul3A_647 = arith.mulf %get3A_517, %mul3A_646 : vector<16xf32>
        %mul3A_648 = arith.constant 5.000000e-01 : f32
        %mul3A_649 = vector.broadcast %mul3A_648 : f32 to vector<16xf32>
        %mul3A_650 = arith.mulf %mul3A_649, %get3A_527 : vector<16xf32>
        %sub3A_651 = arith.subf %mul3A_647, %mul3A_650 : vector<16xf32>
        %mul3A_652 = arith.constant 0.0714285746 : f32
        %mul3A_653 = vector.broadcast %mul3A_652 : f32 to vector<16xf32>
        %mul3A_654 = arith.mulf %get3A_522, %mul3A_653 : vector<16xf32>
        %mul3A_655 = arith.constant 5.000000e-01 : f32
        %mul3A_656 = vector.broadcast %mul3A_655 : f32 to vector<16xf32>
        %mul3A_657 = arith.mulf %mul3A_656, %get3A_532 : vector<16xf32>
        %sub3A_658 = arith.subf %mul3A_654, %mul3A_657 : vector<16xf32>
        %mul3A_659 = arith.constant 0.0714285746 : f32
        %mul3A_660 = vector.broadcast %mul3A_659 : f32 to vector<16xf32>
        %mul3A_661 = arith.mulf %get3A_517, %mul3A_660 : vector<16xf32>
        %mul3A_662 = arith.constant 5.000000e-01 : f32
        %mul3A_663 = vector.broadcast %mul3A_662 : f32 to vector<16xf32>
        %mul3A_664 = arith.mulf %mul3A_663, %get3A_527 : vector<16xf32>
        %add3A_665 = arith.addf %mul3A_661, %mul3A_664 : vector<16xf32>
        %mul3A_666 = arith.constant 0.0714285746 : f32
        %mul3A_667 = vector.broadcast %mul3A_666 : f32 to vector<16xf32>
        %mul3A_668 = arith.mulf %get3A_522, %mul3A_667 : vector<16xf32>
        %mul3A_669 = arith.constant 5.000000e-01 : f32
        %mul3A_670 = vector.broadcast %mul3A_669 : f32 to vector<16xf32>
        %mul3A_671 = arith.mulf %mul3A_670, %get3A_532 : vector<16xf32>
        %add3A_672 = arith.addf %mul3A_668, %mul3A_671 : vector<16xf32>
        %min3A_673 = arith.minimumf %add3A_665, %add3A_588 : vector<16xf32>
        %max3A_674 = arith.maximumf %sub3A_651, %sub3A_574 : vector<16xf32>
        %sub3A_675 = arith.subf %min3A_673, %max3A_674 : vector<16xf32>
        %max3A_676 = arith.constant 0.000000e+00 : f32
        %max3A_677 = vector.broadcast %max3A_676 : f32 to vector<16xf32>
        %max3A_678 = arith.maximumf %sub3A_675, %max3A_677 : vector<16xf32>
        %min3A_679 = arith.minimumf %add3A_672, %add3A_595 : vector<16xf32>
        %max3A_680 = arith.maximumf %sub3A_658, %sub3A_581 : vector<16xf32>
        %sub3A_681 = arith.subf %min3A_679, %max3A_680 : vector<16xf32>
        %max3A_682 = arith.constant 0.000000e+00 : f32
        %max3A_683 = vector.broadcast %max3A_682 : f32 to vector<16xf32>
        %max3A_684 = arith.maximumf %sub3A_681, %max3A_683 : vector<16xf32>
        %mul3A_685 = arith.mulf %max3A_678, %max3A_684 : vector<16xf32>
        %sub3A_686 = arith.subf %add3A_665, %sub3A_651 : vector<16xf32>
        %sub3A_687 = arith.subf %add3A_672, %sub3A_658 : vector<16xf32>
        %mul3A_688 = arith.mulf %sub3A_686, %sub3A_687 : vector<16xf32>
        %sub3A_689 = arith.subf %add3A_588, %sub3A_574 : vector<16xf32>
        %sub3A_690 = arith.subf %add3A_595, %sub3A_581 : vector<16xf32>
        %mul3A_691 = arith.mulf %sub3A_689, %sub3A_690 : vector<16xf32>
        %add3A_692 = arith.addf %mul3A_688, %mul3A_691 : vector<16xf32>
        %sub3A_693 = arith.subf %add3A_692, %mul3A_685 : vector<16xf32>
        %div3A_694 = arith.divf %mul3A_685, %sub3A_693 : vector<16xf32>
        %gt3A_695 = arith.cmpf ogt, %div3A_694, %div3A_644 : vector<16xf32>
        %max3A_696 = arith.maximumf %div3A_644, %div3A_694 : vector<16xf32>
        %select_n3A_697 = arith.select %gt3A_695, %get3A_517, %get3A_492 : vector<16xi1>, vector<16xf32>
        %select_n3A_698 = arith.select %gt3A_695, %get3A_522, %get3A_497 : vector<16xi1>, vector<16xf32>
        %select_n3A_699 = arith.select %gt3A_695, %get3A_527, %get3A_502 : vector<16xi1>, vector<16xf32>
        %select_n3A_700 = arith.select %gt3A_695, %get3A_532, %get3A_507 : vector<16xi1>, vector<16xf32>
        %select_n3A_701 = arith.select %gt3A_695, %get3A_537, %get3A_512 : vector<16xi1>, vector<16xf32>
        %select_n3A_702 = arith.select %gt3A_695, %get3A_512, %get3A_537 : vector<16xi1>, vector<16xf32>
        %get3A_703 = arith.constant 5 : i32
        %get3A_704 = arith.index_cast %select_n3A_190 : i32 to index
        %get3A_705 = arith.index_cast %get3A_703 : i32 to index
        %get3A_706 = arith.index_cast %mul3A_208 : i32 to index
        %get3A_707 = tpu.vector_load %arg8[%get3A_704, %get3A_705, %get3A_706] {strides = array<i32>} : memref<2x30x256xf32, #tpu.memory_space<vmem>>, vector<16xf32>,
        %select_n3A_708 = arith.select %gt3A_695, %get3A_707, %get3A_542 : vector<16xi1>, vector<16xf32>
        %get3A_709 = arith.constant 6 : i32
        %get3A_710 = arith.index_cast %select_n3A_190 : i32 to index
        %get3A_711 = arith.index_cast %get3A_709 : i32 to index
        %get3A_712 = arith.index_cast %mul3A_208 : i32 to index
        %get3A_713 = tpu.vector_load %arg8[%get3A_710, %get3A_711, %get3A_712] {strides = array<i32>} : memref<2x30x256xf32, #tpu.memory_space<vmem>>, vector<16xf32>,
        %select_n3A_714 = arith.select %gt3A_695, %get3A_713, %get3A_547 : vector<16xi1>, vector<16xf32>
        %get3A_715 = arith.constant 7 : i32
        %get3A_716 = arith.index_cast %select_n3A_190 : i32 to index
        %get3A_717 = arith.index_cast %get3A_715 : i32 to index
        %get3A_718 = arith.index_cast %mul3A_208 : i32 to index
        %get3A_719 = tpu.vector_load %arg8[%get3A_716, %get3A_717, %get3A_718] {strides = array<i32>} : memref<2x30x256xf32, #tpu.memory_space<vmem>>, vector<16xf32>,
        %select_n3A_720 = arith.select %gt3A_695, %get3A_719, %get3A_552 : vector<16xi1>, vector<16xf32>
        %get3A_721 = arith.constant 8 : i32
        %get3A_722 = arith.index_cast %select_n3A_190 : i32 to index
        %get3A_723 = arith.index_cast %get3A_721 : i32 to index
        %get3A_724 = arith.index_cast %mul3A_208 : i32 to index
        %get3A_725 = tpu.vector_load %arg8[%get3A_722, %get3A_723, %get3A_724] {strides = array<i32>} : memref<2x30x256xf32, #tpu.memory_space<vmem>>, vector<16xf32>,
        %select_n3A_726 = arith.select %gt3A_695, %get3A_725, %get3A_557 : vector<16xi1>, vector<16xf32>
        %sub3A_727 = arith.subf %select_n3A_701, %max3A_696 : vector<16xf32>
        %mul3A_728 = arith.mulf %sub3A_727, %sub3A_727 : vector<16xf32>
        %sub3A_729 = arith.subf %select_n3A_697, %select_n3A_708 : vector<16xf32>
        %sub3A_730 = arith.subf %select_n3A_698, %select_n3A_714 : vector<16xf32>
        %mul3A_731 = arith.mulf %sub3A_729, %sub3A_729 : vector<16xf32>
        %mul3A_732 = arith.mulf %sub3A_730, %sub3A_730 : vector<16xf32>
        %add3A_733 = arith.addf %mul3A_731, %mul3A_732 : vector<16xf32>
        %bitcast3A = vector.bitcast %select_n3A_699 : vector<16xf32> to vector<16xi32>
        %shift_right_arithmetic3A = arith.constant 1 : i32
        %shift_right_arithmetic3A_734 = vector.broadcast %shift_right_arithmetic3A : i32 to vector<16xi32>
        %shift_right_arithmetic3A_735 = arith.shrsi %bitcast3A, %shift_right_arithmetic3A_734 : vector<16xi32>
        %add3A_736 = arith.constant 532487669 : i32
        %add3A_737 = vector.broadcast %add3A_736 : i32 to vector<16xi32>
        %add3A_738 = arith.addi %shift_right_arithmetic3A_735, %add3A_737 : vector<16xi32>
        %bitcast3A_739 = vector.bitcast %add3A_738 : vector<16xi32> to vector<16xf32>
        %div3A_740 = arith.divf %select_n3A_699, %bitcast3A_739 : vector<16xf32>
        %add3A_741 = arith.addf %bitcast3A_739, %div3A_740 : vector<16xf32>
        %mul3A_742 = arith.constant 5.000000e-01 : f32
        %mul3A_743 = vector.broadcast %mul3A_742 : f32 to vector<16xf32>
        %mul3A_744 = arith.mulf %mul3A_743, %add3A_741 : vector<16xf32>
        %div3A_745 = arith.divf %select_n3A_699, %mul3A_744 : vector<16xf32>
        %add3A_746 = arith.addf %mul3A_744, %div3A_745 : vector<16xf32>
        %mul3A_747 = arith.constant 5.000000e-01 : f32
        %mul3A_748 = vector.broadcast %mul3A_747 : f32 to vector<16xf32>
        %mul3A_749 = arith.mulf %mul3A_748, %add3A_746 : vector<16xf32>
        %bitcast3A_750 = vector.bitcast %select_n3A_720 : vector<16xf32> to vector<16xi32>
        %shift_right_arithmetic3A_751 = arith.constant 1 : i32
        %shift_right_arithmetic3A_752 = vector.broadcast %shift_right_arithmetic3A_751 : i32 to vector<16xi32>
        %shift_right_arithmetic3A_753 = arith.shrsi %bitcast3A_750, %shift_right_arithmetic3A_752 : vector<16xi32>
        %add3A_754 = arith.constant 532487669 : i32
        %add3A_755 = vector.broadcast %add3A_754 : i32 to vector<16xi32>
        %add3A_756 = arith.addi %shift_right_arithmetic3A_753, %add3A_755 : vector<16xi32>
        %bitcast3A_757 = vector.bitcast %add3A_756 : vector<16xi32> to vector<16xf32>
        %div3A_758 = arith.divf %select_n3A_720, %bitcast3A_757 : vector<16xf32>
        %add3A_759 = arith.addf %bitcast3A_757, %div3A_758 : vector<16xf32>
        %mul3A_760 = arith.constant 5.000000e-01 : f32
        %mul3A_761 = vector.broadcast %mul3A_760 : f32 to vector<16xf32>
        %mul3A_762 = arith.mulf %mul3A_761, %add3A_759 : vector<16xf32>
        %div3A_763 = arith.divf %select_n3A_720, %mul3A_762 : vector<16xf32>
        %add3A_764 = arith.addf %mul3A_762, %div3A_763 : vector<16xf32>
        %mul3A_765 = arith.constant 5.000000e-01 : f32
        %mul3A_766 = vector.broadcast %mul3A_765 : f32 to vector<16xf32>
        %mul3A_767 = arith.mulf %mul3A_766, %add3A_764 : vector<16xf32>
        %sub3A_768 = arith.subf %mul3A_749, %mul3A_767 : vector<16xf32>
        %bitcast3A_769 = vector.bitcast %select_n3A_700 : vector<16xf32> to vector<16xi32>
        %shift_right_arithmetic3A_770 = arith.constant 1 : i32
        %shift_right_arithmetic3A_771 = vector.broadcast %shift_right_arithmetic3A_770 : i32 to vector<16xi32>
        %shift_right_arithmetic3A_772 = arith.shrsi %bitcast3A_769, %shift_right_arithmetic3A_771 : vector<16xi32>
        %add3A_773 = arith.constant 532487669 : i32
        %add3A_774 = vector.broadcast %add3A_773 : i32 to vector<16xi32>
        %add3A_775 = arith.addi %shift_right_arithmetic3A_772, %add3A_774 : vector<16xi32>
        %bitcast3A_776 = vector.bitcast %add3A_775 : vector<16xi32> to vector<16xf32>
        %div3A_777 = arith.divf %select_n3A_700, %bitcast3A_776 : vector<16xf32>
        %add3A_778 = arith.addf %bitcast3A_776, %div3A_777 : vector<16xf32>
        %mul3A_779 = arith.constant 5.000000e-01 : f32
        %mul3A_780 = vector.broadcast %mul3A_779 : f32 to vector<16xf32>
        %mul3A_781 = arith.mulf %mul3A_780, %add3A_778 : vector<16xf32>
        %div3A_782 = arith.divf %select_n3A_700, %mul3A_781 : vector<16xf32>
        %add3A_783 = arith.addf %mul3A_781, %div3A_782 : vector<16xf32>
        %mul3A_784 = arith.constant 5.000000e-01 : f32
        %mul3A_785 = vector.broadcast %mul3A_784 : f32 to vector<16xf32>
        %mul3A_786 = arith.mulf %mul3A_785, %add3A_783 : vector<16xf32>
        %bitcast3A_787 = vector.bitcast %select_n3A_726 : vector<16xf32> to vector<16xi32>
        %shift_right_arithmetic3A_788 = arith.constant 1 : i32
        %shift_right_arithmetic3A_789 = vector.broadcast %shift_right_arithmetic3A_788 : i32 to vector<16xi32>
        %shift_right_arithmetic3A_790 = arith.shrsi %bitcast3A_787, %shift_right_arithmetic3A_789 : vector<16xi32>
        %add3A_791 = arith.constant 532487669 : i32
        %add3A_792 = vector.broadcast %add3A_791 : i32 to vector<16xi32>
        %add3A_793 = arith.addi %shift_right_arithmetic3A_790, %add3A_792 : vector<16xi32>
        %bitcast3A_794 = vector.bitcast %add3A_793 : vector<16xi32> to vector<16xf32>
        %div3A_795 = arith.divf %select_n3A_726, %bitcast3A_794 : vector<16xf32>
        %add3A_796 = arith.addf %bitcast3A_794, %div3A_795 : vector<16xf32>
        %mul3A_797 = arith.constant 5.000000e-01 : f32
        %mul3A_798 = vector.broadcast %mul3A_797 : f32 to vector<16xf32>
        %mul3A_799 = arith.mulf %mul3A_798, %add3A_796 : vector<16xf32>
        %div3A_800 = arith.divf %select_n3A_726, %mul3A_799 : vector<16xf32>
        %add3A_801 = arith.addf %mul3A_799, %div3A_800 : vector<16xf32>
        %mul3A_802 = arith.constant 5.000000e-01 : f32
        %mul3A_803 = vector.broadcast %mul3A_802 : f32 to vector<16xf32>
        %mul3A_804 = arith.mulf %mul3A_803, %add3A_801 : vector<16xf32>
        %sub3A_805 = arith.subf %mul3A_786, %mul3A_804 : vector<16xf32>
        %mul3A_806 = arith.mulf %sub3A_768, %sub3A_768 : vector<16xf32>
        %mul3A_807 = arith.mulf %sub3A_805, %sub3A_805 : vector<16xf32>
        %add3A_808 = arith.addf %mul3A_806, %mul3A_807 : vector<16xf32>
        %add3A_809 = arith.addf %add3A_733, %add3A_808 : vector<16xf32>
        %mul3A_810 = arith.constant 5.000000e+00 : f32
        %mul3A_811 = vector.broadcast %mul3A_810 : f32 to vector<16xf32>
        %mul3A_812 = arith.mulf %mul3A_811, %add3A_809 : vector<16xf32>
        %mul3A_813 = arith.constant 2.000000e+00 : f32
        %mul3A_814 = vector.broadcast %mul3A_813 : f32 to vector<16xf32>
        %mul3A_815 = arith.mulf %mul3A_814, %mul3A_728 : vector<16xf32>
        %add3A_816 = arith.addf %mul3A_812, %mul3A_815 : vector<16xf32>
        %mul3A_817 = arith.mulf %select_n3A_702, %select_n3A_702 : vector<16xf32>
        %add3A_818 = arith.addf %add3A_816, %mul3A_817 : vector<16xf32>
        %add3A_819 = arith.addf %add3A_818, %add3A_487 : vector<16xf32>
        %mul3A_820 = arith.mulf %select_n3A_220, %add3A_819 : vector<16xf32>
        %mul3A_821 = arith.constant 5.000000e-01 : f32
        %mul3A_822 = vector.broadcast %mul3A_821 : f32 to vector<16xf32>
        %mul3A_823 = arith.mulf %mul3A_822, %select_n3A_228 : vector<16xf32>
        %mul3A_824 = arith.mulf %mul3A_823, %add3A_567 : vector<16xf32>
        %add3A_825 = arith.addf %mul3A_820, %mul3A_824 : vector<16xf32>
        %add3A_826 = arith.addf %scan3A_166, %add3A_825 : vector<16xf32>
        scf.yield %add3A_826 : vector<16xf32>
      }
      %scan3A_161 = arith.constant 32 : i32
      %add3A_162 = arith.addf %get3A_154, %scan3A_160 : vector<16xf32>
      %swap3A_163 = arith.constant 0 : index
      %swap3A_164 = tpu.vector_load %arg9[%swap3A_163] {strides = array<i32>} : memref<16xf32, #tpu.memory_space<vmem>>, vector<16xf32>,
      tpu.vector_store %arg9[%swap3A_163], %add3A_162 {strides = array<i32>} : memref<16xf32, #tpu.memory_space<vmem>>, vector<16xf32>,
    } else {
    }
    "tpu.region"() ({
      %run_scoped3A = tpu.sem_alloc : memref<!tpu.dma_semaphore, #tpu.memory_space<semaphore_mem>>
      %dma_start3A_154 = arith.constant 0 : i32
      %dma_start3A_155 = tpu.memref_slice %arg4[%add3A, %dma_start3A_154] : memref<32x16xf32, #tpu.memory_space<hbm>> -> memref<1x16xf32, #tpu.memory_space<hbm>>
      %dma_start3A_156 = tpu.memref_squeeze %dma_start3A_155 : memref<1x16xf32, #tpu.memory_space<hbm>> -> memref<16xf32, #tpu.memory_space<hbm>>
      %dma_start3A_157 = arith.constant 0 : i32
      %dma_start3A_158 = tpu.memref_slice %arg4[%add3A, %dma_start3A_157] : memref<32x16xf32, #tpu.memory_space<hbm>> -> memref<1x16xf32, #tpu.memory_space<hbm>>
      %dma_start3A_159 = tpu.memref_squeeze %dma_start3A_158 : memref<1x16xf32, #tpu.memory_space<hbm>> -> memref<16xf32, #tpu.memory_space<hbm>>
      tpu.enqueue_dma source(%arg9 : memref<16xf32, #tpu.memory_space<vmem>>) target(%dma_start3A_159 : memref<16xf32, #tpu.memory_space<hbm>>) target_semaphore(%run_scoped3A : memref<!tpu.dma_semaphore, #tpu.memory_space<semaphore_mem>>)
      %dma_wait3A_160 = arith.constant 0 : i32
      %dma_wait3A_161 = tpu.memref_slice %arg4[%add3A, %dma_wait3A_160] : memref<32x16xf32, #tpu.memory_space<hbm>> -> memref<1x16xf32, #tpu.memory_space<hbm>>
      %dma_wait3A_162 = tpu.memref_squeeze %dma_wait3A_161 : memref<1x16xf32, #tpu.memory_space<hbm>> -> memref<16xf32, #tpu.memory_space<hbm>>
      %dma_wait3A_163 = arith.constant 0 : i32
      %dma_wait3A_164 = tpu.memref_slice %arg4[%add3A, %dma_wait3A_163] : memref<32x16xf32, #tpu.memory_space<hbm>> -> memref<1x16xf32, #tpu.memory_space<hbm>>
      %dma_wait3A_165 = tpu.memref_squeeze %dma_wait3A_164 : memref<1x16xf32, #tpu.memory_space<hbm>> -> memref<16xf32, #tpu.memory_space<hbm>>
      tpu.wait_dma2 semaphore(%run_scoped3A : memref<!tpu.dma_semaphore, #tpu.memory_space<semaphore_mem>>) src(%arg9 : memref<16xf32, #tpu.memory_space<vmem>>) dst(%dma_wait3A_165 : memref<16xf32, #tpu.memory_space<hbm>>)
      tpu.yield
    }) : () -> ()
    return
  }
}

module attributes {stable_mosaic.version = 14 : i64} {
  func.func @_tc_body(%arg0: i32, %arg1: memref<1x14x30x256xf32, #tpu.memory_space<vmem>>, %arg2: memref<1x14x30x256xf32, #tpu.memory_space<vmem>>, %arg3: memref<1x1xf32, #tpu.memory_space<smem>>) attributes {dimension_semantics = [#tpu.dimension_semantics<arbitrary>], iteration_bounds = array<i64: 6>, scalar_prefetch = 0 : i64, scratch_operands = 0 : i64, tpu.core_type = #tpu.core_type<tc>, window_params = [{transform_indices = @transform_0, window_bounds = array<i64: 1, 14, 30, 256>}, {transform_indices = @transform_1, window_bounds = array<i64: 1, 14, 30, 256>}, {transform_indices = @transform_2, window_bounds = array<i64: 1, 1>}]} {
    %get3A = arith.constant 0 : index
    %get3A_0 = arith.constant 0 : index
    %get3A_1 = arith.constant 0 : index
    %get3A_2 = arith.constant 0 : index
    %get3A_3 = vector.load %arg1[%get3A, %get3A_0, %get3A_1, %get3A_2] : memref<1x14x30x256xf32, #tpu.memory_space<vmem>>, vector<1x14x30x256xf32>
    %get3A_4 = vector.shape_cast %get3A_3 : vector<1x14x30x256xf32> to vector<14x30x256xf32>
    %get3A_5 = arith.constant 0 : index
    %get3A_6 = arith.constant 0 : index
    %get3A_7 = arith.constant 0 : index
    %get3A_8 = arith.constant 0 : index
    %get3A_9 = vector.load %arg2[%get3A_5, %get3A_6, %get3A_7, %get3A_8] : memref<1x14x30x256xf32, #tpu.memory_space<vmem>>, vector<1x14x30x256xf32>
    %get3A_10 = vector.shape_cast %get3A_9 : vector<1x14x30x256xf32> to vector<14x30x256xf32>
    %slice3A = vector.extract_strided_slice %get3A_4 {offsets = [0, 10, 0], sizes = [14, 20, 256], strides = [1, 1, 1]} : vector<14x30x256xf32> to vector<14x20x256xf32>
    %slice3A_11 = vector.extract_strided_slice %get3A_10 {offsets = [0, 10, 0], sizes = [14, 20, 256], strides = [1, 1, 1]} : vector<14x30x256xf32> to vector<14x20x256xf32>
    %sub3A = arith.subf %slice3A, %slice3A_11 : vector<14x20x256xf32>
    %mul3A = arith.mulf %sub3A, %sub3A : vector<14x20x256xf32>
    %reduce_sum3A = arith.constant dense<0.000000e+00> : vector<14x256xf32>
    %reduce_sum3A_12 = vector.multi_reduction <add>, %mul3A, %reduce_sum3A [1] : vector<14x20x256xf32> to vector<14x256xf32>
    %broadcast_in_dim3A = vector.shape_cast %reduce_sum3A_12 : vector<14x256xf32> to vector<14x1x256xf32>
    %slice3A_13 = vector.extract_strided_slice %get3A_10 {offsets = [0, 4, 0], sizes = [14, 1, 256], strides = [1, 1, 1]} : vector<14x30x256xf32> to vector<14x1x256xf32>
    %gt3A = arith.constant 0.000000e+00 : f32
    %gt3A_14 = vector.broadcast %gt3A : f32 to vector<14x1x256xf32>
    %gt3A_15 = arith.cmpf ogt, %slice3A_13, %gt3A_14 : vector<14x1x256xf32>
    %jit3A = arith.constant 1.000000e+00 : f32
    %jit3A_16 = arith.constant 0.000000e+00 : f32
    %broadcast_in_dim3A_17 = vector.broadcast %jit3A : f32 to vector<14x1x256xf32>
    %broadcast_in_dim3A_18 = vector.broadcast %jit3A_16 : f32 to vector<14x1x256xf32>
    %select_n3A = arith.select %gt3A_15, %broadcast_in_dim3A_17, %broadcast_in_dim3A_18 : vector<14x1x256xi1>, vector<14x1x256xf32>
    %eq3A = arith.constant 0.000000e+00 : f32
    %eq3A_19 = vector.broadcast %eq3A : f32 to vector<14x1x256xf32>
    %eq3A_20 = arith.cmpf oeq, %slice3A_13, %eq3A_19 : vector<14x1x256xf32>
    %jit3A_21 = arith.constant 1.000000e+00 : f32
    %jit3A_22 = arith.constant 0.000000e+00 : f32
    %broadcast_in_dim3A_23 = vector.broadcast %jit3A_21 : f32 to vector<14x1x256xf32>
    %broadcast_in_dim3A_24 = vector.broadcast %jit3A_22 : f32 to vector<14x1x256xf32>
    %select_n3A_25 = arith.select %eq3A_20, %broadcast_in_dim3A_23, %broadcast_in_dim3A_24 : vector<14x1x256xi1>, vector<14x1x256xf32>
    %slice3A_26 = vector.extract_strided_slice %get3A_4 {offsets = [0, 0, 0], sizes = [14, 1, 256], strides = [1, 1, 1]} : vector<14x30x256xf32> to vector<14x1x256xf32>
    %slice3A_27 = vector.extract_strided_slice %get3A_4 {offsets = [0, 1, 0], sizes = [14, 1, 256], strides = [1, 1, 1]} : vector<14x30x256xf32> to vector<14x1x256xf32>
    %slice3A_28 = vector.extract_strided_slice %get3A_4 {offsets = [0, 2, 0], sizes = [14, 1, 256], strides = [1, 1, 1]} : vector<14x30x256xf32> to vector<14x1x256xf32>
    %slice3A_29 = vector.extract_strided_slice %get3A_4 {offsets = [0, 3, 0], sizes = [14, 1, 256], strides = [1, 1, 1]} : vector<14x30x256xf32> to vector<14x1x256xf32>
    %slice3A_30 = vector.extract_strided_slice %get3A_4 {offsets = [0, 4, 0], sizes = [14, 1, 256], strides = [1, 1, 1]} : vector<14x30x256xf32> to vector<14x1x256xf32>
    %slice3A_31 = vector.extract_strided_slice %get3A_4 {offsets = [0, 5, 0], sizes = [14, 1, 256], strides = [1, 1, 1]} : vector<14x30x256xf32> to vector<14x1x256xf32>
    %slice3A_32 = vector.extract_strided_slice %get3A_4 {offsets = [0, 6, 0], sizes = [14, 1, 256], strides = [1, 1, 1]} : vector<14x30x256xf32> to vector<14x1x256xf32>
    %slice3A_33 = vector.extract_strided_slice %get3A_4 {offsets = [0, 7, 0], sizes = [14, 1, 256], strides = [1, 1, 1]} : vector<14x30x256xf32> to vector<14x1x256xf32>
    %slice3A_34 = vector.extract_strided_slice %get3A_4 {offsets = [0, 8, 0], sizes = [14, 1, 256], strides = [1, 1, 1]} : vector<14x30x256xf32> to vector<14x1x256xf32>
    %slice3A_35 = vector.extract_strided_slice %get3A_4 {offsets = [0, 9, 0], sizes = [14, 1, 256], strides = [1, 1, 1]} : vector<14x30x256xf32> to vector<14x1x256xf32>
    %slice3A_36 = vector.extract_strided_slice %get3A_10 {offsets = [0, 0, 0], sizes = [14, 1, 256], strides = [1, 1, 1]} : vector<14x30x256xf32> to vector<14x1x256xf32>
    %slice3A_37 = vector.extract_strided_slice %get3A_10 {offsets = [0, 1, 0], sizes = [14, 1, 256], strides = [1, 1, 1]} : vector<14x30x256xf32> to vector<14x1x256xf32>
    %slice3A_38 = vector.extract_strided_slice %get3A_10 {offsets = [0, 2, 0], sizes = [14, 1, 256], strides = [1, 1, 1]} : vector<14x30x256xf32> to vector<14x1x256xf32>
    %slice3A_39 = vector.extract_strided_slice %get3A_10 {offsets = [0, 3, 0], sizes = [14, 1, 256], strides = [1, 1, 1]} : vector<14x30x256xf32> to vector<14x1x256xf32>
    %sub3A_40 = arith.subf %slice3A_30, %slice3A_13 : vector<14x1x256xf32>
    %slice3A_41 = vector.extract_strided_slice %get3A_10 {offsets = [0, 9, 0], sizes = [14, 1, 256], strides = [1, 1, 1]} : vector<14x30x256xf32> to vector<14x1x256xf32>
    %sub3A_42 = arith.subf %slice3A_35, %slice3A_41 : vector<14x1x256xf32>
    %mul3A_43 = arith.mulf %sub3A_40, %sub3A_40 : vector<14x1x256xf32>
    %mul3A_44 = arith.mulf %sub3A_42, %sub3A_42 : vector<14x1x256xf32>
    %add3A = arith.addf %mul3A_43, %mul3A_44 : vector<14x1x256xf32>
    %mul3A_45 = arith.constant 0.0714285746 : f32
    %mul3A_46 = vector.broadcast %mul3A_45 : f32 to vector<14x1x256xf32>
    %mul3A_47 = arith.mulf %slice3A_36, %mul3A_46 : vector<14x1x256xf32>
    %mul3A_48 = arith.constant 5.000000e-01 : f32
    %mul3A_49 = vector.broadcast %mul3A_48 : f32 to vector<14x1x256xf32>
    %mul3A_50 = arith.mulf %mul3A_49, %slice3A_38 : vector<14x1x256xf32>
    %sub3A_51 = arith.subf %mul3A_47, %mul3A_50 : vector<14x1x256xf32>
    %mul3A_52 = arith.constant 0.0714285746 : f32
    %mul3A_53 = vector.broadcast %mul3A_52 : f32 to vector<14x1x256xf32>
    %mul3A_54 = arith.mulf %slice3A_37, %mul3A_53 : vector<14x1x256xf32>
    %mul3A_55 = arith.constant 5.000000e-01 : f32
    %mul3A_56 = vector.broadcast %mul3A_55 : f32 to vector<14x1x256xf32>
    %mul3A_57 = arith.mulf %mul3A_56, %slice3A_39 : vector<14x1x256xf32>
    %sub3A_58 = arith.subf %mul3A_54, %mul3A_57 : vector<14x1x256xf32>
    %mul3A_59 = arith.constant 0.0714285746 : f32
    %mul3A_60 = vector.broadcast %mul3A_59 : f32 to vector<14x1x256xf32>
    %mul3A_61 = arith.mulf %slice3A_36, %mul3A_60 : vector<14x1x256xf32>
    %mul3A_62 = arith.constant 5.000000e-01 : f32
    %mul3A_63 = vector.broadcast %mul3A_62 : f32 to vector<14x1x256xf32>
    %mul3A_64 = arith.mulf %mul3A_63, %slice3A_38 : vector<14x1x256xf32>
    %add3A_65 = arith.addf %mul3A_61, %mul3A_64 : vector<14x1x256xf32>
    %mul3A_66 = arith.constant 0.0714285746 : f32
    %mul3A_67 = vector.broadcast %mul3A_66 : f32 to vector<14x1x256xf32>
    %mul3A_68 = arith.mulf %slice3A_37, %mul3A_67 : vector<14x1x256xf32>
    %mul3A_69 = arith.constant 5.000000e-01 : f32
    %mul3A_70 = vector.broadcast %mul3A_69 : f32 to vector<14x1x256xf32>
    %mul3A_71 = arith.mulf %mul3A_70, %slice3A_39 : vector<14x1x256xf32>
    %add3A_72 = arith.addf %mul3A_68, %mul3A_71 : vector<14x1x256xf32>
    %mul3A_73 = arith.constant 0.0714285746 : f32
    %mul3A_74 = vector.broadcast %mul3A_73 : f32 to vector<14x1x256xf32>
    %mul3A_75 = arith.mulf %slice3A_26, %mul3A_74 : vector<14x1x256xf32>
    %mul3A_76 = arith.constant 5.000000e-01 : f32
    %mul3A_77 = vector.broadcast %mul3A_76 : f32 to vector<14x1x256xf32>
    %mul3A_78 = arith.mulf %mul3A_77, %slice3A_28 : vector<14x1x256xf32>
    %sub3A_79 = arith.subf %mul3A_75, %mul3A_78 : vector<14x1x256xf32>
    %mul3A_80 = arith.constant 0.0714285746 : f32
    %mul3A_81 = vector.broadcast %mul3A_80 : f32 to vector<14x1x256xf32>
    %mul3A_82 = arith.mulf %slice3A_27, %mul3A_81 : vector<14x1x256xf32>
    %mul3A_83 = arith.constant 5.000000e-01 : f32
    %mul3A_84 = vector.broadcast %mul3A_83 : f32 to vector<14x1x256xf32>
    %mul3A_85 = arith.mulf %mul3A_84, %slice3A_29 : vector<14x1x256xf32>
    %sub3A_86 = arith.subf %mul3A_82, %mul3A_85 : vector<14x1x256xf32>
    %mul3A_87 = arith.constant 0.0714285746 : f32
    %mul3A_88 = vector.broadcast %mul3A_87 : f32 to vector<14x1x256xf32>
    %mul3A_89 = arith.mulf %slice3A_26, %mul3A_88 : vector<14x1x256xf32>
    %mul3A_90 = arith.constant 5.000000e-01 : f32
    %mul3A_91 = vector.broadcast %mul3A_90 : f32 to vector<14x1x256xf32>
    %mul3A_92 = arith.mulf %mul3A_91, %slice3A_28 : vector<14x1x256xf32>
    %add3A_93 = arith.addf %mul3A_89, %mul3A_92 : vector<14x1x256xf32>
    %mul3A_94 = arith.constant 0.0714285746 : f32
    %mul3A_95 = vector.broadcast %mul3A_94 : f32 to vector<14x1x256xf32>
    %mul3A_96 = arith.mulf %slice3A_27, %mul3A_95 : vector<14x1x256xf32>
    %mul3A_97 = arith.constant 5.000000e-01 : f32
    %mul3A_98 = vector.broadcast %mul3A_97 : f32 to vector<14x1x256xf32>
    %mul3A_99 = arith.mulf %mul3A_98, %slice3A_29 : vector<14x1x256xf32>
    %add3A_100 = arith.addf %mul3A_96, %mul3A_99 : vector<14x1x256xf32>
    %min3A = arith.minimumf %add3A_93, %add3A_65 : vector<14x1x256xf32>
    %max3A = arith.maximumf %sub3A_79, %sub3A_51 : vector<14x1x256xf32>
    %sub3A_101 = arith.subf %min3A, %max3A : vector<14x1x256xf32>
    %max3A_102 = arith.constant 0.000000e+00 : f32
    %max3A_103 = vector.broadcast %max3A_102 : f32 to vector<14x1x256xf32>
    %max3A_104 = arith.maximumf %sub3A_101, %max3A_103 : vector<14x1x256xf32>
    %min3A_105 = arith.minimumf %add3A_100, %add3A_72 : vector<14x1x256xf32>
    %max3A_106 = arith.maximumf %sub3A_86, %sub3A_58 : vector<14x1x256xf32>
    %sub3A_107 = arith.subf %min3A_105, %max3A_106 : vector<14x1x256xf32>
    %max3A_108 = arith.constant 0.000000e+00 : f32
    %max3A_109 = vector.broadcast %max3A_108 : f32 to vector<14x1x256xf32>
    %max3A_110 = arith.maximumf %sub3A_107, %max3A_109 : vector<14x1x256xf32>
    %mul3A_111 = arith.mulf %max3A_104, %max3A_110 : vector<14x1x256xf32>
    %sub3A_112 = arith.subf %add3A_93, %sub3A_79 : vector<14x1x256xf32>
    %sub3A_113 = arith.subf %add3A_100, %sub3A_86 : vector<14x1x256xf32>
    %mul3A_114 = arith.mulf %sub3A_112, %sub3A_113 : vector<14x1x256xf32>
    %sub3A_115 = arith.subf %add3A_65, %sub3A_51 : vector<14x1x256xf32>
    %sub3A_116 = arith.subf %add3A_72, %sub3A_58 : vector<14x1x256xf32>
    %mul3A_117 = arith.mulf %sub3A_115, %sub3A_116 : vector<14x1x256xf32>
    %add3A_118 = arith.addf %mul3A_114, %mul3A_117 : vector<14x1x256xf32>
    %sub3A_119 = arith.subf %add3A_118, %mul3A_111 : vector<14x1x256xf32>
    %div3A = arith.divf %mul3A_111, %sub3A_119 : vector<14x1x256xf32>
    %mul3A_120 = arith.constant 0.0714285746 : f32
    %mul3A_121 = vector.broadcast %mul3A_120 : f32 to vector<14x1x256xf32>
    %mul3A_122 = arith.mulf %slice3A_31, %mul3A_121 : vector<14x1x256xf32>
    %mul3A_123 = arith.constant 5.000000e-01 : f32
    %mul3A_124 = vector.broadcast %mul3A_123 : f32 to vector<14x1x256xf32>
    %mul3A_125 = arith.mulf %mul3A_124, %slice3A_33 : vector<14x1x256xf32>
    %sub3A_126 = arith.subf %mul3A_122, %mul3A_125 : vector<14x1x256xf32>
    %mul3A_127 = arith.constant 0.0714285746 : f32
    %mul3A_128 = vector.broadcast %mul3A_127 : f32 to vector<14x1x256xf32>
    %mul3A_129 = arith.mulf %slice3A_32, %mul3A_128 : vector<14x1x256xf32>
    %mul3A_130 = arith.constant 5.000000e-01 : f32
    %mul3A_131 = vector.broadcast %mul3A_130 : f32 to vector<14x1x256xf32>
    %mul3A_132 = arith.mulf %mul3A_131, %slice3A_34 : vector<14x1x256xf32>
    %sub3A_133 = arith.subf %mul3A_129, %mul3A_132 : vector<14x1x256xf32>
    %mul3A_134 = arith.constant 0.0714285746 : f32
    %mul3A_135 = vector.broadcast %mul3A_134 : f32 to vector<14x1x256xf32>
    %mul3A_136 = arith.mulf %slice3A_31, %mul3A_135 : vector<14x1x256xf32>
    %mul3A_137 = arith.constant 5.000000e-01 : f32
    %mul3A_138 = vector.broadcast %mul3A_137 : f32 to vector<14x1x256xf32>
    %mul3A_139 = arith.mulf %mul3A_138, %slice3A_33 : vector<14x1x256xf32>
    %add3A_140 = arith.addf %mul3A_136, %mul3A_139 : vector<14x1x256xf32>
    %mul3A_141 = arith.constant 0.0714285746 : f32
    %mul3A_142 = vector.broadcast %mul3A_141 : f32 to vector<14x1x256xf32>
    %mul3A_143 = arith.mulf %slice3A_32, %mul3A_142 : vector<14x1x256xf32>
    %mul3A_144 = arith.constant 5.000000e-01 : f32
    %mul3A_145 = vector.broadcast %mul3A_144 : f32 to vector<14x1x256xf32>
    %mul3A_146 = arith.mulf %mul3A_145, %slice3A_34 : vector<14x1x256xf32>
    %add3A_147 = arith.addf %mul3A_143, %mul3A_146 : vector<14x1x256xf32>
    %min3A_148 = arith.minimumf %add3A_140, %add3A_65 : vector<14x1x256xf32>
    %max3A_149 = arith.maximumf %sub3A_126, %sub3A_51 : vector<14x1x256xf32>
    %sub3A_150 = arith.subf %min3A_148, %max3A_149 : vector<14x1x256xf32>
    %max3A_151 = arith.constant 0.000000e+00 : f32
    %max3A_152 = vector.broadcast %max3A_151 : f32 to vector<14x1x256xf32>
    %max3A_153 = arith.maximumf %sub3A_150, %max3A_152 : vector<14x1x256xf32>
    %min3A_154 = arith.minimumf %add3A_147, %add3A_72 : vector<14x1x256xf32>
    %max3A_155 = arith.maximumf %sub3A_133, %sub3A_58 : vector<14x1x256xf32>
    %sub3A_156 = arith.subf %min3A_154, %max3A_155 : vector<14x1x256xf32>
    %max3A_157 = arith.constant 0.000000e+00 : f32
    %max3A_158 = vector.broadcast %max3A_157 : f32 to vector<14x1x256xf32>
    %max3A_159 = arith.maximumf %sub3A_156, %max3A_158 : vector<14x1x256xf32>
    %mul3A_160 = arith.mulf %max3A_153, %max3A_159 : vector<14x1x256xf32>
    %sub3A_161 = arith.subf %add3A_140, %sub3A_126 : vector<14x1x256xf32>
    %sub3A_162 = arith.subf %add3A_147, %sub3A_133 : vector<14x1x256xf32>
    %mul3A_163 = arith.mulf %sub3A_161, %sub3A_162 : vector<14x1x256xf32>
    %sub3A_164 = arith.subf %add3A_65, %sub3A_51 : vector<14x1x256xf32>
    %sub3A_165 = arith.subf %add3A_72, %sub3A_58 : vector<14x1x256xf32>
    %mul3A_166 = arith.mulf %sub3A_164, %sub3A_165 : vector<14x1x256xf32>
    %add3A_167 = arith.addf %mul3A_163, %mul3A_166 : vector<14x1x256xf32>
    %sub3A_168 = arith.subf %add3A_167, %mul3A_160 : vector<14x1x256xf32>
    %div3A_169 = arith.divf %mul3A_160, %sub3A_168 : vector<14x1x256xf32>
    %gt3A_170 = arith.cmpf ogt, %div3A_169, %div3A : vector<14x1x256xf32>
    %max3A_171 = arith.maximumf %div3A, %div3A_169 : vector<14x1x256xf32>
    %select_n3A_172 = arith.select %gt3A_170, %slice3A_31, %slice3A_26 : vector<14x1x256xi1>, vector<14x1x256xf32>
    %select_n3A_173 = arith.select %gt3A_170, %slice3A_32, %slice3A_27 : vector<14x1x256xi1>, vector<14x1x256xf32>
    %select_n3A_174 = arith.select %gt3A_170, %slice3A_33, %slice3A_28 : vector<14x1x256xi1>, vector<14x1x256xf32>
    %select_n3A_175 = arith.select %gt3A_170, %slice3A_34, %slice3A_29 : vector<14x1x256xi1>, vector<14x1x256xf32>
    %select_n3A_176 = arith.select %gt3A_170, %slice3A_35, %slice3A_30 : vector<14x1x256xi1>, vector<14x1x256xf32>
    %select_n3A_177 = arith.select %gt3A_170, %slice3A_30, %slice3A_35 : vector<14x1x256xi1>, vector<14x1x256xf32>
    %slice3A_178 = vector.extract_strided_slice %get3A_10 {offsets = [0, 5, 0], sizes = [14, 1, 256], strides = [1, 1, 1]} : vector<14x30x256xf32> to vector<14x1x256xf32>
    %select_n3A_179 = arith.select %gt3A_170, %slice3A_178, %slice3A_36 : vector<14x1x256xi1>, vector<14x1x256xf32>
    %slice3A_180 = vector.extract_strided_slice %get3A_10 {offsets = [0, 6, 0], sizes = [14, 1, 256], strides = [1, 1, 1]} : vector<14x30x256xf32> to vector<14x1x256xf32>
    %select_n3A_181 = arith.select %gt3A_170, %slice3A_180, %slice3A_37 : vector<14x1x256xi1>, vector<14x1x256xf32>
    %slice3A_182 = vector.extract_strided_slice %get3A_10 {offsets = [0, 7, 0], sizes = [14, 1, 256], strides = [1, 1, 1]} : vector<14x30x256xf32> to vector<14x1x256xf32>
    %select_n3A_183 = arith.select %gt3A_170, %slice3A_182, %slice3A_38 : vector<14x1x256xi1>, vector<14x1x256xf32>
    %slice3A_184 = vector.extract_strided_slice %get3A_10 {offsets = [0, 8, 0], sizes = [14, 1, 256], strides = [1, 1, 1]} : vector<14x30x256xf32> to vector<14x1x256xf32>
    %select_n3A_185 = arith.select %gt3A_170, %slice3A_184, %slice3A_39 : vector<14x1x256xi1>, vector<14x1x256xf32>
    %sub3A_186 = arith.subf %select_n3A_176, %max3A_171 : vector<14x1x256xf32>
    %mul3A_187 = arith.mulf %sub3A_186, %sub3A_186 : vector<14x1x256xf32>
    %sub3A_188 = arith.subf %select_n3A_172, %select_n3A_179 : vector<14x1x256xf32>
    %sub3A_189 = arith.subf %select_n3A_173, %select_n3A_181 : vector<14x1x256xf32>
    %mul3A_190 = arith.mulf %sub3A_188, %sub3A_188 : vector<14x1x256xf32>
    %mul3A_191 = arith.mulf %sub3A_189, %sub3A_189 : vector<14x1x256xf32>
    %add3A_192 = arith.addf %mul3A_190, %mul3A_191 : vector<14x1x256xf32>
    %sqrt3A = math.sqrt %select_n3A_174 : vector<14x1x256xf32>
    %sqrt3A_193 = math.sqrt %select_n3A_183 : vector<14x1x256xf32>
    %sub3A_194 = arith.subf %sqrt3A, %sqrt3A_193 : vector<14x1x256xf32>
    %sqrt3A_195 = math.sqrt %select_n3A_175 : vector<14x1x256xf32>
    %sqrt3A_196 = math.sqrt %select_n3A_185 : vector<14x1x256xf32>
    %sub3A_197 = arith.subf %sqrt3A_195, %sqrt3A_196 : vector<14x1x256xf32>
    %mul3A_198 = arith.mulf %sub3A_194, %sub3A_194 : vector<14x1x256xf32>
    %mul3A_199 = arith.mulf %sub3A_197, %sub3A_197 : vector<14x1x256xf32>
    %add3A_200 = arith.addf %mul3A_198, %mul3A_199 : vector<14x1x256xf32>
    %add3A_201 = arith.addf %add3A_192, %add3A_200 : vector<14x1x256xf32>
    %mul3A_202 = arith.constant 5.000000e+00 : f32
    %mul3A_203 = vector.broadcast %mul3A_202 : f32 to vector<14x1x256xf32>
    %mul3A_204 = arith.mulf %mul3A_203, %add3A_201 : vector<14x1x256xf32>
    %mul3A_205 = arith.constant 2.000000e+00 : f32
    %mul3A_206 = vector.broadcast %mul3A_205 : f32 to vector<14x1x256xf32>
    %mul3A_207 = arith.mulf %mul3A_206, %mul3A_187 : vector<14x1x256xf32>
    %add3A_208 = arith.addf %mul3A_204, %mul3A_207 : vector<14x1x256xf32>
    %mul3A_209 = arith.mulf %select_n3A_177, %select_n3A_177 : vector<14x1x256xf32>
    %add3A_210 = arith.addf %add3A_208, %mul3A_209 : vector<14x1x256xf32>
    %add3A_211 = arith.addf %add3A_210, %broadcast_in_dim3A : vector<14x1x256xf32>
    %mul3A_212 = arith.mulf %select_n3A, %add3A_211 : vector<14x1x256xf32>
    %mul3A_213 = arith.constant 5.000000e-01 : f32
    %mul3A_214 = vector.broadcast %mul3A_213 : f32 to vector<14x1x256xf32>
    %mul3A_215 = arith.mulf %mul3A_214, %select_n3A_25 : vector<14x1x256xf32>
    %mul3A_216 = arith.mulf %mul3A_215, %add3A : vector<14x1x256xf32>
    %add3A_217 = arith.addf %mul3A_212, %mul3A_216 : vector<14x1x256xf32>
    %reduce_sum3A_218 = vector.shape_cast %add3A_217 : vector<14x1x256xf32> to vector<1x14x1x256xf32>
    %reduce_sum3A_219 = arith.constant dense<0.000000e+00> : vector<1xf32>
    %reduce_sum3A_220 = vector.multi_reduction <add>, %reduce_sum3A_218, %reduce_sum3A_219 [1, 2, 3] : vector<1x14x1x256xf32> to vector<1xf32>
    %reduce_sum3A_221 = vector.shape_cast %reduce_sum3A_220 : vector<1xf32> to vector<1x1x1x1xf32>
    %reduce_sum3A_222 = vector.extract %reduce_sum3A_221[0, 0, 0, 0] : f32 from vector<1x1x1x1xf32>
    %eq3A_223 = arith.constant 0 : i32
    %eq3A_224 = arith.cmpi eq, %arg0, %eq3A_223 : i32
    %convert_element_type3A = arith.extui %eq3A_224 : i1 to i32
    %cond3A = arith.constant 0 : i32
    %cond3A_225 = arith.cmpi ne, %convert_element_type3A, %cond3A : i32
    scf.if %cond3A_225 {
      %swap3A_232 = arith.constant 0.000000e+00 : f32
      %swap3A_233 = arith.constant 0 : index
      %swap3A_234 = arith.constant 0 : index
      %swap3A_235 = memref.load %arg3[%swap3A_233, %swap3A_234] : memref<1x1xf32, #tpu.memory_space<smem>>
      memref.store %swap3A_232, %arg3[%swap3A_233, %swap3A_234] : memref<1x1xf32, #tpu.memory_space<smem>>
    } else {
    }
    %get3A_226 = arith.constant 0 : index
    %get3A_227 = arith.constant 0 : index
    %get3A_228 = memref.load %arg3[%get3A_226, %get3A_227] : memref<1x1xf32, #tpu.memory_space<smem>>
    %add3A_229 = arith.addf %get3A_228, %reduce_sum3A_222 : f32
    %swap3A = arith.constant 0 : index
    %swap3A_230 = arith.constant 0 : index
    %swap3A_231 = memref.load %arg3[%swap3A, %swap3A_230] : memref<1x1xf32, #tpu.memory_space<smem>>
    memref.store %add3A_229, %arg3[%swap3A, %swap3A_230] : memref<1x1xf32, #tpu.memory_space<smem>>
    return
  }
  func.func @transform_0(%arg0: i32) -> (i32, i32, i32, i32) {
    %add3A = arith.constant 8 : i32
    %add3A_0 = arith.addi %arg0, %add3A : i32
    %c0_i32 = arith.constant 0 : i32
    %c0_i32_1 = arith.constant 0 : i32
    %c0_i32_2 = arith.constant 0 : i32
    %c0_i32_3 = arith.constant 0 : i32
    return %add3A_0, %c0_i32, %c0_i32_1, %c0_i32_2 : i32, i32, i32, i32
  }
  func.func @transform_1(%arg0: i32) -> (i32, i32, i32, i32) {
    %add3A = arith.constant 8 : i32
    %add3A_0 = arith.addi %arg0, %add3A : i32
    %c0_i32 = arith.constant 0 : i32
    %c0_i32_1 = arith.constant 0 : i32
    %c0_i32_2 = arith.constant 0 : i32
    %c0_i32_3 = arith.constant 0 : i32
    return %add3A_0, %c0_i32, %c0_i32_1, %c0_i32_2 : i32, i32, i32, i32
  }
  func.func @transform_2(%arg0: i32) -> (i32, i32) {
    %c0_i32 = arith.constant 0 : i32
    %c0_i32_0 = arith.constant 0 : i32
    %c0_i32_1 = arith.constant 0 : i32
    return %c0_i32, %c0_i32_0 : i32, i32
  }
}

</mosaic_0001>

<sc_bundles>
// kernel: kernel.4.cloned.1.call-start
scs
__scs_entry_jumppad:
0x0: {  	(pc) =	sbr.rel $0x88, $3  }
0x1: {  	(tag) =	ssettag $0x0;
	lr =	simm.s32 $0x1  }
0x2: {  	[smem:$0x3F9F] =	sst lr;
	_ =	strace $0xD0000000  }
0x3: {  	_ = 	snop  }
0x4: {  	_ = 	snop  }
0x5: {  	_ = 	snop  }
0x6: {  	_ = 	snop  }
0x7: {  	_ = 	snop  }
__scs_overlays_trampoline_lowered:
0x8: {  	[smem:$0x3FAE] =	sst s0  }
0x9: {  	[smem:$0x3FAF] =	sst s1  }
0xa: {  	[smem:$0x3FB0] =	sst s2  }
0xb: {  	[smem:$0x3FB1] =	sst s3  }
0xc: {  	[smem:$0x3FB2] =	sst s4  }
0xd: {  	[smem:$0x3FB3] =	sst s5  }
0xe: {  	[smem:$0x3FB4] =	sst s6  }
0xf: {  	[smem:$0x3FB5] =	sst s7  }
0x10: {  	[smem:$0x3FB6] =	sst s8  }
0x11: {  	[smem:$0x3FB7] =	sst s9;
	s0 =	simm.s32 @!p0 $0x0  }
0x12: {  	s1 =	sld [smem:$0x3F9D];
	s0 =	simm.s32 @p0 $0x1  }
0x13: {  	[smem:$0x3FB8] =	sst s0;
	s0 =	simm.s32 @!p1 $0x0  }
0x14: {  	s2 =	sld [smem:$0x3F9C];
	s0 =	simm.s32 @p1 $0x1  }
0x15: {  	[smem:$0x3FB9] =	sst s0;
	s0 =	simm.s32 @!p2 $0x0  }
0x16: {  	s3 =	sld [smem:$0x3FDB];
	s0 =	simm.s32 @p2 $0x1  }
0x17: {  	s4 =	simm.s32 $0x1BF5;
	[smem:$0x3FBB] =	sst s0  }
0x18: {  	s0 =	sld [smem:$0x3F9E];
	_ =	swait.ge [sflag:s4], $0x0  }
0x19: {  	s7 =	sld [smem:$0x3F9F]  }
0x1a: {  	s8 =	sadd.s32 $0xFFFFE003, lr  }
0x1b: {  	s9 =	sadd.s32 $0xFFFFFEF7, lr;
	s5 =	simm.s32 $0xFFFFFFFF;
	p2 =	slt.u32 s8, $0xFFFFF086  }
0x1c: {  	p1 =	slt.u32 s9, $0xF7A;
	s5 =	simm.s32 @!p2 $0x0  }
0x1d: {  	s5 =	simm.s32 @p1 $0x1;
	p0 =	seq.s32 s7, s2  }
0x1e: {  	s7 =	smul.u32 @!p0 $0xF7A, s2;
	p2 =	seq.s32 @!p0 s5, $0x0  }
0x1f: {  	s9 =	smul.u32 $0xF7A, s1;
	s8 =	simm.s32 @!p0 $0x1BF5;
	p2 =	por !p2, p0  }
0x20: {  	[sflag:s8] =	ssyncset.s32 @!p0 $0xFFFFF086;
	s6 =	sadd.s32 @!p0 s3, s7;
	s7 =	simm.s32 @!p0 $0x108  }
0x21: {  	s3 =	sadd.s32 s3, s9;
	s6 =	sadd.s32 @!p0 $0x88, s6;
	s7 =	simm.s32 @p2 $0x1082  }
0x22: {  	[simem:s7], [sflag:s8] =	dma.local @!p0 [hbm:s6], $0xF7A  }
0x23: {  	s9 =	sor.u32 $0xD0000000, s2;
	s6 =	simm.s32 $0x108;
	_ =	swait.ge @!p0 [sflag:s8], $0x0  }
0x24: {  	s3 =	sadd.s32 $0x88, s3;
	s6 =	simm.s32 @!p1 $0x1082;
	[sflag:s4] =	ssyncset.s32 $0xFFFFF086  }
0x25: {  	[simem:s6], [sflag:s4] =	dma.local [hbm:s3], $0xF7A  }
0x26: {  	[smem:$0x3F9F] =	sst s1;
	(tag) =	ssettag s2;
	_ =	strace s9  }
0x27: {  	s1 =	sld [smem:$0x3FAF]  }
0x28: {  	s2 =	sld [smem:$0x3FB0]  }
0x29: {  	s4 =	sld [smem:$0x3FB2]  }
0x2a: {  	p0 =	seq.s32 s5, $0x0;
	s5 =	sld [smem:$0x3FB3]  }
0x2b: {  	s6 =	sld [smem:$0x3FB4]  }
0x2c: {  	s7 =	sld [smem:$0x3FB5]  }
0x2d: {  	s3 =	simm.s32 $0x108;
	s8 =	sld [smem:$0x3FB6]  }
0x2e: {  	s3 =	simm.s32 @!p0 $0x1082;
	s9 =	sld [smem:$0x3FB7]  }
0x2f: {  	lr =	sadd.s32 s0, s3;
	s0 =	sld [smem:$0x3FAE]  }
0x30: {  	s3 =	sld [smem:$0x3FB1]  }
0x31: {  	[smem:$0x3FBA] =	sst s10  }
0x32: {  	s10 =	sld [smem:$0x3FB8];
	_ =	sdelay $0x3  }
0x33: {  	p0 =	seq.s32 s10, $0x1;
	s10 =	sld [smem:$0x3FBA];
	_ =	sdelay $0x3  }
0x34: {  	[smem:$0x3FBA] =	sst s10  }
0x35: {  	s10 =	sld [smem:$0x3FB9];
	_ =	sdelay $0x3  }
0x36: {  	p1 =	seq.s32 s10, $0x1;
	s10 =	sld [smem:$0x3FBA];
	_ =	sdelay $0x3  }
0x37: {  	[smem:$0x3FBA] =	sst s10  }
0x38: {  	s10 =	sld [smem:$0x3FBB]  }
0x39: {  	_ = 	snop;
	(pc) =	sbr.ind lr, $3  }
0x3a: {  	_ = 	snop  }
0x3b: {  	_ = 	snop  }
0x3c: {  	p2 =	seq.s32 s10, $0x1;
	s10 =	sld [smem:$0x3FBA]  }
0x3d: {  	_ =	shalt  }
0x3e: {  	_ =	shalt  }
0x3f: {  	_ =	shalt  }
0x40: {  	_ =	shalt  }
0x41: {  	_ =	shalt  }
0x42: {  	_ =	shalt  }
0x43: {  	_ =	shalt  }
0x44: {  	_ =	shalt  }
0x45: {  	_ =	shalt  }
0x46: {  	_ =	shalt  }
0x47: {  	_ =	shalt  }
0x48: {  	_ =	shalt  }
0x49: {  	_ =	shalt  }
0x4a: {  	_ =	shalt  }
0x4b: {  	_ =	shalt  }
0x4c: {  	_ =	shalt  }
0x4d: {  	_ =	shalt  }
0x4e: {  	_ =	shalt  }
0x4f: {  	_ =	shalt  }
0x50: {  	_ =	shalt  }
0x51: {  	_ =	shalt  }
0x52: {  	_ =	shalt  }
0x53: {  	_ =	shalt  }
0x54: {  	_ =	shalt  }
0x55: {  	_ =	shalt  }
0x56: {  	_ =	shalt  }
0x57: {  	_ =	shalt  }
0x58: {  	_ =	shalt  }
0x59: {  	_ =	shalt  }
0x5a: {  	_ =	shalt  }
0x5b: {  	_ =	shalt  }
0x5c: {  	_ =	shalt  }
0x5d: {  	_ =	shalt  }
0x5e: {  	_ =	shalt  }
0x5f: {  	_ =	shalt  }
0x60: {  	_ =	shalt  }
0x61: {  	_ =	shalt  }
0x62: {  	_ =	shalt  }
0x63: {  	_ =	shalt  }
0x64: {  	_ =	shalt  }
0x65: {  	_ =	shalt  }
0x66: {  	_ =	shalt  }
0x67: {  	_ =	shalt  }
0x68: {  	_ =	shalt  }
0x69: {  	_ =	shalt  }
0x6a: {  	_ =	shalt  }
0x6b: {  	_ =	shalt  }
0x6c: {  	_ =	shalt  }
0x6d: {  	_ =	shalt  }
0x6e: {  	_ =	shalt  }
0x6f: {  	_ =	shalt  }
0x70: {  	_ =	shalt  }
0x71: {  	_ =	shalt  }
0x72: {  	_ =	shalt  }
0x73: {  	_ =	shalt  }
0x74: {  	_ =	shalt  }
0x75: {  	_ =	shalt  }
0x76: {  	_ =	shalt  }
0x77: {  	_ =	shalt  }
0x78: {  	_ =	shalt  }
0x79: {  	_ =	shalt  }
0x7a: {  	_ =	shalt  }
0x7b: {  	_ =	shalt  }
0x7c: {  	_ =	shalt  }
0x7d: {  	_ =	shalt  }
0x7e: {  	_ =	shalt  }
0x7f: {  	_ =	shalt  }
0x80: {  	_ =	shalt  }
0x81: {  	_ =	shalt  }
0x82: {  	_ =	shalt  }
0x83: {  	_ =	shalt  }
0x84: {  	_ =	shalt  }
0x85: {  	_ =	shalt  }
0x86: {  	_ =	shalt  }
0x87: {  	_ =	shalt  }
.Lfunc_end0:
.L_simem_size_0:
called_computation_lowered:
.L_overlay_start_0:
0x88: {  	s2 =	sld [smem:$0x3FD9]  }
0x89: {  	s3 =	sld [smem:$0x3FFE];
	_ =	sdelay $0x1  }
0x8a: {  	s1 =	srdreg.scid  }
0x8b: {  	s0 =	sand.u32 $0x1, s1  }
0x8c: {  	s17 =	sshll.u32 s0, $0xA;
	s2 =	sadd.s32 s3, s2  }
0x8d: {  	s2 =	sadd.s32 s2, s17  }
0x8e: {  	[smem:$0x3FC6] =	sst s2  }
0x8f: {  	_ = 	snop  }
0x90: {  	s2 =	sld [smem:$0x3FC9]  }
0x91: {  	s18 =	sld [smem:$0x3FC8];
	(tm) =	ssettm $0x1  }
0x92: {  	s4 =	sld [smem:$0x3FFB];
	_ =	sdelay $0x3  }
0x93: {  	_ =	strace s4  }
0x94: {  	s4 =	sld [smem:$0x3FFC];
	_ =	sdelay $0x3  }
0x95: {  	_ =	strace s4  }
0x96: {  	s4 =	sld [smem:$0x3FFD];
	_ =	sdelay $0x3  }
0x97: {  	_ =	strace s4  }
0x98: {  	_ =	strace $0x8FFFFFFF  }
0x99: {  	s19 =	sld [smem:$0x3FDB];
	_ =	sdelay $0x1  }
0x9a: {  	s5 =	simm.s32 $_scs_section_size  }
0x9b: {  	s6 =	simm.s32 $_size__tile_overlayer_lowered;
	s7 =	simm.s32 $_tile_overlayer_lowered  }
0x9c: {  	s22 =	simm.s32 $0x1BFF;
	s21 =	sshll.u32 s7, $0x1;
	s4 =	sadd.s32 s5, s19  }
0x9d: {  	s8 =	simm.s32 $0x0;
	s20 =	sshll.u32 s6, $0x1;
	s6 =	sadd.s32 s21, s4  }
0x9e: {  	[timem:s8], [sflag:s22] =	dma.local [hbm:s6], s20  }
0x9f: {  	_ =	swait.ge [sflag:s22], s20  }
0xa0: {  	s5 =	ssub.s32 $0x0, s20;
	[sflag:s22] =	ssyncset.done $0x0  }
0xa1: {  	[sflag:s22] =	ssyncadd.s32 s5;
	_ =	sdelay $0x1  }
0xa2: {  	s23 =	simm.s32 $0x1B8B  }
0xa3: {  	_ =	swait.ge [sflag:s23], $0x1  }
0xa4: {  	[sflag:s23] =	ssyncset.done $0x0  }
0xa5: {  	s25 =	simm.s32 $0x1B8E;
	s24 =	sld [smem:$0x3FFE];
	[sflag:s23] =	ssyncadd.s32 $0xFFFFFFFF  }
0xa6: {  	s26 =	simm.s32 $execute0_lowered;
	[smem:$0x3FD2] =	sst s25  }
0xa7: {  	s6 =	sshll.u32 s26, $0x1;
	_ =	strace $0x80000046;
	[dreg:$0x1] =	wrdreg $0xFFFFFFFF  }
0xa8: {  	s28 =	simm.s32 $_size_execute0_lowered;
	s4 =	sadd.s32 s4, s6;
	[dreg:$0x0] =	wrdreg $0x0  }
0xa9: {  	s6 =	sshll.u32 s28, $0x1;
	[dreg:$0x2] =	wrdreg s4  }
0xaa: {  	[dreg:$0x3] =	wrdreg s6  }
0xab: {  	[dreg:$0x4] =	wrdreg $0xC0  }
0xac: {  	_ =	task [dreg:s8], $0x5FFFF  }
0xad: {  	[dreg:$0x1] =	wrdreg $0xFFFFFFFF  }
0xae: {  	[dreg:$0x0] =	wrdreg $0x60  }
0xaf: {  	[dreg:$0x2] =	wrdreg s2  }
0xb0: {  	[dreg:$0x3] =	wrdreg s18  }
0xb1: {  	[dreg:$0x4] =	wrdreg s24  }
0xb2: {  	[dreg:$0x5] =	wrdreg $0x9  }
0xb3: {  	_ =	task.clear_ibuf [dreg:s8], $0x6FFFF;
	_ =	strace $0x90000046  }
0xb4: {  	s29 =	simm.s32 $0x9;
	_ =	strace $0x80000048  }
0xb5: {  	_ =	swait.ge [sflag:s29], $0x1  }
0xb6: {  	[sflag:s29] =	ssyncadd.s32 $0xFFFFFFFF  }
0xb7: {  	_ =	strace $0x90000048  }
0xb8: {  	_ =	sfence  }
0xb9: {  	s30 =	sld [smem:$0x0];
	_ =	sdelay $0x2  }
0xba: {  	s31 =	sshll.u32 s1, $0xD;
	s1 =	sshrl.u32 s1, $0x2  }
0xbb: {  	s3 =	sand.u32 $0x4000, s31;
	s1 =	sadd.s32 s1, s30  }
0xbc: {  	s0 =	sor.u32 s3, s0;
	s1 =	sshll.u32 s1, $0x11  }
0xbd: {  	s0 =	sor.u32 s1, s0  }
0xbe: {  	s0 =	sadd.s32 $0x8F2B, s0  }
0xbf: {  	[sflag:s0] =	ssyncadd.remote.s32 $0x1  }
0xc0: {  	_ =	sfence.sel $0xFFFF  }
0xc1: {  	[dreg:$0x0] =	wrdreg $0xFFFFFFFF;
	(pc) =	sbr.abs _section_cstart, $3  }
0xc2: {  	[dreg:$0x1] =	wrdreg $0xFFFFFFFF  }
0xc3: {  	_ =	task.clear_ibuf [dreg:s8], $0x2FFFF;
	_ =	strace $0x9FFFFFFF  }
0xc4: {  	(tm) =	ssettm $0x7FFFFFFF  }
0xc5: {  	_ =	shalt  }
tec
execute0_lowered:
.L_overlay_start_1:
0x0: {  	(tag) =	ssettag $0x1  }
0x1: {  	s1 =	srdreg.scid;
	s5 =	rddreg [dreg:$0x0]  }
0x2: {  	s0 =	stileid.u32;
	s6 =	rddreg [dreg:$0x1]  }
0x3: {  	s9 =	rddreg [dreg:$0x2];
	s2 =	simm.s32 $0x0;
	s14 =	simm.s32 $0x3  }
0x4: {  	s15 =	simm.s32 $0x4;
	s3 =	sand.u32 $0x1, s1;
	s28 =	sshll.u32 s0, $0x1  }
0x5: {  	s16 =	simm.s32 $0x10000;
	s17 =	simm.s32 $0x5;
	s4 =	sor.u32 s3, s28  }
0x6: {  	s18 =	simm.s32 $0x0;
	[smem:$0x7FF] =	sst s2;
	s1 =	smin.u32 s4, $0x17  }
0x7: {  	p0 =	sgt.u32 s0, $0xB;
	s7 =	smul.u32 $0x25, s4;
	s8 =	sor.u32 $0x20, s1  }
0x8: {  	s3 =	ssub.s32 $0x2, s3;
	s12 =	sshll.u32 s4, $0x4;
	s10 =	smul.u32 $0x25, s8  }
0x9: {  	s29 =	sshrl.u32 s3, $0x1;
	s1 =	rddreg [dreg:$0x3];
	s7 =	sshrl.u32 s7, $0x8  }
0xa: {  	_ =	strace $0x80000047;
	s11 =	smul.u32 $0x7, s7;
	s10 =	sshrl.u32 s10, $0x8  }
0xb: {  	s9 =	sadd.s32 s12, s9;
	s31 =	ssub.s32 s3, s29;
	s13 =	smul.u32 $0x7, s10  }
0xc: {  	s12 =	simm.s32 $0x1;
	s7 =	smul.u32 $0x1C000, s7;
	s4 =	ssub.s32 s4, s11  }
0xd: {  	s10 =	smul.u32 $0x1C000, s10;
	s4 =	sand.u32 $0xFF, s4;
	s8 =	ssub.s32 s8, s13  }
0xe: {  	s11 =	simm.s32 $0xC000;
	s4 =	sshll.u32 s4, $0xE;
	s8 =	sand.u32 $0xFF, s8  }
.Ltmp0:
0xf: {  	s4 =	sadd.s32 s4, s7;
	s30 =	sshll.u32 s8, $0xE;
	(pc) =	sbr.rel .LBB2_1-.Ltmp0, $4  }
0x10: {  	s13 =	simm.s32 $0x2;
	s4 =	sshrl.u32 s4, $0x3;
	s7 =	sadd.s32 s30, s10  }
0x11: {  	s8 =	smax.u32 s31, $0x1;
	s3 =	sadd.s32 s5, s4;
	s7 =	sshrl.u32 s7, $0x3  }
0x12: {  	s4 =	sadd.s32 s6, s4;
	s10 =	simm.s32 $0x8000;
	s5 =	sadd.s32 s5, s7  }
0x13: {  	v0 =	vimm.f32 $0.0e+00;
	s6 =	sadd.s32 s6, s7;
	s7 =	sadd.s32 $0x400, s9;
	s9 =	simm.s32 $0x4000  }
.LBB2_6:
0x14: {  	v6 =	vmin.f32 v56, v57;
	v7 =	vmax.f32 v54, v55  }
0x15: {  	v9 =	vmul.f32 v60, v58;
	v2 =	vmul.f32 v2, v62;
	v3 =	vsub.f32 v3, v50  }
0x16: {  	v55 =	vmax.f32 v59, $0.0e+00;
	v11 =	vmax.f32 v61, $0.0e+00;
	v6 =	vsub.f32 v6, v7  }
0x17: {  	v0 =	vmul.f32 v0, v1;
	v7 =	vmul.f32 v11, v55  }
0x18: {  	v1 =	vadd.f32 v2, v9;
	v3 =	vmax.f32 v3, $0.0e+00;
	v6 =	vmax.f32 v6, $0.0e+00  }
0x19: {  	v0 =	vadd.f32 v2, v0;
	v3 =	vmul.f32 v6, v3  }
0x1a: {  	v1 =	vsub.f32 v1, v7  }
0x1b: {  	v57 =	vld [tilespmem:s23+$0xC000];
	v0 =	vsub.f32 v0, v3  }
0x1c: {  	v14 =	vld [tilespmem:s19+$0x8900];
	(erf) = vrcp.f32 v1  }
0x1d: {  	v15 =	vld [tilespmem:s19+$0xC800];
	(erf) = vrcp.f32 v0  }
0x1e: {  	v18 =	vld [tilespmem:$0x1FE30]  }
0x1f: {  	v19 =	vld [tilespmem:$0x1FEA0]  }
0x20: {  	s21 =	sor.u32 $0x980, s20;
	v50 =	vld [tilespmem:$0x1FE00]  }
0x21: {  	v62 =	vld [tilespmem:s21+$0x8000]  }
0x22: {  	v63 =	vld [tilespmem:s21+$0xC000]  }
0x23: {  	v6 =	vld [tilespmem:s19+$0xC900]  }
0x24: {  	v20 =	vld [tilespmem:s19+$0x8A00]  }
0x25: {  	v21 =	vld [tilespmem:$0x1FE70];
	v56 =	vpop (erf)  }
0x26: {  	v60 =	vmul.f32 v46, v46;
	v61 =	vmul.f32 v48, v48;
	v16 =	vadd.f32 v53, v47;
	v53 =	vld [tilespmem:$0x1FE90];
	v58 =	vpop (erf)  }
0x27: {  	v13 =	vmax.f32 v27, v28;
	v55 =	vld [tilespmem:s19+$0xCA00];
	v27 =	vmul.f32 v56, v7;
	v28 =	vmul.f32 v58, v3  }
0x28: {  	v59 =	vsel vm2, v12, v10;
	v11 =	vsub.f32 v62, v63;
	v6 =	vsub.f32 v14, v6;
	v58 =	vld [tilespmem:$0x1FE80]  }
0x29: {  	s28 =	sor.u32 $0xB80, s20;
	v1 =	vld [tilespmem:s19+$0xD080];
	v7 =	vadd.f32 v61, v60;
	v3 =	vsub.f32 v49, v4;
	vm3 =	vgt.f32 v28, v27  }
0x2a: {  	v62 =	vld [tilespmem:s28+$0x8000];
	v4 =	vsub.f32 v51, v5;
	v5 =	vsub.f32 v59, v13;
	v18 =	vsel vm3, v19, v18  }
0x2b: {  	v63 =	vld [tilespmem:s28+$0xC000];
	v9 =	vsel vm3, v57, v50;
	v21 =	vsel vm3, v21, v53;
	v51 =	vshra.s32 v18, $0x1  }
0x2c: {  	v0 =	vld [tilespmem:s19+$0x9080];
	v54 =	vshra.s32 v9, $0x1;
	v56 =	vshra.s32 v21, $0x1;
	v19 =	vadd.s32 $0x1FBD1DF5, v51  }
0x2d: {  	v59 =	vld [tilespmem:s19+$0xCA80];
	v46 =	vadd.s32 $0x1FBD1DF5, v54;
	v15 =	vsel vm3, v15, v58;
	(erf) = vrcp.f32 v19  }
0x2e: {  	v57 =	vld [tilespmem:s19+$0x8A80];
	v48 =	vadd.s32 $0x1FBD1DF5, v56;
	v60 =	vshra.s32 v15, $0x1;
	(erf) = vrcp.f32 v46  }
0x2f: {  	v2 =	vld [tilespmem:s19+$0x8B00];
	v11 =	vmul.f32 v11, v11;
	v14 =	vadd.s32 $0x1FBD1DF5, v60;
	(erf) = vrcp.f32 v48  }
0x30: {  	v20 =	vsub.f32 v20, v55;
	v6 =	vmul.f32 v6, v6;
	v61 =	vld [tilespmem:s19+$0xCB00];
	(erf) = vrcp.f32 v14  }
0x31: {  	v30 =	vmul.f32 v30, v30;
	v0 =	vsub.f32 v0, v1;
	v1 =	vsub.f32 v62, v63  }
0x32: {  	vm14 =	vgt.f32 v17, $0.0e+00;
	v20 =	vmul.f32 v20, v20;
	v6 =	vadd.f32 v11, v6  }
0x33: {  	v16 =	vadd.f32 v45, v16;
	v1 =	vmul.f32 v1, v1;
	v54 =	vsub.f32 v57, v59  }
0x34: {  	v55 =	vld [tilespmem:s19+$0xD000];
	v6 =	vadd.f32 v20, v6;
	v3 =	vmul.f32 v3, v3;
	v4 =	vmul.f32 v4, v4  }
0x35: {  	v49 =	vsub.f32 v43, v44;
	v53 =	vld [tilespmem:s19+$0x9000];
	v2 =	vsub.f32 v2, v61;
	v56 =	vmul.f32 v54, v54  }
0x36: {  	v0 =	vmul.f32 v0, v0;
	v3 =	vadd.f32 v4, v3;
	v51 =	vadd.f32 v41, v16;
	v57 =	vpop (erf)  }
0x37: {  	v2 =	vmul.f32 v2, v2;
	v6 =	vadd.f32 v56, v6;
	v58 =	vpop (erf);
	v13 =	vmul.f32 v57, v18  }
0x38: {  	s29 =	sor.u32 $0x1180, s20;
	v3 =	vadd.f32 v3, v7;
	v4 =	vadd.f32 v30, v51;
	v59 =	vpop (erf);
	v20 =	vmul.f32 v58, v9  }
0x39: {  	v63 =	vld [tilespmem:s29+$0xC000];
	v2 =	vadd.f32 v2, v6;
	v7 =	vmul.f32 v59, v21;
	v13 =	vadd.f32 v19, v13;
	v62 =	vpop (erf)  }
0x3a: {  	v60 =	vld [tilespmem:s19+$0xD100];
	v11 =	vsub.f32 v53, v55;
	v20 =	vadd.f32 v46, v20;
	v6 =	vmul.f32 v62, v15  }
0x3b: {  	s31 =	sor.u32 $0x1380, s20;
	v61 =	vld [tilespmem:s29+$0x8000];
	v1 =	vadd.f32 v1, v2;
	v7 =	vadd.f32 v48, v7;
	v41 =	vmul.f32 $5.000000000e-01, v13  }
0x3c: {  	v50 =	vld [tilespmem:s31+$0x8000];
	v2 =	vmul.f32 v11, v11;
	v6 =	vadd.f32 v14, v6;
	v45 =	vmul.f32 $5.000000000e-01, v20  }
0x3d: {  	v51 =	vld [tilespmem:s31+$0xC000];
	v54 =	vsub.f32 v34, v35;
	v7 =	vmul.f32 $5.000000000e-01, v7;
	(erf) = vrcp.f32 v41  }
0x3e: {  	v35 =	vld [tilespmem:$0x1FE20];
	v1 =	vadd.f32 v2, v1;
	v2 =	vmul.f32 $5.000000000e-01, v6;
	(erf) = vrcp.f32 v45  }
0x3f: {  	v56 =	vsub.f32 v36, v38;
	v36 =	vld [tilespmem:$0x1FE50];
	v46 =	vsub.f32 v52, v60;
	(erf) = vrcp.f32 v7  }
0x40: {  	v5 =	vmul.f32 v5, v5;
	v47 =	vsub.f32 v61, v63;
	v60 =	vld [tilespmem:s19+$0xC300];
	(erf) = vrcp.f32 v2  }
0x41: {  	s30 =	sor.u32 $0x1980, s20;
	v52 =	vsub.f32 v40, v42;
	v42 =	vld [tilespmem:$0x1FE10];
	v0 =	vadd.f32 v0, v1;
	v14 =	vmul.f32 v46, v46  }
0x42: {  	v5 =	vadd.f32 v5, v5;
	v3 =	vmul.f32 $5.000000000e+00, v3;
	v55 =	vsub.f32 v31, v33;
	v1 =	vld [tilespmem:s30+$0x8000]  }
0x43: {  	v4 =	vadd.f32 v32, v4;
	v48 =	vld [tilespmem:s30+$0xC000];
	v0 =	vadd.f32 v14, v0;
	v6 =	vmul.f32 v47, v47  }
0x44: {  	vm15 =	veq.f32 v17, $0.0e+00;
	v3 =	vadd.f32 v3, v5;
	v5 =	vsub.f32 v50, v51;
	v38 =	vld [tilespmem:$0x1FE40]  }
0x45: {  	v53 =	vmul.f32 v49, v49;
	v59 =	vsub.f32 v37, v39;
	v39 =	vld [tilespmem:$0x1FE60];
	v0 =	vadd.f32 v6, v0  }
0x46: {  	v4 =	vadd.f32 v25, v4;
	v50 =	vsel vm3, v29, v26;
	v5 =	vmul.f32 v5, v5;
	v57 =	vld [tilespmem:s19+$0xC280];
	v58 =	vpop (erf)  }
0x47: {  	v62 =	vsel vm2, v10, v12;
	v40 =	vld [tilespmem:$0x1FDF0];
	v20 =	vmul.f32 v52, v52;
	v0 =	vadd.f32 v53, v0;
	v61 =	vpop (erf)  }
0x48: {  	v14 =	vsel vm3, v36, v35;
	v13 =	vsel vm3, v60, v42;
	v1 =	vsub.f32 v1, v48;
	v63 =	vpop (erf)  }
0x49: {  	v0 =	vadd.f32 v20, v0;
	v6 =	vmul.f32 v58, v18;
	v9 =	vmul.f32 v61, v9;
	v37 =	vpop (erf)  }
0x4a: {  	v20 =	vsel vm3, v39, v38;
	v12 =	vmul.f32 v63, v21;
	v15 =	vmul.f32 v37, v15  }
0x4b: {  	v6 =	vadd.f32 v6, v41;
	v41 =	vmul.f32 v59, v59;
	v9 =	vadd.f32 v9, v45  }
0x4c: {  	v18 =	vsel vm3, v57, v40;
	v7 =	vadd.f32 v12, v7;
	v2 =	vadd.f32 v15, v2  }
0x4d: {  	v0 =	vadd.f32 v41, v0;
	v6 =	vmul.f32 $5.000000000e-01, v6;
	v9 =	vmul.f32 $5.000000000e-01, v9  }
0x4e: {  	v43 =	vsub.f32 v14, v18;
	v44 =	vmul.f32 $5.000000000e-01, v7;
	v2 =	vmul.f32 $5.000000000e-01, v2  }
0x4f: {  	v47 =	vmul.f32 v56, v56;
	v45 =	vsub.f32 v20, v13;
	v0 =	vadd.f32 v5, v0  }
0x50: {  	v48 =	vmul.f32 v54, v54;
	v6 =	vsub.f32 v6, v9;
	v2 =	vsub.f32 v44, v2  }
0x51: {  	v49 =	vmul.f32 v43, v43;
	v7 =	vmul.f32 v45, v45;
	v0 =	vadd.f32 v47, v0  }
0x52: {  	v46 =	vmax.f32 v27, v28;
	v57 =	vld [tilespmem:$0x1FEC0];
	v6 =	vmul.f32 v6, v6;
	v2 =	vmul.f32 v2, v2  }
0x53: {  	v51 =	vmul.f32 v55, v55;
	v11 =	vsub.f32 v50, v46;
	v0 =	vadd.f32 v48, v0  }
0x54: {  	v52 =	vmul.f32 v62, v62;
	v7 =	vadd.f32 v7, v49;
	v2 =	vadd.f32 v2, v6  }
0x55: {  	v53 =	vsub.f32 v23, v24;
	v1 =	vmul.f32 v1, v1;
	v59 =	vld [tilespmem:$0x1FEB0];
	v0 =	vadd.f32 v51, v0  }
0x56: {  	v3 =	vadd.f32 v3, v52;
	v54 =	vmul.f32 v11, v11;
	v2 =	vadd.f32 v2, v7  }
0x57: {  	v55 =	vld [tilespmem:$0x1FED0];
	v0 =	vadd.f32 v1, v0;
	v1 =	vmul.f32 v53, v53;
	v7 =	vsub.f32 v57, v22  }
0x58: {  	v56 =	vld [tilespmem:$0x1FEE0];
	v60 =	vsub.f32 v26, v17;
	v5 =	vadd.f32 v54, v54;
	v2 =	vmul.f32 $5.000000000e+00, v2  }
0x59: {  	v0 =	vadd.f32 v1, v0;
	v1 =	vsel vm3, v26, v29;
	v58 =	vmul.f32 v7, v7  }
0x5a: {  	v1 =	vmul.f32 v1, v1;
	v2 =	vadd.f32 v2, v5;
	v5 =	vsub.f32 v29, v59  }
0x5b: {  	v3 =	vadd.f32 v3, v4;
	v61 =	vimm.f32 $0.0e+00;
	v7 =	vmul.f32 v60, v60  }
0x5c: {  	v0 =	vadd.f32 v58, v0;
	v1 =	vadd.f32 v2, v1;
	v5 =	vmul.f32 v5, v5  }
0x5d: {  	v62 =	vsel vm1, $0x3F000000, v61;
	v6 =	vadd.f32 v56, v55;
	v2 =	vsel vm0, $0x3F800000, v61  }
0x5e: {  	v2 =	vmul.f32 v3, v2;
	v3 =	vadd.f32 v5, v7;
	v0 =	vadd.f32 v1, v0  }
0x5f: {  	v63 =	vsel vm14, $0x3F800000, v61;
	v4 =	vmul.f32 v6, v62;
	v1 =	vsel vm15, $0x3F000000, v61  }
0x60: {  	v1 =	vmul.f32 v3, v1;
	v0 =	vmul.f32 v0, v63  }
0x61: {  	v2 =	vadd.f32 v2, v4  }
0x62: {  	v0 =	vadd.f32 v0, v1;
	v1 =	vld [tilespmem:$0x1FDE0]  }
0x63: {  	v2 =	vadd.f32 v2, v8;
	_ =	sdelay $0x1  }
0x64: {  	v0 =	vadd.f32 v0, v2;
	_ =	sdelay $0x1  }
0x65: {  	v0 =	vadd.f32 v0, v1;
	_ =	sdelay $0x1  }
0x66: {  	[tilespmem:$0x10000] =	vst v0;
	v0 =	vimm.f32 $0.0e+00  }
.LBB2_7:
0x67: {  	s18 =	sadd.s32 $0x1, s18  }
0x68: {  	p1 =	sne.s32 s18, s8  }
.Ltmp1:
0x69: {  	_ = 	snop;
	(pc) =	sbr.rel @!p1 .LBB2_8-.Ltmp1, $4  }
0x6a: {  	[hbm4b:s7+s2] =	stream.linear.scatter [tilespmem:s16], [sflag:$0x5], $0x80, $0x38;
	[tilespmem:$0x10080] =	vst v63  }
0x6b: {  	_ =	swait.ge [sflag:s17], $0x80  }
0x6c: {  	[sflag:s17] =	ssyncset.done $0x0  }
0x6d: {  	[sflag:s17] =	ssyncadd.s32 $0xFFFFFF80  }
.LBB2_1:
0x6e: {  	[tilespmem:s2], [sflag:$0x1] =	stream.linear.gather [hbm4b:s3+s2], $0x4000, $0x38;
	[tilespmem:$0x10080] =	vst v63  }
0x6f: {  	_ = 	snop  }
0x70: {  	[tilespmem:s9], [sflag:$0x2] =	stream.linear.gather [hbm4b:s4+s2], $0x4000, $0x38;
	[tilespmem:$0x10080] =	vst v63  }
0x71: {  	_ = 	snop  }
0x72: {  	[tilespmem:s10], [sflag:$0x3] =	stream.linear.gather [hbm4b:s5+s2], $0x4000, $0x38;
	[tilespmem:$0x10080] =	vst v63  }
0x73: {  	_ = 	snop  }
0x74: {  	[tilespmem:s11], [sflag:$0x4] =	stream.linear.gather [hbm4b:s6+s2], $0x4000, $0x38;
	[tilespmem:$0x10080] =	vst v63  }
0x75: {  	[tilespmem:$0x10000] =	vst v0  }
0x76: {  	_ =	swait.ge [sflag:s12], $0x4000  }
0x77: {  	[sflag:s12] =	ssyncset.done $0x0  }
0x78: {  	[sflag:s12] =	ssyncadd.s32 $0xFFFFC000  }
0x79: {  	s19 =	sand.u32 $0x400, s2;
	s20 =	sand.u32 $0x2000, s2;
	_ =	swait.ge [sflag:s13], $0x4000  }
0x7a: {  	s21 =	sand.u32 $0x70, s2;
	s20 =	sor.u32 s19, s20;
	[sflag:s13] =	ssyncset.done $0x0  }
0x7b: {  	s24 =	sor.u32 s21, s20;
	[sflag:s13] =	ssyncadd.s32 $0xFFFFC000  }
0x7c: {  	v24 =	vld [tilespmem:s24+$0x0]  }
0x7d: {  	v17 =	vld [tilespmem:s24+$0x80]  }
0x7e: {  	v10 =	vld [tilespmem:s24+$0x100]  }
0x7f: {  	v19 =	vld [tilespmem:s24+$0x4000]  }
0x80: {  	v7 =	vld [tilespmem:s24+$0x4080]  }
0x81: {  	s22 =	sand.u32 $0xFFFFE000, s2;
	v8 =	vld [tilespmem:s24+$0x4100]  }
0x82: {  	s20 =	sadd.s32 $0x0, s22;
	v32 =	vld [tilespmem:s24+$0x280]  }
0x83: {  	s25 =	sadd.s32 s19, s20;
	v31 =	vld [tilespmem:s24+$0x300]  }
0x84: {  	s19 =	sor.u32 $0x180, s25;
	v18 =	vld [tilespmem:s24+$0x800]  }
0x85: {  	v20 =	vld [tilespmem:s19+$0x0]  }
0x86: {  	s26 =	sor.u32 $0x380, s25;
	v16 =	vld [tilespmem:s19+$0x4000]  }
0x87: {  	v21 =	vld [tilespmem:s26+$0x0]  }
0x88: {  	v0 =	vld [tilespmem:s24+$0x1A80]  }
0x89: {  	v1 =	vld [tilespmem:s24+$0x5A80]  }
0x8a: {  	v2 =	vld [tilespmem:s24+$0x1A00]  }
0x8b: {  	v3 =	vld [tilespmem:s24+$0x5A00]  }
0x8c: {  	v4 =	vld [tilespmem:s24+$0x1900]  }
0x8d: {  	v11 =	vld [tilespmem:s24+$0x5900]  }
0x8e: {  	v22 =	vld [tilespmem:s24+$0x1800]  }
0x8f: {  	v23 =	vld [tilespmem:s24+$0x5800]  }
0x90: {  	v25 =	vld [tilespmem:s24+$0x1300];
	v5 =	vmul.f32 $7.142857460e-02, v19;
	v6 =	vmul.f32 $5.000000000e-01, v8  }
0x91: {  	v26 =	vld [tilespmem:s24+$0x5300];
	[tilespmem:$0x1FFF0] =	vst v7;
	v7 =	vmul.f32 $7.142857460e-02, v7;
	v9 =	vmul.f32 $7.142857460e-02, v24  }
0x92: {  	v28 =	vld [tilespmem:s24+$0x1280];
	v12 =	vmul.f32 $5.000000000e-01, v10;
	v27 =	vmul.f32 $7.142857460e-02, v17  }
0x93: {  	v33 =	vld [tilespmem:s24+$0x5280];
	v29 =	vmul.f32 $7.142857460e-02, v31;
	v30 =	vmul.f32 $5.000000000e-01, v18  }
0x94: {  	v40 =	vld [tilespmem:s24+$0x1200];
	v34 =	vmul.f32 $5.000000000e-01, v16;
	v35 =	vsub.f32 v5, v6;
	v5 =	vadd.f32 v6, v5  }
0x95: {  	v41 =	vld [tilespmem:s24+$0x5200];
	v39 =	vmul.f32 $5.000000000e-01, v21;
	v36 =	vsub.f32 v9, v12;
	v9 =	vadd.f32 v12, v9  }
0x96: {  	v42 =	vld [tilespmem:s24+$0x1100];
	v12 =	vmul.f32 $5.000000000e-01, v20;
	v37 =	vsub.f32 v29, v30;
	v38 =	vsub.f32 v7, v34  }
0x97: {  	v45 =	vld [tilespmem:s24+$0x5080];
	v6 =	vmul.f32 $7.142857460e-02, v32;
	v29 =	vadd.f32 v30, v29;
	v7 =	vadd.f32 v34, v7  }
0x98: {  	v46 =	vld [tilespmem:s24+$0x1000];
	v58 =	vsub.f32 v27, v12;
	v12 =	vadd.f32 v12, v27  }
0x99: {  	s23 =	simm.s32 $0x80;
	s21 =	simm.s32 $0x200;
	v48 =	vld [tilespmem:s24+$0x5000];
	v43 =	vsub.f32 v6, v39;
	v44 =	vmin.f32 v9, v5;
	v9 =	vsub.f32 v9, v36  }
0x9a: {  	s28 =	sand.u32 $0x400, s23;
	s22 =	simm.s32 $0x10;
	s29 =	sand.u32 $0x2000, s21;
	v50 =	vld [tilespmem:s24+$0xB00];
	v6 =	vadd.f32 v39, v6;
	v36 =	vmax.f32 v36, v35;
	v59 =	vsub.f32 v5, v35  }
0x9b: {  	s23 =	sand.u32 $0x70, s22;
	s19 =	sor.u32 s28, s29;
	v63 =	vld [tilespmem:s24+$0x900];
	v60 =	vsub.f32 v29, v37;
	v49 =	vsub.f32 v7, v38;
	v61 =	vmax.f32 v37, v38  }
0x9c: {  	v53 =	vld [tilespmem:s24+$0x4900];
	s19 =	sor.u32 s23, s19;
	v36 =	vsub.f32 v44, v36;
	v47 =	vmin.f32 v12, v7;
	v12 =	vsub.f32 v12, v58  }
0x9d: {  	v55 =	vld [tilespmem:s19+$0x100];
	v34 =	vmax.f32 v58, v38;
	v51 =	vsub.f32 v6, v43;
	v5 =	vmin.f32 v6, v5  }
0x9e: {  	v56 =	vld [tilespmem:s19+$0x4100];
	v6 =	vmax.f32 v43, v35;
	v7 =	vmin.f32 v29, v7;
	v34 =	vsub.f32 v47, v34  }
0x9f: {  	s30 =	sand.u32 $0xFFFFE000, s21;
	v14 =	vld [tilespmem:s19+$0x280];
	v5 =	vsub.f32 v5, v6;
	v6 =	vsub.f32 v7, v61  }
0xa0: {  	s23 =	sadd.s32 $0x10, s30;
	v57 =	vld [tilespmem:s19+$0x800];
	v7 =	vmax.f32 v36, $0.0e+00;
	v9 =	vmul.f32 v12, v9;
	v12 =	vmul.f32 v49, v59  }
0xa1: {  	s20 =	sadd.s32 s28, s23;
	v30 =	vld [tilespmem:s24+$0x5100];
	v62 =	vmul.f32 v60, v51;
	v34 =	vmax.f32 v34, $0.0e+00;
	v5 =	vmax.f32 v5, $0.0e+00  }
0xa2: {  	s28 =	sor.u32 $0x180, s20;
	v27 =	vld [tilespmem:s24+$0x1080];
	v6 =	vmax.f32 v6, $0.0e+00;
	v9 =	vadd.f32 v12, v9;
	v52 =	vmul.f32 v34, v7  }
0xa3: {  	v37 =	vsub.f32 v4, v11;
	v11 =	vld [tilespmem:s28+$0x0];
	v54 =	vmul.f32 v6, v5;
	v5 =	vadd.f32 v12, v62  }
0xa4: {  	[tilespmem:$0x1FF00] =	vst v56;
	v4 =	vmul.f32 $5.000000000e-01, v56;
	v56 =	vld [tilespmem:s24+$0x4800];
	v6 =	vsub.f32 v9, v52  }
0xa5: {  	v44 =	vld [tilespmem:s24+$0x4A00];
	v5 =	vsub.f32 v5, v54  }
0xa6: {  	v29 =	vld [tilespmem:s24+$0xA80];
	(erf) = vrcp.f32 v6  }
0xa7: {  	v43 =	vld [tilespmem:s24+$0x4A80];
	(erf) = vrcp.f32 v5  }
0xa8: {  	v35 =	vsub.f32 v2, v3;
	v3 =	vld [tilespmem:s28+$0x4000]  }
0xa9: {  	s31 =	sor.u32 $0x1980, s25;
	v38 =	vsub.f32 v22, v23;
	v23 =	vld [tilespmem:s26+$0x4000]  }
0xaa: {  	v58 =	vsub.f32 v40, v41;
	v41 =	vld [tilespmem:s31+$0x0]  }
0xab: {  	v49 =	vld [tilespmem:s24+$0xA00]  }
0xac: {  	v7 =	vld [tilespmem:s19+$0x80]  }
0xad: {  	v39 =	vsub.f32 v25, v26;
	v9 =	vld [tilespmem:s19+$0x300]  }
0xae: {  	v40 =	vsub.f32 v46, v48;
	v51 =	vsub.f32 v63, v53;
	v6 =	vld [tilespmem:s19+$0x4000]  }
0xaf: {  	s29 =	sor.u32 $0x980, s25;
	v34 =	vsub.f32 v0, v1;
	v1 =	vsub.f32 v42, v30;
	v5 =	vld [tilespmem:s19+$0x4080];
	v2 =	vpop (erf)  }
0xb0: {  	v46 =	vld [tilespmem:s29+$0x0];
	v30 =	vsub.f32 v27, v45;
	v45 =	vmul.f32 $7.142857460e-02, v14;
	v51 =	vmul.f32 v51, v51;
	v25 =	vpop (erf)  }
0xb1: {  	v28 =	vsub.f32 v28, v33;
	v47 =	vld [tilespmem:s24+$0x4B00];
	v26 =	vmul.f32 v2, v52;
	v27 =	vmul.f32 v25, v54  }
0xb2: {  	s23 =	sor.u32 $0x380, s20;
	v12 =	vld [tilespmem:s19+$0x0];
	v1 =	vmul.f32 v1, v1;
	v30 =	vmul.f32 v30, v30;
	v44 =	vsub.f32 v49, v44  }
0xb3: {  	v42 =	vmul.f32 $7.142857460e-02, v7;
	[tilespmem:$0x1FEF0] =	vst v6;
	v0 =	vmul.f32 $7.142857460e-02, v6;
	v6 =	vld [tilespmem:s23+$0x0];
	vm2 =	vgt.f32 v27, v26  }
0xb4: {  	v48 =	vmul.f32 $7.142857460e-02, v9;
	v22 =	vmul.f32 $7.142857460e-02, v5;
	v52 =	vsel vm2, v21, v10;
	v10 =	vld [tilespmem:s29+$0x4000]  }
0xb5: {  	s30 =	sor.u32 $0x1380, s25;
	v49 =	vsub.f32 v0, v4;
	v21 =	vld [tilespmem:s31+$0x4000];
	v62 =	vsel vm2, v23, v8;
	v8 =	vshra.s32 v52, $0x1  }
0xb6: {  	v61 =	vsel vm2, v18, v20;
	v18 =	vld [tilespmem:s30+$0x0];
	v63 =	vsel vm2, v56, v16;
	v8 =	vadd.s32 $0x1FBD1DF5, v8  }
0xb7: {  	v20 =	vld [tilespmem:s30+$0x4000];
	v56 =	vmul.f32 $5.000000000e-01, v3;
	v16 =	vshra.s32 v62, $0x1;
	(erf) = vrcp.f32 v8  }
0xb8: {  	[tilespmem:$0x1FF80] =	vst v3;
	s31 =	sor.u32 $0x1180, s25;
	v3 =	vadd.f32 v4, v0;
	v0 =	vld [tilespmem:s19+$0x4880];
	v23 =	vshra.s32 v61, $0x1;
	v16 =	vadd.s32 $0x1FBD1DF5, v16  }
0xb9: {  	s25 =	sor.u32 $0xB80, s25;
	v33 =	vld [tilespmem:s31+$0x0];
	v59 =	vshra.s32 v63, $0x1;
	(erf) = vrcp.f32 v16;
	v10 =	vsub.f32 v46, v10  }
0xba: {  	v2 =	vmul.f32 $7.142857460e-02, v12;
	v60 =	vld [tilespmem:s25+$0x4000];
	v23 =	vadd.s32 $0x1FBD1DF5, v23;
	v53 =	vadd.s32 $0x1FBD1DF5, v59  }
0xbb: {  	(erf) = vrcp.f32 v23;
	v46 =	vsub.f32 v50, v47;
	v50 =	vld [tilespmem:s25+$0x0];
	v10 =	vmul.f32 v10, v10  }
0xbc: {  	v43 =	vsub.f32 v29, v43;
	v25 =	vmul.f32 $5.000000000e-01, v55;
	v54 =	vld [tilespmem:s31+$0x4000];
	(erf) = vrcp.f32 v53  }
0xbd: {  	v29 =	vsub.f32 v41, v21;
	v21 =	vmul.f32 v44, v44;
	[tilespmem:$0x1FFB0] =	vst v0;
	v0 =	vld [tilespmem:s19+$0x1A80];
	v10 =	vadd.f32 v10, v51  }
0xbe: {  	[tilespmem:$0x1FF70] =	vst v57;
	v47 =	vmul.f32 $5.000000000e-01, v57;
	v57 =	vmul.f32 $5.000000000e-01, v11  }
0xbf: {  	[tilespmem:$0x1FF10] =	vst v5;
	v5 =	vsub.f32 v18, v20;
	v18 =	vmul.f32 v43, v43;
	v10 =	vadd.f32 v21, v10  }
0xc0: {  	v41 =	vmul.f32 $5.000000000e-01, v6;
	v43 =	vmul.f32 v46, v46;
	v20 =	vsub.f32 v50, v60;
	v59 =	vpop (erf)  }
0xc1: {  	v21 =	vmul.f32 v40, v40;
	v40 =	vmul.f32 v59, v52;
	v10 =	vadd.f32 v18, v10  }
0xc2: {  	v33 =	vsub.f32 v33, v54;
	[tilespmem:$0x1FFC0] =	vst v0;
	v0 =	vadd.f32 v41, v45;
	v20 =	vmul.f32 v20, v20;
	v60 =	vpop (erf)  }
0xc3: {  	v18 =	vmul.f32 v60, v62;
	v8 =	vadd.f32 v8, v40;
	v10 =	vadd.f32 v43, v10  }
0xc4: {  	v54 =	vpop (erf);
	v60 =	vmul.f32 v58, v58;
	v40 =	vsub.f32 v2, v25;
	v2 =	vadd.f32 v25, v2  }
0xc5: {  	v13 =	vld [tilespmem:s24+$0x1880];
	[tilespmem:$0x1FF30] =	vst v55;
	v55 =	vmul.f32 v54, v61;
	v59 =	vpop (erf);
	v54 =	vsub.f32 v22, v56;
	v56 =	vadd.f32 v56, v22  }
0xc6: {  	v15 =	vld [tilespmem:s24+$0x5880];
	v4 =	vadd.f32 v16, v18;
	v16 =	vmul.f32 v59, v63;
	v20 =	vadd.f32 v20, v10  }
0xc7: {  	v46 =	vld [tilespmem:s24+$0x4880];
	v25 =	vmul.f32 v33, v33;
	v33 =	vadd.f32 v57, v42;
	v18 =	vadd.f32 v23, v55  }
0xc8: {  	v43 =	vld [tilespmem:s24+$0x4200];
	v50 =	vmul.f32 $5.000000000e-01, v8;
	v23 =	vadd.f32 v53, v16;
	v20 =	vadd.f32 v21, v20  }
0xc9: {  	v22 =	vld [tilespmem:s19+$0x1A00];
	v55 =	vadd.f32 v47, v48;
	v4 =	vmul.f32 $5.000000000e-01, v4;
	v51 =	vmul.f32 $5.000000000e-01, v18  }
0xca: {  	[tilespmem:$0x1FF50] =	vst v14;
	v8 =	vld [tilespmem:s24+$0x200];
	(erf) = vrcp.f32 v50;
	v14 =	vmul.f32 $5.000000000e-01, v23;
	v23 =	vadd.f32 v30, v20  }
0xcb: {  	v10 =	vld [tilespmem:s24+$0x880];
	v44 =	vmin.f32 v2, v3;
	v53 =	vsub.f32 v48, v47;
	(erf) = vrcp.f32 v4  }
0xcc: {  	v16 =	vld [tilespmem:s19+$0x4200];
	v47 =	vsub.f32 v45, v41;
	(erf) = vrcp.f32 v51;
	v1 =	vadd.f32 v1, v23  }
0xcd: {  	v41 =	vmul.f32 v28, v28;
	v28 =	vld [tilespmem:s19+$0x880];
	vm0 =	vgt.f32 v43, $0.0e+00;
	v30 =	vsub.f32 v42, v57  }
0xce: {  	v21 =	vld [tilespmem:s19+$0x5A80];
	v57 =	vsub.f32 v2, v40;
	v40 =	vmax.f32 v40, v49;
	v1 =	vadd.f32 v25, v1  }
0xcf: {  	v42 =	vsel vm2, v32, v24;
	v32 =	vld [tilespmem:s19+$0x5900];
	(erf) = vrcp.f32 v14;
	v58 =	vsub.f32 v44, v40  }
0xd0: {  	vm1 =	veq.f32 v43, $0.0e+00;
	v40 =	vld [tilespmem:s24+$0x4280];
	v43 =	vsub.f32 v8, v43;
	v1 =	vadd.f32 v60, v1  }
0xd1: {  	v36 =	vsub.f32 v13, v15;
	v45 =	vmin.f32 v33, v56;
	v44 =	vsel vm2, v31, v17;
	v23 =	vld [tilespmem:s19+$0x5A00]  }
0xd2: {  	v31 =	vsub.f32 v10, v46;
	v59 =	vsub.f32 v33, v30;
	v33 =	vld [tilespmem:s19+$0x1880];
	v2 =	vmul.f32 v43, v43  }
0xd3: {  	v43 =	vmul.f32 v36, v36;
	v36 =	vld [tilespmem:s19+$0x1300];
	v48 =	vpop (erf)  }
0xd4: {  	v25 =	vld [tilespmem:s19+$0x200];
	[tilespmem:$0x1FFD0] =	vst v2;
	v2 =	vmul.f32 v31, v31;
	v41 =	vadd.f32 v41, v1;
	v1 =	vpop (erf)  }
0xd5: {  	v31 =	vmul.f32 v35, v35;
	v35 =	vld [tilespmem:s19+$0x1800];
	v1 =	vmul.f32 v1, v62;
	v24 =	vpop (erf)  }
0xd6: {  	v52 =	vmul.f32 v48, v52;
	v48 =	vmul.f32 v24, v61;
	v61 =	vld [tilespmem:s24+$0x4300]  }
0xd7: {  	v30 =	vmax.f32 v30, v54;
	v4 =	vadd.f32 v1, v4;
	v1 =	vld [tilespmem:$0x1FFF0]  }
0xd8: {  	v39 =	vmul.f32 v39, v39;
	v60 =	vsub.f32 v45, v30;
	v30 =	vld [tilespmem:s19+$0x1900];
	v50 =	vadd.f32 v52, v50;
	v17 =	vpop (erf)  }
0xd9: {  	v52 =	vmul.f32 v38, v38;
	v38 =	vld [tilespmem:s19+$0x5300];
	v62 =	vsel vm2, v40, v19;
	v46 =	vmul.f32 v17, v63  }
0xda: {  	v40 =	vmul.f32 v37, v37;
	v37 =	vld [tilespmem:s19+$0x5800];
	v24 =	vmul.f32 v34, v34;
	v51 =	vadd.f32 v48, v51  }
0xdb: {  	[tilespmem:$0x1FFE0] =	vst v2;
	v34 =	vld [tilespmem:s19+$0x5880];
	v45 =	vsub.f32 v42, v62;
	v48 =	vmul.f32 $5.000000000e-01, v50;
	v2 =	vadd.f32 v46, v14  }
0xdc: {  	[tilespmem:$0x1FF90] =	vst v11;
	v42 =	vld [tilespmem:s19+$0x1200];
	v14 =	vmul.f32 v5, v5;
	v50 =	vmul.f32 $5.000000000e-01, v51;
	v63 =	vsel vm2, v61, v1  }
0xdd: {  	[tilespmem:$0x1FF20] =	vst v12;
	v51 =	vld [tilespmem:s19+$0x1100];
	v61 =	vsub.f32 v3, v49;
	v1 =	vmin.f32 v0, v3;
	v3 =	vadd.f32 v39, v41  }
0xde: {  	[tilespmem:$0x1FF40] =	vst v7;
	v62 =	vsub.f32 v55, v53;
	v39 =	vld [tilespmem:s19+$0x1280];
	v0 =	vsub.f32 v0, v47;
	v49 =	vmax.f32 v47, v49  }
0xdf: {  	[tilespmem:$0x1FF60] =	vst v9;
	v41 =	vld [tilespmem:s19+$0x5280];
	v47 =	vsub.f32 v44, v63;
	v46 =	vadd.f32 v14, v3;
	v3 =	vmul.f32 $5.000000000e-01, v4  }
0xe0: {  	[tilespmem:$0x1FFA0] =	vst v6;
	s24 =	simm.s32 $0x100;
	v44 =	vld [tilespmem:s19+$0x5200];
	v4 =	vmul.f32 $5.000000000e-01, v2;
	v2 =	vsub.f32 v56, v54;
	v14 =	vimm.f32 $0.0e+00  }
.LBB2_2:
0xe1: {  	_ = 	snop  }
0xe2: {  	v3 =	vsub.f32 v48, v3  }
0xe3: {  	v26 =	vmax.f32 v26, v27;
	v4 =	vsub.f32 v50, v4;
	v46 =	vadd.f32 v52, v46  }
0xe4: {  	v48 =	vsel vm2, v10, v8;
	v45 =	vmul.f32 v45, v45;
	v47 =	vmul.f32 v47, v47  }
0xe5: {  	v3 =	vmul.f32 v3, v3;
	v4 =	vmul.f32 v4, v4;
	v43 =	vadd.f32 v43, v46  }
0xe6: {  	v29 =	vmul.f32 v29, v29;
	v26 =	vsub.f32 v48, v26;
	v45 =	vadd.f32 v47, v45  }
0xe7: {  	v63 =	vld [tilespmem:s19+$0x5100];
	v2 =	vmul.f32 v2, v61;
	v3 =	vadd.f32 v4, v3;
	v40 =	vadd.f32 v40, v43  }
0xe8: {  	v27 =	vld [tilespmem:s19+$0x1080];
	v0 =	vmul.f32 v62, v0;
	v26 =	vmul.f32 v26, v26  }
0xe9: {  	v5 =	vld [tilespmem:s19+$0x5080];
	v59 =	vmul.f32 v59, v57;
	v3 =	vadd.f32 v3, v45;
	v29 =	vadd.f32 v29, v40  }
0xea: {  	v6 =	vld [tilespmem:$0x1FFE0];
	v61 =	vsel vm2, v8, v10;
	v0 =	vadd.f32 v2, v0;
	v26 =	vadd.f32 v26, v26  }
0xeb: {  	v10 =	vmovc v28;
	v3 =	vmul.f32 $5.000000000e+00, v3;
	v28 =	vadd.f32 v31, v29;
	v31 =	vadd.f32 v2, v59;
	v2 =	vld [tilespmem:$0x1FFD0]  }
0xec: {  	v11 =	vld [tilespmem:$0x1FFA0];
	v50 =	vmin.f32 v55, v56  }
0xed: {  	v52 =	vld [tilespmem:s19+$0x1000];
	v56 =	vmax.f32 v53, v54;
	v3 =	vadd.f32 v3, v26;
	v26 =	vmul.f32 v61, v61  }
0xee: {  	v1 =	vsub.f32 v1, v49;
	v55 =	vld [tilespmem:s19+$0x5000];
	v46 =	vsub.f32 v50, v56  }
0xef: {  	v60 =	vmax.f32 v60, $0.0e+00;
	v53 =	vld [tilespmem:s19+$0x4B00];
	v24 =	vadd.f32 v24, v28;
	v3 =	vadd.f32 v3, v26  }
0xf0: {  	s21 =	sadd.s32 $0x200, s21;
	v54 =	vld [tilespmem:s19+$0x4A80];
	v45 =	vmax.f32 v58, $0.0e+00;
	v2 =	vadd.f32 v6, v2;
	v6 =	vimm.f32 $0.0e+00  }
0xf1: {  	s26 =	sand.u32 $0x400, s24;
	s22 =	sadd.s32 $0x10, s22;
	s25 =	sand.u32 $0x2000, s21;
	v3 =	vadd.f32 v3, v24;
	v19 =	vsel vm1, $0x3F000000, v6;
	v24 =	vsel vm0, $0x3F800000, v6;
	v6 =	vld [tilespmem:$0x1FFC0]  }
0xf2: {  	s28 =	sand.u32 $0x70, s22;
	s25 =	sor.u32 s26, s25;
	v1 =	vmax.f32 v1, $0.0e+00;
	v56 =	vld [tilespmem:s19+$0x4900];
	v62 =	vmax.f32 v46, $0.0e+00;
	v57 =	vmul.f32 v60, v45  }
0xf3: {  	s25 =	sor.u32 s28, s25;
	v8 =	vmov v25;
	v25 =	vld [tilespmem:s19+$0x4A00];
	v1 =	vmul.f32 v62, v1  }
0xf4: {  	v48 =	vld [tilespmem:s25+$0x4000];
	v17 =	vsub.f32 v31, v57  }
0xf5: {  	v49 =	vld [tilespmem:s25+$0x300];
	v0 =	vsub.f32 v0, v1  }
0xf6: {  	s29 =	sand.u32 $0xFFFFE000, s21;
	(erf) = vrcp.f32 v17;
	v20 =	vsub.f32 v6, v21;
	v6 =	vld [tilespmem:$0x1FFB0]  }
0xf7: {  	s28 =	sadd.s32 s29, s22;
	v4 =	vld [tilespmem:s19+$0xB00];
	(erf) = vrcp.f32 v0  }
0xf8: {  	s26 =	sadd.s32 s26, s28;
	v43 =	vld [tilespmem:s19+$0xA80]  }
0xf9: {  	v51 =	vsub.f32 v51, v63;
	s29 =	sor.u32 $0x380, s26;
	v63 =	vld [tilespmem:s23+$0x4000];
	v2 =	vmul.f32 v2, v19;
	v19 =	vsub.f32 v8, v16  }
0xfa: {  	v62 =	vld [tilespmem:s29+$0x0];
	v3 =	vmul.f32 v3, v24  }
0xfb: {  	v40 =	vld [tilespmem:s19+$0xA00];
	v9 =	vmul.f32 v19, v19;
	v18 =	vsub.f32 v10, v6  }
0xfc: {  	v31 =	vld [tilespmem:s25+$0x100];
	v2 =	vadd.f32 v3, v2  }
0xfd: {  	v0 =	vld [tilespmem:s25+$0x4100];
	[tilespmem:$0x1FFD0] =	vst v9;
	v9 =	vmul.f32 v18, v18  }
0xfe: {  	v14 =	vadd.f32 v2, v14;
	v2 =	vld [tilespmem:s25+$0x800]  }
0xff: {  	v17 =	vpop (erf);
	[tilespmem:$0x1FFE0] =	vst v9;
	v9 =	vld [tilespmem:$0x1FF30]  }
0x100: {  	s28 =	sor.u32 $0x180, s26;
	v5 =	vsub.f32 v27, v5;
	v58 =	vsub.f32 v36, v38;
	v29 =	vld [tilespmem:s19+$0x900];
	v24 =	vpop (erf)  }
0x101: {  	v59 =	vld [tilespmem:s28+$0x0];
	v21 =	vsub.f32 v22, v23;
	v26 =	vmul.f32 v17, v57;
	v27 =	vmul.f32 v24, v1  }
0x102: {  	v22 =	vsub.f32 v30, v32;
	v32 =	vsub.f32 v42, v44;
	v42 =	vld [tilespmem:s19+$0x4800]  }
0x103: {  	v61 =	vmul.f32 $5.000000000e-01, v0;
	v17 =	vmovc v0;
	v36 =	vmul.f32 $5.000000000e-01, v2;
	vm2 =	vgt.f32 v27, v26;
	v0 =	vmovc v2;
	v2 =	vld [tilespmem:$0x1FF80]  }
0x104: {  	v38 =	vsel vm2, v11, v9;
	v9 =	vmov v31;
	v11 =	vld [tilespmem:$0x1FF90]  }
0x105: {  	s30 =	sor.u32 $0x1980, s20;
	[tilespmem:$0x1FF30] =	vst v9;
	v9 =	vld [tilespmem:$0x1FF70]  }
0x106: {  	s31 =	sor.u32 $0x980, s20;
	v4 =	vsub.f32 v4, v53;
	v53 =	vsub.f32 v43, v54;
	v54 =	vld [tilespmem:s30+$0x0]  }
0x107: {  	v25 =	vsub.f32 v40, v25;
	v40 =	vld [tilespmem:s31+$0x0]  }
0x108: {  	v56 =	vsub.f32 v29, v56;
	v29 =	vld [tilespmem:s30+$0x4000];
	vm0 =	vgt.f32 v16, $0.0e+00  }
0x109: {  	vm1 =	veq.f32 v16, $0.0e+00;
	v16 =	vsub.f32 v39, v41;
	v44 =	vld [tilespmem:s28+$0x4000];
	v13 =	vshra.s32 v38, $0x1  }
0x10a: {  	s23 =	smov.u32 s29;
	s29 =	sor.u32 $0x1380, s20;
	v42 =	vsel vm2, v42, v2;
	v2 =	vadd.s32 $0x1FBD1DF5, v13;
	v39 =	vsel vm2, v9, v11;
	v9 =	vld [tilespmem:$0x1FF00]  }
0x10b: {  	v51 =	vmul.f32 v51, v51;
	v57 =	vld [tilespmem:s29+$0x0];
	(erf) = vrcp.f32 v2  }
0x10c: {  	v5 =	vmul.f32 v5, v5;
	v60 =	vmul.f32 $7.142857460e-02, v48;
	s30 =	sor.u32 $0x1180, s20;
	v18 =	vld [tilespmem:s31+$0x4000]  }
0x10d: {  	v55 =	vsub.f32 v52, v55;
	v28 =	vmul.f32 $7.142857460e-02, v49;
	v24 =	vmul.f32 v20, v20;
	v20 =	vld [tilespmem:s30+$0x0]  }
0x10e: {  	v7 =	vmul.f32 $5.000000000e-01, v31;
	v3 =	vsub.f32 v33, v34;
	v23 =	vsub.f32 v35, v37;
	[tilespmem:$0x1FF70] =	vst v0;
	v0 =	vld [tilespmem:s29+$0x4000]  }
0x10f: {  	v37 =	vmul.f32 $5.000000000e-01, v59;
	v1 =	vmul.f32 $5.000000000e-01, v44;
	v11 =	vmovc v44;
	v44 =	vld [tilespmem:s30+$0x4000];
	v41 =	vsel vm2, v63, v9  }
0x110: {  	v35 =	vmul.f32 $5.000000000e-01, v62;
	v43 =	vmul.f32 v3, v3;
	v15 =	vshra.s32 v41, $0x1  }
0x111: {  	v47 =	vld [tilespmem:s25+$0x4080];
	v12 =	vmovc v59;
	v18 =	vsub.f32 v40, v18;
	v31 =	vshra.s32 v39, $0x1;
	v59 =	vadd.s32 $0x1FBD1DF5, v15  }
0x112: {  	v50 =	vld [tilespmem:s25+$0x280];
	v3 =	vmul.f32 v56, v56;
	v9 =	vmovc v62;
	v62 =	vadd.s32 $0x1FBD1DF5, v31;
	(erf) = vrcp.f32 v59  }
0x113: {  	v45 =	vld [tilespmem:s25+$0x80];
	v52 =	vshra.s32 v42, $0x1;
	v18 =	vmul.f32 v18, v18;
	(erf) = vrcp.f32 v62  }
0x114: {  	v46 =	vld [tilespmem:s25+$0x0];
	s31 =	sor.u32 $0xB80, s20;
	v0 =	vsub.f32 v57, v0;
	[tilespmem:$0x1FF80] =	vst v11;
	v11 =	vmul.f32 v16, v16;
	v57 =	vsub.f32 v20, v44;
	v20 =	vpop (erf)  }
0x115: {  	v16 =	vmul.f32 v25, v25;
	v63 =	vld [tilespmem:s31+$0x0];
	[tilespmem:$0x1FFA0] =	vst v9;
	v9 =	vadd.s32 $0x1FBD1DF5, v52;
	v13 =	vmul.f32 v20, v38  }
0x116: {  	v3 =	vadd.f32 v18, v3;
	v31 =	vmul.f32 v21, v21;
	v21 =	vld [tilespmem:s31+$0x4000];
	(erf) = vrcp.f32 v9  }
0x117: {  	v4 =	vmul.f32 v4, v4;
	v30 =	vmul.f32 $7.142857460e-02, v47;
	v2 =	vadd.f32 v2, v13;
	v13 =	vld [tilespmem:s25+$0x4880]  }
0x118: {  	v33 =	vmul.f32 $7.142857460e-02, v45;
	v3 =	vadd.f32 v16, v3;
	v16 =	vmul.f32 v53, v53  }
0x119: {  	v34 =	vmul.f32 $7.142857460e-02, v50;
	v29 =	vsub.f32 v54, v29;
	v54 =	vsub.f32 v30, v1  }
0x11a: {  	v6 =	vmul.f32 $7.142857460e-02, v46;
	v56 =	vadd.f32 v1, v30;
	v3 =	vadd.f32 v16, v3  }
0x11b: {  	v40 =	vmul.f32 v22, v22;
	[tilespmem:$0x1FF90] =	vst v12;
	v12 =	vadd.f32 v61, v60;
	v18 =	vsub.f32 v63, v21;
	v21 =	vpop (erf)  }
0x11c: {  	v25 =	vmul.f32 v55, v55;
	v52 =	vmul.f32 v23, v23;
	v3 =	vadd.f32 v4, v3;
	[tilespmem:$0x1FFB0] =	vst v13;
	v13 =	vld [tilespmem:s25+$0x1A80];
	v22 =	vpop (erf)  }
0x11d: {  	v63 =	vsub.f32 v60, v61;
	v23 =	vmul.f32 v18, v18;
	v22 =	vmul.f32 v22, v39  }
0x11e: {  	v60 =	vsub.f32 v6, v7;
	v6 =	vadd.f32 v7, v6;
	v7 =	vmul.f32 $5.000000000e-01, v2  }
0x11f: {  	v3 =	vadd.f32 v23, v3;
	v21 =	vmul.f32 v21, v41;
	v20 =	vpop (erf);
	v2 =	vadd.f32 v62, v22  }
0x120: {  	v55 =	vadd.f32 v36, v28;
	v53 =	vsub.f32 v28, v36;
	v61 =	vmul.f32 v20, v42  }
0x121: {  	[tilespmem:$0x1FFC0] =	vst v13;
	v4 =	vadd.f32 v59, v21;
	v13 =	vmul.f32 $5.000000000e-01, v2;
	v2 =	vadd.f32 v25, v3  }
0x122: {  	v44 =	vmul.f32 v58, v58;
	v36 =	vmul.f32 v57, v57;
	v9 =	vadd.f32 v9, v61  }
0x123: {  	v57 =	vsub.f32 v6, v60;
	v4 =	vmul.f32 $5.000000000e-01, v4;
	v1 =	vadd.f32 v5, v2  }
0x124: {  	v30 =	vld [tilespmem:s25+$0x1900];
	(erf) = vrcp.f32 v7;
	v59 =	vmax.f32 v60, v63;
	v3 =	vmul.f32 $5.000000000e-01, v9  }
0x125: {  	v28 =	vld [tilespmem:s25+$0x880];
	(erf) = vrcp.f32 v4;
	v9 =	vmul.f32 v32, v32;
	v1 =	vadd.f32 v51, v1  }
0x126: {  	v16 =	vld [tilespmem:s25+$0x4200];
	(erf) = vrcp.f32 v13;
	v2 =	vsub.f32 v33, v37;
	v5 =	vadd.f32 v37, v33  }
0x127: {  	v23 =	vld [tilespmem:s25+$0x5A00];
	(erf) = vrcp.f32 v3;
	v51 =	vmin.f32 v6, v12;
	v1 =	vadd.f32 v36, v1  }
0x128: {  	v21 =	vld [tilespmem:s25+$0x5A80];
	v6 =	vadd.f32 v35, v34;
	v60 =	vmin.f32 v5, v56;
	v58 =	vsub.f32 v51, v59  }
0x129: {  	v20 =	vld [tilespmem:$0x1FF40];
	v59 =	vsub.f32 v5, v2;
	v5 =	vadd.f32 v9, v1;
	v1 =	vmax.f32 v2, v54  }
0x12a: {  	v61 =	vsub.f32 v12, v63;
	v60 =	vsub.f32 v60, v1;
	v1 =	vmin.f32 v6, v12;
	v12 =	vld [tilespmem:$0x1FF50]  }
0x12b: {  	v5 =	vadd.f32 v11, v5;
	v11 =	vld [tilespmem:$0x1FF20]  }
0x12c: {  	v22 =	vld [tilespmem:s25+$0x1A00]  }
0x12d: {  	v15 =	vsub.f32 v34, v35;
	v25 =	vld [tilespmem:s25+$0x200];
	v18 =	vpop (erf)  }
0x12e: {  	v32 =	vld [tilespmem:s25+$0x5900];
	v19 =	vpop (erf)  }
0x12f: {  	[tilespmem:$0x1FF00] =	vst v17;
	v17 =	vmul.f32 v0, v0;
	v33 =	vld [tilespmem:s25+$0x1880];
	v0 =	vsub.f32 v6, v15;
	v6 =	vpop (erf)  }
0x130: {  	v51 =	vld [tilespmem:s19+$0x4280];
	v11 =	vsel vm2, v12, v11;
	v12 =	vmul.f32 v18, v38;
	v18 =	vmul.f32 v19, v41;
	v19 =	vpop (erf)  }
0x131: {  	v19 =	vmul.f32 v19, v42;
	v42 =	vmov v46;
	v46 =	vld [tilespmem:$0x1FEF0]  }
0x132: {  	v34 =	vld [tilespmem:s25+$0x5880]  }
0x133: {  	v9 =	vld [tilespmem:s19+$0x4300];
	s19 =	smov.u32 s25  }
0x134: {  	v35 =	vld [tilespmem:s19+$0x1800]  }
0x135: {  	v37 =	vld [tilespmem:s19+$0x5800];
	v6 =	vmul.f32 v6, v39  }
0x136: {  	v41 =	vld [tilespmem:$0x1FF60];
	v46 =	vsel vm2, v51, v46;
	v51 =	vadd.f32 v12, v7;
	v12 =	vmov v45  }
0x137: {  	[tilespmem:$0x1FF40] =	vst v12;
	v12 =	vld [tilespmem:$0x1FF10]  }
0x138: {  	v36 =	vld [tilespmem:s19+$0x1300]  }
0x139: {  	p1 =	sne.s32 s24, $0xF80;
	v62 =	vsub.f32 v55, v53;
	v39 =	vld [tilespmem:s19+$0x1280];
	v13 =	vadd.f32 v6, v13;
	v6 =	vmov v49;
	[tilespmem:$0x1FF20] =	vst v42  }
.Ltmp2:
0x13a: {  	v5 =	vadd.f32 v44, v5;
	v44 =	vld [tilespmem:s19+$0x5200];
	v18 =	vadd.f32 v18, v4;
	v4 =	vmov v50;
	[tilespmem:$0x1FF60] =	vst v6;
	(pc) =	sbr.rel @p1 .LBB2_2-.Ltmp2, $4  }
0x13b: {  	v2 =	vsub.f32 v56, v54;
	v38 =	vld [tilespmem:s19+$0x5300];
	v49 =	vmax.f32 v15, v63;
	v50 =	vmul.f32 $5.000000000e-01, v13;
	[tilespmem:$0x1FF50] =	vst v4  }
0x13c: {  	v42 =	vld [tilespmem:s19+$0x1200];
	v20 =	vsel vm2, v41, v20;
	v7 =	vmovc v47;
	v9 =	vsel vm2, v9, v12;
	v12 =	vadd.f32 v19, v3  }
0x13d: {  	v41 =	vld [tilespmem:s19+$0x5280];
	[tilespmem:$0x1FF10] =	vst v7;
	v45 =	vsub.f32 v11, v46;
	v46 =	vadd.f32 v17, v5;
	v3 =	vmovc v48;
	v48 =	vmul.f32 $5.000000000e-01, v51  }
0x13e: {  	s24 =	sadd.s32 $0x80, s24;
	s20 =	smov.u32 s26;
	v51 =	vld [tilespmem:s19+$0x1100];
	[tilespmem:$0x1FEF0] =	vst v3;
	v3 =	vmul.f32 $5.000000000e-01, v18;
	v47 =	vsub.f32 v20, v9;
	v4 =	vmul.f32 $5.000000000e-01, v12  }
0x13f: {  	v5 =	vmin.f32 v55, v56;
	v6 =	vmax.f32 v53, v54  }
0x140: {  	v7 =	vmul.f32 v59, v57;
	v2 =	vmul.f32 v2, v61;
	v1 =	vsub.f32 v1, v49  }
0x141: {  	v56 =	vmax.f32 v58, $0.0e+00;
	v9 =	vmax.f32 v60, $0.0e+00;
	v5 =	vsub.f32 v5, v6  }
0x142: {  	v0 =	vmul.f32 v62, v0;
	v6 =	vmul.f32 v9, v56  }
0x143: {  	v7 =	vadd.f32 v2, v7;
	v1 =	vmax.f32 v1, $0.0e+00;
	v5 =	vmax.f32 v5, $0.0e+00  }
0x144: {  	v0 =	vadd.f32 v2, v0;
	v1 =	vmul.f32 v5, v1  }
0x145: {  	v2 =	vsub.f32 v7, v6  }
0x146: {  	v58 =	vld [tilespmem:s23+$0x4000];
	v0 =	vsub.f32 v0, v1  }
0x147: {  	v13 =	vld [tilespmem:s19+$0x900];
	(erf) = vrcp.f32 v2  }
0x148: {  	v15 =	vld [tilespmem:s19+$0x4800];
	(erf) = vrcp.f32 v0  }
0x149: {  	v18 =	vld [tilespmem:$0x1FF30]  }
0x14a: {  	v19 =	vld [tilespmem:$0x1FFA0]  }
0x14b: {  	v20 =	vld [tilespmem:s19+$0xA00]  }
0x14c: {  	v53 =	vld [tilespmem:$0x1FF70]  }
0x14d: {  	s21 =	sor.u32 $0x980, s20;
	v54 =	vld [tilespmem:$0x1FF90]  }
0x14e: {  	v62 =	vld [tilespmem:s21+$0x0]  }
0x14f: {  	v63 =	vld [tilespmem:s21+$0x4000]  }
0x150: {  	v12 =	vmax.f32 v26, v27;
	v59 =	vsel vm2, v10, v8;
	v56 =	vld [tilespmem:s19+$0x4A00];
	v57 =	vpop (erf)  }
0x151: {  	v60 =	vmul.f32 v45, v45;
	v17 =	vadd.f32 v52, v46;
	v61 =	vmul.f32 v47, v47;
	v5 =	vld [tilespmem:s19+$0xB00];
	v11 =	vpop (erf)  }
0x152: {  	v27 =	vmul.f32 v11, v1;
	v1 =	vsub.f32 v48, v3;
	v3 =	vsub.f32 v50, v4;
	v50 =	vld [tilespmem:$0x1FF00]  }
0x153: {  	v17 =	vadd.f32 v43, v17;
	v7 =	vadd.f32 v61, v60;
	v60 =	vld [tilespmem:s19+$0x4A80];
	v26 =	vmul.f32 v57, v6  }
0x154: {  	v49 =	vsub.f32 v42, v44;
	v4 =	vsub.f32 v59, v12;
	v59 =	vld [tilespmem:$0x1FF80]  }
0x155: {  	v2 =	vld [tilespmem:s19+$0x5080];
	v20 =	vsub.f32 v20, v56;
	v11 =	vsub.f32 v62, v63;
	vm3 =	vgt.f32 v27, v26  }
0x156: {  	v6 =	vld [tilespmem:s19+$0x4900];
	v1 =	vmul.f32 v1, v1;
	v3 =	vmul.f32 v3, v3;
	v18 =	vsel vm3, v19, v18  }
0x157: {  	v0 =	vld [tilespmem:s19+$0x1080];
	v45 =	vsel vm3, v53, v54;
	v52 =	vshra.s32 v18, $0x1;
	v9 =	vsel vm3, v58, v50  }
0x158: {  	s28 =	sor.u32 $0xB80, s20;
	v62 =	vld [tilespmem:s19+$0x4B00];
	v57 =	vshra.s32 v45, $0x1;
	v19 =	vadd.s32 $0x1FBD1DF5, v52;
	v55 =	vshra.s32 v9, $0x1  }
0x159: {  	v63 =	vld [tilespmem:s28+$0x0];
	v15 =	vsel vm3, v15, v59;
	(erf) = vrcp.f32 v19;
	v46 =	vadd.s32 $0x1FBD1DF5, v55  }
0x15a: {  	v58 =	vld [tilespmem:s19+$0xA80];
	v48 =	vadd.s32 $0x1FBD1DF5, v57;
	v61 =	vshra.s32 v15, $0x1;
	(erf) = vrcp.f32 v46  }
0x15b: {  	v6 =	vsub.f32 v13, v6;
	v53 =	vld [tilespmem:s19+$0x1000];
	v13 =	vadd.s32 $0x1FBD1DF5, v61;
	(erf) = vrcp.f32 v48  }
0x15c: {  	v0 =	vsub.f32 v0, v2;
	v4 =	vmul.f32 v4, v4;
	v52 =	vld [tilespmem:s28+$0x4000];
	(erf) = vrcp.f32 v13  }
0x15d: {  	v11 =	vmul.f32 v11, v11;
	v1 =	vadd.f32 v3, v1;
	v6 =	vmul.f32 v6, v6;
	v55 =	vld [tilespmem:s19+$0x5000]  }
0x15e: {  	v29 =	vmul.f32 v29, v29;
	v3 =	vadd.f32 v40, v17;
	v4 =	vadd.f32 v4, v4  }
0x15f: {  	v20 =	vmul.f32 v20, v20;
	v6 =	vadd.f32 v11, v6;
	v54 =	vsub.f32 v58, v60  }
0x160: {  	v0 =	vmul.f32 v0, v0;
	v5 =	vsub.f32 v5, v62;
	v1 =	vadd.f32 v1, v7  }
0x161: {  	v6 =	vadd.f32 v20, v6;
	v2 =	vsub.f32 v63, v52;
	v56 =	vmul.f32 v54, v54  }
0x162: {  	v5 =	vmul.f32 v5, v5;
	v1 =	vmul.f32 $5.000000000e+00, v1;
	v11 =	vsub.f32 v53, v55;
	v57 =	vpop (erf)  }
0x163: {  	s29 =	sor.u32 $0x1180, s20;
	v60 =	vld [tilespmem:s19+$0x5100];
	v2 =	vmul.f32 v2, v2;
	v6 =	vadd.f32 v56, v6;
	v12 =	vmul.f32 v57, v18;
	v58 =	vpop (erf)  }
0x164: {  	v3 =	vadd.f32 v29, v3;
	v61 =	vld [tilespmem:s29+$0x0];
	v40 =	vmul.f32 v11, v11;
	v59 =	vpop (erf);
	v20 =	vmul.f32 v58, v9  }
0x165: {  	v63 =	vld [tilespmem:s29+$0x4000];
	v5 =	vadd.f32 v5, v6;
	v12 =	vadd.f32 v19, v12;
	v7 =	vmul.f32 v59, v45;
	v62 =	vpop (erf)  }
0x166: {  	v56 =	vsub.f32 v35, v37;
	v20 =	vadd.f32 v46, v20;
	v6 =	vmul.f32 v62, v15  }
0x167: {  	v2 =	vadd.f32 v2, v5;
	v11 =	vmul.f32 $5.000000000e-01, v12;
	v7 =	vadd.f32 v48, v7  }
0x168: {  	s31 =	sor.u32 $0x1380, s20;
	v43 =	vsub.f32 v51, v60;
	v6 =	vadd.f32 v13, v6;
	v12 =	vmul.f32 $5.000000000e-01, v20  }
0x169: {  	v50 =	vld [tilespmem:s31+$0x0];
	v2 =	vadd.f32 v40, v2;
	(erf) = vrcp.f32 v11;
	v7 =	vmul.f32 $5.000000000e-01, v7  }
0x16a: {  	v35 =	vld [tilespmem:$0x1FF20];
	v47 =	vsub.f32 v61, v63;
	v46 =	vmul.f32 $5.000000000e-01, v6;
	(erf) = vrcp.f32 v12  }
0x16b: {  	v51 =	vld [tilespmem:s31+$0x4000];
	v0 =	vadd.f32 v0, v2;
	v13 =	vmul.f32 v43, v43;
	(erf) = vrcp.f32 v7  }
0x16c: {  	v3 =	vadd.f32 v31, v3;
	v1 =	vadd.f32 v1, v4;
	v57 =	vld [tilespmem:s19+$0x4280];
	(erf) = vrcp.f32 v46  }
0x16d: {  	s30 =	sor.u32 $0x1980, s20;
	v59 =	vsub.f32 v36, v38;
	v36 =	vld [tilespmem:$0x1FF50];
	v0 =	vadd.f32 v13, v0;
	v6 =	vmul.f32 v47, v47  }
0x16e: {  	v3 =	vadd.f32 v24, v3;
	v52 =	vsub.f32 v39, v41;
	v48 =	vld [tilespmem:s30+$0x4000]  }
0x16f: {  	v53 =	vmul.f32 v49, v49;
	v54 =	vsub.f32 v33, v34;
	v2 =	vld [tilespmem:s30+$0x0];
	v0 =	vadd.f32 v6, v0  }
0x170: {  	v55 =	vsub.f32 v30, v32;
	v62 =	vsel vm2, v8, v10;
	v4 =	vsub.f32 v50, v51;
	v40 =	vld [tilespmem:$0x1FEF0]  }
0x171: {  	v20 =	vmul.f32 v52, v52;
	v52 =	vmul.f32 v62, v62;
	v0 =	vadd.f32 v53, v0  }
0x172: {  	v39 =	vld [tilespmem:$0x1FF60];
	v50 =	vsel vm3, v28, v25;
	v41 =	vmul.f32 v59, v59;
	v4 =	vmul.f32 v4, v4;
	v58 =	vpop (erf)  }
0x173: {  	v38 =	vld [tilespmem:$0x1FF40];
	v13 =	vsel vm3, v36, v35;
	v1 =	vadd.f32 v1, v52;
	v0 =	vadd.f32 v20, v0;
	v61 =	vpop (erf)  }
0x174: {  	v42 =	vld [tilespmem:$0x1FF10];
	v2 =	vsub.f32 v2, v48;
	v53 =	vsub.f32 v22, v23;
	v6 =	vmul.f32 v58, v18;
	v63 =	vpop (erf)  }
0x175: {  	v60 =	vld [tilespmem:s19+$0x4300];
	v18 =	vsel vm3, v57, v40;
	v0 =	vadd.f32 v41, v0;
	v9 =	vmul.f32 v61, v9;
	v37 =	vpop (erf)  }
0x176: {  	v43 =	vsub.f32 v13, v18;
	v10 =	vmul.f32 v63, v45;
	v15 =	vmul.f32 v37, v15  }
0x177: {  	v47 =	vmul.f32 v56, v56;
	v6 =	vadd.f32 v6, v11;
	v9 =	vadd.f32 v9, v12  }
0x178: {  	v20 =	vsel vm3, v39, v38;
	v7 =	vadd.f32 v10, v7;
	v5 =	vadd.f32 v15, v46  }
0x179: {  	v0 =	vadd.f32 v4, v0;
	v6 =	vmul.f32 $5.000000000e-01, v6;
	v9 =	vmul.f32 $5.000000000e-01, v9  }
0x17a: {  	v12 =	vsel vm3, v60, v42;
	v44 =	vmul.f32 $5.000000000e-01, v7;
	v5 =	vmul.f32 $5.000000000e-01, v5  }
0x17b: {  	v48 =	vmul.f32 v54, v54;
	v0 =	vadd.f32 v47, v0;
	v45 =	vsub.f32 v20, v12  }
0x17c: {  	v51 =	vmul.f32 v55, v55;
	v6 =	vsub.f32 v6, v9;
	v4 =	vsub.f32 v44, v5  }
0x17d: {  	v49 =	vmul.f32 v43, v43;
	v0 =	vadd.f32 v48, v0;
	v7 =	vmul.f32 v45, v45  }
0x17e: {  	v46 =	vmax.f32 v26, v27;
	v6 =	vmul.f32 v6, v6;
	v4 =	vmul.f32 v4, v4  }
0x17f: {  	v2 =	vmul.f32 v2, v2;
	v57 =	vld [tilespmem:$0x1FFC0];
	v10 =	vsub.f32 v50, v46;
	v0 =	vadd.f32 v51, v0  }
0x180: {  	v55 =	vld [tilespmem:$0x1FFD0];
	v7 =	vadd.f32 v7, v49;
	v4 =	vadd.f32 v4, v6  }
0x181: {  	v59 =	vld [tilespmem:$0x1FFB0];
	v54 =	vmul.f32 v10, v10;
	v0 =	vadd.f32 v2, v0;
	v2 =	vmul.f32 v53, v53  }
0x182: {  	v56 =	vld [tilespmem:$0x1FFE0];
	v1 =	vadd.f32 v1, v3;
	v4 =	vadd.f32 v4, v7  }
0x183: {  	vm14 =	vgt.f32 v16, $0.0e+00;
	v5 =	vadd.f32 v54, v54;
	v0 =	vadd.f32 v2, v0  }
0x184: {  	v2 =	vsel vm3, v25, v28;
	v7 =	vsub.f32 v57, v21;
	v4 =	vmul.f32 $5.000000000e+00, v4  }
0x185: {  	v61 =	vimm.f32 $0.0e+00;
	v60 =	vsub.f32 v25, v16;
	v2 =	vmul.f32 v2, v2  }
0x186: {  	v58 =	vmul.f32 v7, v7;
	v3 =	vadd.f32 v4, v5;
	v5 =	vsub.f32 v28, v59  }
0x187: {  	v62 =	vsel vm1, $0x3F000000, v61;
	v6 =	vadd.f32 v56, v55;
	v7 =	vmul.f32 v60, v60  }
0x188: {  	v0 =	vadd.f32 v58, v0;
	v2 =	vadd.f32 v3, v2;
	v5 =	vmul.f32 v5, v5  }
0x189: {  	vm15 =	veq.f32 v16, $0.0e+00;
	v4 =	vmul.f32 v6, v62;
	v3 =	vsel vm0, $0x3F800000, v61  }
0x18a: {  	v1 =	vmul.f32 v1, v3;
	v3 =	vadd.f32 v5, v7;
	v0 =	vadd.f32 v2, v0  }
0x18b: {  	v63 =	vsel vm14, $0x3F800000, v61;
	v2 =	vsel vm15, $0x3F000000, v61  }
0x18c: {  	v1 =	vadd.f32 v1, v4;
	v2 =	vmul.f32 v3, v2;
	v0 =	vmul.f32 v0, v63;
	_ =	sdelay $0x1  }
0x18d: {  	v1 =	vadd.f32 v1, v14;
	v0 =	vadd.f32 v0, v2;
	_ =	sdelay $0x1  }
0x18e: {  	v1 =	vadd.f32 v0, v1;
	_ =	sdelay $0x1  }
0x18f: {  	[tilespmem:$0x10000] =	vst v1  }
0x190: {  	_ =	swait.ge [sflag:s14], $0x4000  }
.Ltmp3:
0x191: {  	[sflag:s14] =	ssyncset.done $0x0;
	(pc) =	sbr.rel @p0 .LBB2_7-.Ltmp3, $4  }
0x192: {  	[sflag:s14] =	ssyncadd.s32 $0xFFFFC000  }
0x193: {  	_ =	swait.ge [sflag:s15], $0x4000  }
0x194: {  	[sflag:s15] =	ssyncset.done $0x0  }
0x195: {  	v0 =	vimm.f32 $0.0e+00;
	[sflag:s15] =	ssyncadd.s32 $0xFFFFC000  }
0x196: {  	s19 =	simm.s32 $0x0  }
0x197: {  	s20 =	sand.u32 $0x400, s19;
	s21 =	sand.u32 $0x2000, s19  }
0x198: {  	s22 =	sand.u32 $0x70, s19;
	s21 =	sor.u32 s20, s21  }
0x199: {  	s24 =	sor.u32 s22, s21  }
0x19a: {  	v20 =	vld [tilespmem:s24+$0x8000]  }
0x19b: {  	v18 =	vld [tilespmem:s24+$0x8080]  }
0x19c: {  	v12 =	vld [tilespmem:s24+$0x8100]  }
0x19d: {  	v8 =	vld [tilespmem:s24+$0xC000]  }
0x19e: {  	v32 =	vld [tilespmem:s24+$0xC080]  }
0x19f: {  	v10 =	vld [tilespmem:s24+$0xC100]  }
0x1a0: {  	v33 =	vld [tilespmem:s24+$0x8280]  }
0x1a1: {  	v25 =	vld [tilespmem:s24+$0x8300]  }
0x1a2: {  	v19 =	vld [tilespmem:s24+$0x8800]  }
0x1a3: {  	v0 =	vld [tilespmem:s24+$0x9A80]  }
0x1a4: {  	[tilespmem:$0x1FDE0] =	vst v1;
	v1 =	vld [tilespmem:s24+$0xDA80]  }
0x1a5: {  	v2 =	vld [tilespmem:s24+$0x9A00]  }
0x1a6: {  	v3 =	vld [tilespmem:s24+$0xDA00]  }
0x1a7: {  	v4 =	vld [tilespmem:s24+$0x9900]  }
0x1a8: {  	s19 =	sand.u32 $0xFFFFE000, s19;
	v5 =	vld [tilespmem:s24+$0xD900]  }
0x1a9: {  	s19 =	sadd.s32 $0x0, s19;
	v13 =	vld [tilespmem:s24+$0x9880]  }
0x1aa: {  	s25 =	sadd.s32 s20, s19;
	v15 =	vld [tilespmem:s24+$0xD880]  }
0x1ab: {  	s19 =	sor.u32 $0x180, s25;
	v16 =	vld [tilespmem:s24+$0x9800]  }
0x1ac: {  	s26 =	sor.u32 $0x380, s25;
	v17 =	vld [tilespmem:s19+$0xC000]  }
0x1ad: {  	v22 =	vld [tilespmem:s26+$0x8000];
	v6 =	vmul.f32 $7.142857460e-02, v8;
	v7 =	vmul.f32 $5.000000000e-01, v10  }
0x1ae: {  	v21 =	vld [tilespmem:s19+$0x8000];
	v9 =	vmul.f32 $7.142857460e-02, v32;
	v11 =	vmul.f32 $7.142857460e-02, v20  }
0x1af: {  	v23 =	vld [tilespmem:s24+$0xD800];
	v14 =	vmul.f32 $5.000000000e-01, v12;
	v27 =	vmul.f32 $7.142857460e-02, v18  }
0x1b0: {  	v24 =	vld [tilespmem:s24+$0x9300];
	v29 =	vmul.f32 $7.142857460e-02, v25;
	v30 =	vmul.f32 $5.000000000e-01, v19  }
0x1b1: {  	v26 =	vld [tilespmem:s24+$0xD300];
	v34 =	vmul.f32 $5.000000000e-01, v17;
	v35 =	vsub.f32 v6, v7;
	v6 =	vadd.f32 v7, v6  }
0x1b2: {  	v28 =	vld [tilespmem:s24+$0x9280];
	v39 =	vmul.f32 $5.000000000e-01, v22;
	v36 =	vsub.f32 v11, v14;
	v11 =	vadd.f32 v14, v11  }
0x1b3: {  	v31 =	vld [tilespmem:s24+$0xD280];
	v14 =	vmul.f32 $5.000000000e-01, v21;
	v37 =	vsub.f32 v29, v30;
	v29 =	vadd.f32 v30, v29  }
0x1b4: {  	v41 =	vld [tilespmem:s24+$0x9200];
	v7 =	vmul.f32 $7.142857460e-02, v33;
	v38 =	vsub.f32 v9, v34;
	v9 =	vadd.f32 v34, v9  }
0x1b5: {  	v42 =	vld [tilespmem:s24+$0xD200];
	v57 =	vsub.f32 v27, v14;
	v14 =	vadd.f32 v14, v27  }
0x1b6: {  	v44 =	vld [tilespmem:s24+$0x9100];
	v40 =	vsub.f32 v7, v39;
	v43 =	vmin.f32 v11, v6;
	v11 =	vsub.f32 v11, v36  }
0x1b7: {  	v45 =	vld [tilespmem:s24+$0xD080];
	v7 =	vadd.f32 v39, v7;
	v58 =	vsub.f32 v6, v35  }
0x1b8: {  	v46 =	vld [tilespmem:s24+$0x9000];
	v36 =	vmax.f32 v36, v35;
	v59 =	vsub.f32 v29, v37;
	v39 =	vsub.f32 v16, v23  }
0x1b9: {  	v48 =	vld [tilespmem:s24+$0xD000];
	v36 =	vsub.f32 v43, v36;
	v49 =	vsub.f32 v9, v38  }
0x1ba: {  	v50 =	vld [tilespmem:s24+$0x8B00];
	v47 =	vmin.f32 v14, v9;
	v14 =	vsub.f32 v14, v57;
	v34 =	vmax.f32 v57, v38  }
0x1bb: {  	v52 =	vld [tilespmem:s24+$0x8A00];
	v51 =	vsub.f32 v7, v40;
	v6 =	vmin.f32 v7, v6;
	v7 =	vmax.f32 v40, v35  }
0x1bc: {  	v53 =	vld [tilespmem:s24+$0x8900];
	v9 =	vmin.f32 v29, v9;
	v29 =	vmax.f32 v37, v38;
	v34 =	vsub.f32 v47, v34  }
0x1bd: {  	s23 =	simm.s32 $0x80;
	s21 =	simm.s32 $0x200;
	v55 =	vld [tilespmem:s24+$0xC900];
	v6 =	vsub.f32 v6, v7;
	v7 =	vsub.f32 v9, v29  }
0x1be: {  	s28 =	sand.u32 $0x400, s23;
	s22 =	simm.s32 $0x10;
	s29 =	sand.u32 $0x2000, s21;
	v30 =	vld [tilespmem:s24+$0xD100];
	v9 =	vmax.f32 v36, $0.0e+00;
	v11 =	vmul.f32 v14, v11;
	v14 =	vmul.f32 v49, v58  }
0x1bf: {  	s23 =	sand.u32 $0x70, s22;
	s30 =	sand.u32 $0xFFFFE000, s21;
	s19 =	sor.u32 s28, s29;
	v27 =	vld [tilespmem:s24+$0x9080];
	v60 =	vmul.f32 v59, v51;
	v29 =	vmax.f32 v34, $0.0e+00;
	v6 =	vmax.f32 v6, $0.0e+00  }
0x1c0: {  	s19 =	sor.u32 s23, s19;
	s23 =	sadd.s32 $0x10, s30;
	v23 =	vld [tilespmem:s26+$0xC000];
	v7 =	vmax.f32 v7, $0.0e+00;
	v11 =	vadd.f32 v14, v11;
	v54 =	vmul.f32 v29, v9  }
0x1c1: {  	s20 =	sadd.s32 s28, s23;
	v35 =	vld [tilespmem:s24+$0x8A80];
	v56 =	vmul.f32 v7, v6;
	v6 =	vadd.f32 v14, v60  }
0x1c2: {  	s28 =	sor.u32 $0x180, s20;
	v57 =	vld [tilespmem:s19+$0xC100];
	v7 =	vsub.f32 v11, v54  }
0x1c3: {  	v40 =	vsub.f32 v4, v5;
	v5 =	vld [tilespmem:s28+$0x8000];
	v6 =	vsub.f32 v6, v56  }
0x1c4: {  	v37 =	vsub.f32 v2, v3;
	v3 =	vld [tilespmem:s28+$0xC000];
	(erf) = vrcp.f32 v7  }
0x1c5: {  	v47 =	vld [tilespmem:s24+$0xCB00];
	(erf) = vrcp.f32 v6  }
0x1c6: {  	s29 =	sor.u32 $0x980, s25;
	v36 =	vsub.f32 v0, v1;
	v1 =	vsub.f32 v44, v30;
	v30 =	vld [tilespmem:s24+$0xC800]  }
0x1c7: {  	v44 =	vld [tilespmem:s29+$0x8000]  }
0x1c8: {  	v49 =	vld [tilespmem:s24+$0xCA80]  }
0x1c9: {  	v51 =	vld [tilespmem:s24+$0xCA00]  }
0x1ca: {  	v58 =	vld [tilespmem:s19+$0x8280]  }
0x1cb: {  	v34 =	vld [tilespmem:s19+$0x8100]  }
0x1cc: {  	v38 =	vsub.f32 v24, v26;
	v26 =	vsub.f32 v27, v45;
	v14 =	vld [tilespmem:s19+$0x8000]  }
0x1cd: {  	v1 =	vmul.f32 v1, v1;
	v9 =	vld [tilespmem:s19+$0x8080];
	v29 =	vsub.f32 v28, v31;
	v31 =	vsub.f32 v46, v48;
	v2 =	vpop (erf)  }
0x1ce: {  	v60 =	vld [tilespmem:s19+$0x8800];
	v46 =	vsub.f32 v53, v55;
	v4 =	vmul.f32 $5.000000000e-01, v57;
	v26 =	vmul.f32 v26, v26;
	v24 =	vpop (erf)  }
0x1cf: {  	v11 =	vld [tilespmem:s19+$0x8300];
	v27 =	vmul.f32 v2, v54;
	v28 =	vmul.f32 v24, v56  }
0x1d0: {  	v59 =	vsub.f32 v41, v42;
	v46 =	vmul.f32 v46, v46;
	v42 =	vmul.f32 $7.142857460e-02, v58;
	v7 =	vld [tilespmem:s19+$0xC000]  }
0x1d1: {  	v51 =	vsub.f32 v52, v51;
	v35 =	vsub.f32 v35, v49;
	v6 =	vld [tilespmem:s19+$0xC080];
	vm2 =	vgt.f32 v28, v27  }
0x1d2: {  	s31 =	sor.u32 $0x1980, s25;
	[tilespmem:$0x1FE50] =	vst v58;
	v49 =	vmul.f32 $5.000000000e-01, v3;
	v58 =	vmul.f32 $5.000000000e-01, v5;
	v48 =	vsel vm2, v22, v12;
	v12 =	vld [tilespmem:s29+$0xC000]  }
0x1d3: {  	[tilespmem:$0x1FE30] =	vst v34;
	v24 =	vmul.f32 $5.000000000e-01, v34;
	v34 =	vld [tilespmem:s31+$0x8000];
	v62 =	vsel vm2, v23, v10;
	v10 =	vshra.s32 v48, $0x1  }
0x1d4: {  	s30 =	sor.u32 $0x1380, s25;
	v22 =	vld [tilespmem:s31+$0xC000];
	v63 =	vsel vm2, v30, v17;
	v17 =	vshra.s32 v62, $0x1;
	v10 =	vadd.s32 $0x1FBD1DF5, v10  }
0x1d5: {  	v53 =	vsel vm2, v19, v21;
	v19 =	vld [tilespmem:s30+$0x8000];
	v17 =	vadd.s32 $0x1FBD1DF5, v17;
	(erf) = vrcp.f32 v10  }
0x1d6: {  	v41 =	vmul.f32 $7.142857460e-02, v9;
	s31 =	sor.u32 $0x1180, s25;
	v21 =	vld [tilespmem:s30+$0xC000];
	v23 =	vshra.s32 v53, $0x1;
	(erf) = vrcp.f32 v17  }
0x1d7: {  	v45 =	vmul.f32 $7.142857460e-02, v11;
	v54 =	vld [tilespmem:s31+$0x8000];
	v23 =	vadd.s32 $0x1FBD1DF5, v23;
	v12 =	vsub.f32 v44, v12  }
0x1d8: {  	v0 =	vmul.f32 $7.142857460e-02, v7;
	s25 =	sor.u32 $0xB80, s25;
	v30 =	vshra.s32 v63, $0x1;
	v61 =	vld [tilespmem:s31+$0xC000];
	(erf) = vrcp.f32 v23  }
0x1d9: {  	[tilespmem:$0x1FE00] =	vst v57;
	v56 =	vadd.s32 $0x1FBD1DF5, v30;
	v44 =	vsub.f32 v50, v47;
	v50 =	vld [tilespmem:s25+$0x8000];
	v12 =	vmul.f32 v12, v12  }
0x1da: {  	v43 =	vsub.f32 v13, v15;
	[tilespmem:$0x1FE70] =	vst v60;
	v47 =	vmul.f32 $5.000000000e-01, v60;
	v60 =	vld [tilespmem:s25+$0xC000];
	(erf) = vrcp.f32 v56  }
0x1db: {  	s23 =	sor.u32 $0x380, s20;
	[tilespmem:$0x1FE80] =	vst v3;
	v30 =	vsub.f32 v34, v22;
	v22 =	vmul.f32 v51, v51;
	v12 =	vadd.f32 v12, v46  }
0x1dc: {  	[tilespmem:$0x1FDF0] =	vst v7;
	v7 =	vld [tilespmem:s23+$0x8000];
	v57 =	vmul.f32 $7.142857460e-02, v6;
	v3 =	vadd.f32 v4, v0;
	v2 =	vmul.f32 $7.142857460e-02, v14  }
0x1dd: {  	v46 =	vsub.f32 v19, v21;
	v19 =	vmul.f32 v35, v35;
	v12 =	vadd.f32 v22, v12  }
0x1de: {  	[tilespmem:$0x1FE10] =	vst v6;
	v6 =	vld [tilespmem:s19+$0xC880];
	v61 =	vsub.f32 v54, v61;
	v52 =	vmul.f32 v44, v44;
	v22 =	vmul.f32 v31, v31;
	v31 =	vpop (erf)  }
0x1df: {  	v21 =	vsub.f32 v50, v60;
	v31 =	vmul.f32 v31, v48;
	v54 =	vpop (erf);
	v12 =	vadd.f32 v19, v12  }
0x1e0: {  	v50 =	vsub.f32 v0, v4;
	v19 =	vmul.f32 v54, v62;
	v54 =	vsub.f32 v45, v47  }
0x1e1: {  	v34 =	vmul.f32 $5.000000000e-01, v7;
	v55 =	vpop (erf);
	v10 =	vadd.f32 v10, v31;
	v12 =	vadd.f32 v52, v12  }
0x1e2: {  	v31 =	vmul.f32 v55, v53;
	v55 =	vsub.f32 v57, v49;
	v57 =	vadd.f32 v49, v57  }
0x1e3: {  	[tilespmem:$0x1FEB0] =	vst v6;
	v6 =	vld [tilespmem:s19+$0x9A80];
	v21 =	vmul.f32 v21, v21;
	v60 =	vpop (erf);
	v49 =	vsub.f32 v42, v34;
	v4 =	vadd.f32 v17, v19  }
0x1e4: {  	v35 =	vld [tilespmem:s24+$0xC200];
	v17 =	vmul.f32 v60, v63;
	v52 =	vmul.f32 $5.000000000e-01, v10;
	v19 =	vadd.f32 v23, v31  }
0x1e5: {  	v44 =	vld [tilespmem:s24+$0xC880];
	v21 =	vadd.f32 v21, v12;
	v31 =	vsub.f32 v2, v24;
	v4 =	vmul.f32 $5.000000000e-01, v4  }
0x1e6: {  	v10 =	vld [tilespmem:s24+$0x8200];
	v23 =	vadd.f32 v56, v17;
	v0 =	vmul.f32 $5.000000000e-01, v19;
	(erf) = vrcp.f32 v52  }
0x1e7: {  	v12 =	vld [tilespmem:s24+$0x8880];
	v2 =	vadd.f32 v24, v2;
	v21 =	vadd.f32 v22, v21;
	(erf) = vrcp.f32 v4  }
0x1e8: {  	[tilespmem:$0x1FE90] =	vst v5;
	v24 =	vld [tilespmem:s19+$0xDA00];
	v56 =	vadd.f32 v47, v45;
	v5 =	vmul.f32 $5.000000000e-01, v23;
	(erf) = vrcp.f32 v0  }
0x1e9: {  	vm0 =	vgt.f32 v35, $0.0e+00;
	v17 =	vld [tilespmem:s19+$0xC200];
	v45 =	vsub.f32 v41, v58;
	v23 =	vadd.f32 v26, v21  }
0x1ea: {  	v41 =	vadd.f32 v58, v41;
	v47 =	vsel vm2, v33, v20;
	v33 =	vld [tilespmem:s19+$0xD900];
	(erf) = vrcp.f32 v5  }
0x1eb: {  	v22 =	vld [tilespmem:s19+$0xDA80];
	v60 =	vmin.f32 v2, v3;
	v26 =	vmul.f32 v61, v61;
	v1 =	vadd.f32 v1, v23  }
0x1ec: {  	v58 =	vsub.f32 v2, v31;
	v2 =	vadd.f32 v34, v42;
	v31 =	vmax.f32 v31, v50;
	v42 =	vld [tilespmem:s24+$0xC280]  }
0x1ed: {  	v34 =	vmul.f32 v29, v29;
	v29 =	vld [tilespmem:s19+$0x8880];
	v61 =	vmul.f32 v59, v59;
	v1 =	vadd.f32 v26, v1  }
0x1ee: {  	vm1 =	veq.f32 v35, $0.0e+00;
	v59 =	vsub.f32 v60, v31;
	v31 =	vmin.f32 v41, v57;
	v23 =	vld [tilespmem:s19+$0x9A00]  }
0x1ef: {  	v60 =	vsub.f32 v41, v45;
	v26 =	vld [tilespmem:s19+$0x8200];
	v1 =	vadd.f32 v61, v1;
	v61 =	vmax.f32 v45, v55;
	v51 =	vpop (erf)  }
0x1f0: {  	v45 =	vld [tilespmem:s24+$0xC300];
	v20 =	vpop (erf);
	v41 =	vmul.f32 v51, v48;
	v48 =	vsel vm2, v25, v18;
	v25 =	vsub.f32 v10, v35  }
0x1f1: {  	v44 =	vsub.f32 v12, v44;
	v61 =	vsub.f32 v31, v61;
	v31 =	vld [tilespmem:s19+$0x9900];
	v20 =	vmul.f32 v20, v62;
	v62 =	vpop (erf)  }
0x1f2: {  	[tilespmem:$0x1FEC0] =	vst v6;
	v1 =	vadd.f32 v34, v1;
	v34 =	vld [tilespmem:s19+$0x9880];
	v51 =	vmul.f32 v62, v53;
	v6 =	vmul.f32 v25, v25  }
0x1f3: {  	v35 =	vld [tilespmem:s19+$0xD880];
	v18 =	vpop (erf);
	v52 =	vadd.f32 v41, v52;
	v25 =	vmul.f32 v36, v36;
	v41 =	vmul.f32 v40, v40  }
0x1f4: {  	v42 =	vsel vm2, v42, v8;
	v36 =	vld [tilespmem:s19+$0x9800];
	v53 =	vmul.f32 v39, v39;
	v62 =	vmul.f32 v18, v63  }
0x1f5: {  	v39 =	vld [tilespmem:s19+$0xD300];
	v4 =	vadd.f32 v20, v4;
	v63 =	vsel vm2, v45, v32;
	v32 =	vmul.f32 v37, v37  }
0x1f6: {  	v40 =	vld [tilespmem:s19+$0x9280];
	v45 =	vmul.f32 v43, v43;
	[tilespmem:$0x1FED0] =	vst v6;
	v6 =	vmul.f32 v44, v44;
	v51 =	vadd.f32 v51, v0  }
0x1f7: {  	v37 =	vld [tilespmem:s19+$0x9300];
	v0 =	vmul.f32 v46, v46;
	v46 =	vsub.f32 v47, v42;
	v48 =	vsub.f32 v48, v63  }
0x1f8: {  	[tilespmem:$0x1FE20] =	vst v14;
	v43 =	vld [tilespmem:s19+$0x9200];
	v44 =	vmul.f32 v38, v38;
	v5 =	vadd.f32 v62, v5;
	v62 =	vsub.f32 v3, v50  }
0x1f9: {  	[tilespmem:$0x1FE40] =	vst v9;
	v38 =	vld [tilespmem:s19+$0xD800];
	v3 =	vmin.f32 v2, v3;
	v50 =	vmax.f32 v49, v50;
	v4 =	vmul.f32 $5.000000000e-01, v4  }
0x1fa: {  	[tilespmem:$0x1FE60] =	vst v11;
	v42 =	vld [tilespmem:s19+$0xD280];
	v44 =	vadd.f32 v44, v1;
	v1 =	vsub.f32 v2, v49;
	v49 =	vmul.f32 $5.000000000e-01, v52  }
0x1fb: {  	[tilespmem:$0x1FEA0] =	vst v7;
	v51 =	vmul.f32 $5.000000000e-01, v51;
	v2 =	vsub.f32 v57, v55;
	v52 =	vld [tilespmem:s19+$0x9100];
	v5 =	vmul.f32 $5.000000000e-01, v5  }
0x1fc: {  	v8 =	vimm.f32 $0.0e+00;
	s24 =	simm.s32 $0x100;
	[tilespmem:$0x1FEE0] =	vst v6;
	v47 =	vadd.f32 v0, v44;
	v44 =	vld [tilespmem:s19+$0xD200];
	v0 =	vsub.f32 v56, v54  }
.LBB2_5:
0x1fd: {  	v4 =	vsub.f32 v49, v4;
	v5 =	vsub.f32 v51, v5  }
0x1fe: {  	v27 =	vmax.f32 v27, v28;
	v46 =	vmul.f32 v46, v46;
	v48 =	vmul.f32 v48, v48  }
0x1ff: {  	v49 =	vsel vm2, v12, v10;
	v4 =	vmul.f32 v4, v4;
	v5 =	vmul.f32 v5, v5  }
0x200: {  	v27 =	vsub.f32 v49, v27  }
0x201: {  	v46 =	vadd.f32 v48, v46;
	v4 =	vadd.f32 v5, v4;
	_ =	sdelay $0x1  }
0x202: {  	v27 =	vmul.f32 v27, v27;
	v4 =	vadd.f32 v4, v46;
	_ =	sdelay $0x1  }
0x203: {  	v60 =	vmul.f32 v60, v58;
	v27 =	vadd.f32 v27, v27;
	v4 =	vmul.f32 $5.000000000e+00, v4  }
0x204: {  	v2 =	vmul.f32 v2, v62;
	v0 =	vmul.f32 v0, v1;
	v1 =	vsel vm2, v10, v12  }
0x205: {  	v63 =	vld [tilespmem:s19+$0xD100];
	v1 =	vmul.f32 v1, v1;
	v4 =	vadd.f32 v4, v27  }
0x206: {  	v0 =	vadd.f32 v2, v0;
	v27 =	vadd.f32 v2, v60;
	v2 =	vld [tilespmem:$0x1FED0]  }
0x207: {  	v51 =	vmin.f32 v56, v57;
	v55 =	vmax.f32 v54, v55;
	v1 =	vadd.f32 v4, v1;
	v4 =	vld [tilespmem:$0x1FEE0]  }
0x208: {  	v28 =	vld [tilespmem:s19+$0x9080];
	v3 =	vsub.f32 v3, v50;
	v57 =	vsub.f32 v51, v55  }
0x209: {  	v6 =	vld [tilespmem:s19+$0xD080];
	v47 =	vadd.f32 v53, v47;
	v61 =	vmax.f32 v61, $0.0e+00;
	v46 =	vmax.f32 v59, $0.0e+00  }
0x20a: {  	v53 =	vld [tilespmem:s19+$0x9000];
	v3 =	vmax.f32 v3, $0.0e+00;
	v62 =	vmax.f32 v57, $0.0e+00;
	v58 =	vmul.f32 v61, v46  }
0x20b: {  	v56 =	vld [tilespmem:s19+$0xD000];
	v45 =	vadd.f32 v45, v47;
	v3 =	vmul.f32 v62, v3  }
0x20c: {  	v54 =	vld [tilespmem:s19+$0xCB00];
	v2 =	vadd.f32 v4, v2;
	v4 =	vsub.f32 v27, v58  }
0x20d: {  	v30 =	vmul.f32 v30, v30;
	v10 =	vmovc v26;
	v26 =	vld [tilespmem:s19+$0xCA00];
	v41 =	vadd.f32 v41, v45;
	v0 =	vsub.f32 v0, v3  }
0x20e: {  	v13 =	vld [tilespmem:$0x1FE90];
	(erf) = vrcp.f32 v4  }
0x20f: {  	v7 =	vimm.f32 $0.0e+00;
	v55 =	vld [tilespmem:s19+$0xCA80];
	v30 =	vadd.f32 v30, v41;
	(erf) = vrcp.f32 v0  }
0x210: {  	v18 =	vsel vm1, $0x3F000000, v7;
	v20 =	vsel vm0, $0x3F800000, v7;
	v7 =	vld [tilespmem:$0x1FEB0]  }
0x211: {  	s21 =	sadd.s32 $0x200, s21;
	v12 =	vmov v29;
	v57 =	vld [tilespmem:s19+$0xC900];
	v29 =	vadd.f32 v32, v30  }
0x212: {  	s26 =	sand.u32 $0x400, s24;
	s22 =	sadd.s32 $0x10, s22;
	s25 =	sand.u32 $0x2000, s21;
	v5 =	vld [tilespmem:s19+$0x8B00]  }
0x213: {  	s28 =	sand.u32 $0x70, s22;
	s25 =	sor.u32 s26, s25;
	v25 =	vadd.f32 v25, v29;
	v4 =	vld [tilespmem:$0x1FEC0]  }
0x214: {  	s25 =	sor.u32 s28, s25;
	v45 =	vld [tilespmem:s19+$0x8A80]  }
0x215: {  	v47 =	vld [tilespmem:s25+$0x8000];
	v1 =	vadd.f32 v1, v25  }
0x216: {  	v49 =	vld [tilespmem:s25+$0xC000];
	v52 =	vsub.f32 v52, v63  }
0x217: {  	v48 =	vld [tilespmem:s25+$0xC080];
	v1 =	vmul.f32 v1, v20;
	v2 =	vmul.f32 v2, v18;
	v18 =	vsub.f32 v10, v17;
	v20 =	vpop (erf)  }
0x218: {  	v50 =	vld [tilespmem:s25+$0x8300];
	v19 =	vsub.f32 v12, v7;
	v4 =	vsub.f32 v4, v22;
	v25 =	vpop (erf)  }
0x219: {  	s29 =	sand.u32 $0xFFFFE000, s21;
	v6 =	vsub.f32 v28, v6;
	v63 =	vld [tilespmem:s19+$0xC800];
	v11 =	vmul.f32 v18, v18;
	v28 =	vmul.f32 v25, v3  }
0x21a: {  	s28 =	sadd.s32 s29, s22;
	v41 =	vld [tilespmem:s19+$0x8A00];
	v25 =	vmul.f32 v4, v4;
	v4 =	vmul.f32 v19, v19  }
0x21b: {  	s26 =	sadd.s32 s26, s28;
	[tilespmem:$0x1FED0] =	vst v11;
	v11 =	vld [tilespmem:$0x1FEA0]  }
0x21c: {  	s28 =	sor.u32 $0x180, s26;
	[tilespmem:$0x1FEE0] =	vst v4;
	v4 =	vld [tilespmem:$0x1FE30]  }
0x21d: {  	s29 =	sor.u32 $0x380, s26;
	v59 =	vld [tilespmem:s28+$0x8000]  }
0x21e: {  	v62 =	vld [tilespmem:s29+$0x8000];
	v1 =	vadd.f32 v1, v2;
	v27 =	vmul.f32 v20, v58  }
0x21f: {  	v0 =	vld [tilespmem:s25+$0xC100]  }
0x220: {  	v8 =	vadd.f32 v1, v8;
	v1 =	vld [tilespmem:s25+$0x8800];
	vm2 =	vgt.f32 v28, v27  }
0x221: {  	v21 =	vsub.f32 v23, v24;
	v24 =	vsub.f32 v37, v39;
	v39 =	vsel vm2, v11, v4;
	v11 =	vld [tilespmem:$0x1FE70]  }
0x222: {  	v30 =	vld [tilespmem:s19+$0x8900]  }
0x223: {  	v23 =	vsub.f32 v36, v38;
	v32 =	vld [tilespmem:s25+$0x8100]  }
0x224: {  	vm0 =	vgt.f32 v17, $0.0e+00;
	v5 =	vsub.f32 v5, v54;
	v54 =	vsub.f32 v45, v55;
	v45 =	vld [tilespmem:s23+$0xC000]  }
0x225: {  	vm1 =	veq.f32 v17, $0.0e+00;
	v61 =	vmul.f32 $5.000000000e-01, v0;
	v18 =	vmovc v0;
	v37 =	vmul.f32 $5.000000000e-01, v1;
	v0 =	vmovc v1;
	v1 =	vld [tilespmem:$0x1FE80]  }
0x226: {  	s31 =	sor.u32 $0x980, s20;
	v52 =	vmul.f32 v52, v52;
	v17 =	vsub.f32 v40, v42;
	v40 =	vsel vm2, v11, v13;
	v11 =	vld [tilespmem:$0x1FE00]  }
0x227: {  	v6 =	vmul.f32 v6, v6;
	v7 =	vmul.f32 $7.142857460e-02, v47;
	v26 =	vsub.f32 v41, v26;
	v41 =	vld [tilespmem:s31+$0x8000]  }
0x228: {  	v60 =	vmul.f32 $7.142857460e-02, v49;
	v22 =	vsub.f32 v31, v33;
	v33 =	vsub.f32 v43, v44;
	v44 =	vld [tilespmem:s28+$0xC000];
	v4 =	vmovc v32  }
0x229: {  	s30 =	sor.u32 $0x1980, s20;
	v56 =	vsub.f32 v53, v56;
	v38 =	vmul.f32 $5.000000000e-01, v59;
	v36 =	vmul.f32 $5.000000000e-01, v62;
	[tilespmem:$0x1FE30] =	vst v4;
	v4 =	vld [tilespmem:s31+$0xC000]  }
0x22a: {  	v55 =	vld [tilespmem:s30+$0x8000];
	v9 =	vmul.f32 $5.000000000e-01, v32;
	v57 =	vsub.f32 v30, v57;
	v15 =	vshra.s32 v39, $0x1  }
0x22b: {  	s23 =	smov.u32 s29;
	s29 =	sor.u32 $0x1380, s20;
	v30 =	vld [tilespmem:s30+$0xC000];
	v43 =	vsel vm2, v63, v1;
	v1 =	vadd.s32 $0x1FBD1DF5, v15;
	v42 =	vsel vm2, v45, v11  }
0x22c: {  	s30 =	sor.u32 $0x1180, s20;
	v2 =	vsub.f32 v34, v35;
	v58 =	vld [tilespmem:s29+$0x8000];
	(erf) = vrcp.f32 v1;
	v16 =	vshra.s32 v42, $0x1  }
0x22d: {  	v14 =	vmovc v59;
	v3 =	vmul.f32 $5.000000000e-01, v44;
	v19 =	vld [tilespmem:s30+$0x8000];
	v63 =	vshra.s32 v40, $0x1;
	v59 =	vadd.s32 $0x1FBD1DF5, v16  }
0x22e: {  	[tilespmem:$0x1FE70] =	vst v0;
	v0 =	vld [tilespmem:s29+$0xC000];
	s31 =	sor.u32 $0xB80, s20;
	v4 =	vsub.f32 v41, v4;
	v11 =	vmovc v62;
	v62 =	vadd.s32 $0x1FBD1DF5, v63;
	(erf) = vrcp.f32 v59  }
0x22f: {  	v53 =	vshra.s32 v43, $0x1;
	v32 =	vmul.f32 v21, v21;
	v21 =	vld [tilespmem:s31+$0xC000];
	(erf) = vrcp.f32 v62  }
0x230: {  	v13 =	vmovc v44;
	v44 =	vld [tilespmem:s30+$0xC000];
	v4 =	vmul.f32 v4, v4;
	v45 =	vmul.f32 v2, v2;
	[tilespmem:$0x1FEA0] =	vst v11;
	v11 =	vadd.s32 $0x1FBD1DF5, v53  }
0x231: {  	v63 =	vld [tilespmem:s31+$0x8000];
	v2 =	vmul.f32 v57, v57;
	(erf) = vrcp.f32 v11  }
0x232: {  	v29 =	vmul.f32 $7.142857460e-02, v50;
	v5 =	vmul.f32 v5, v5;
	v30 =	vsub.f32 v55, v30  }
0x233: {  	[tilespmem:$0x1FE90] =	vst v14;
	v14 =	vmul.f32 v17, v17;
	v2 =	vadd.f32 v4, v2;
	v4 =	vmul.f32 v26, v26  }
0x234: {  	v31 =	vmul.f32 $7.142857460e-02, v48;
	v15 =	vadd.f32 v61, v60;
	v41 =	vmul.f32 v22, v22  }
0x235: {  	[tilespmem:$0x1FE80] =	vst v13;
	v13 =	vsub.f32 v58, v0;
	v17 =	vpop (erf);
	v2 =	vadd.f32 v4, v2;
	v4 =	vmul.f32 v54, v54  }
0x236: {  	v0 =	vsub.f32 v19, v44;
	v16 =	vmul.f32 v17, v39;
	v19 =	vsub.f32 v63, v21  }
0x237: {  	v46 =	vld [tilespmem:s25+$0x8080];
	v53 =	vmul.f32 v23, v23;
	v63 =	vsub.f32 v60, v61;
	v2 =	vadd.f32 v4, v2;
	v17 =	vpop (erf)  }
0x238: {  	v26 =	vmul.f32 v56, v56;
	v60 =	vsub.f32 v7, v9;
	v1 =	vadd.f32 v1, v16;
	v22 =	vpop (erf)  }
0x239: {  	v23 =	vmul.f32 v19, v19;
	v2 =	vadd.f32 v5, v2;
	v22 =	vmul.f32 v22, v40  }
0x23a: {  	v7 =	vadd.f32 v9, v7;
	v9 =	vmul.f32 $5.000000000e-01, v1;
	v4 =	vmul.f32 v17, v42;
	v21 =	vpop (erf)  }
0x23b: {  	v51 =	vld [tilespmem:s25+$0x8280];
	v2 =	vadd.f32 v23, v2;
	v5 =	vmul.f32 v21, v43;
	v1 =	vadd.f32 v62, v22  }
0x23c: {  	v34 =	vmul.f32 $7.142857460e-02, v46;
	v55 =	vsub.f32 v31, v3;
	v16 =	vld [tilespmem:s25+$0xC880];
	v4 =	vadd.f32 v59, v4  }
0x23d: {  	[tilespmem:$0x1FE00] =	vst v18;
	v18 =	vld [tilespmem:s19+$0xC300];
	v5 =	vadd.f32 v11, v5;
	v11 =	vmul.f32 $5.000000000e-01, v1;
	v1 =	vadd.f32 v26, v2  }
0x23e: {  	v44 =	vmul.f32 v24, v24;
	v24 =	vld [tilespmem:s25+$0xDA00];
	v57 =	vadd.f32 v3, v31;
	v4 =	vmul.f32 $5.000000000e-01, v4  }
0x23f: {  	v31 =	vld [tilespmem:s25+$0x9900];
	v3 =	vadd.f32 v38, v34;
	(erf) = vrcp.f32 v9;
	v1 =	vadd.f32 v6, v1  }
0x240: {  	v56 =	vadd.f32 v37, v29;
	v54 =	vsub.f32 v29, v37;
	v29 =	vld [tilespmem:s25+$0x8880];
	(erf) = vrcp.f32 v4  }
0x241: {  	v0 =	vmul.f32 v0, v0;
	[tilespmem:$0x1FEB0] =	vst v16;
	v16 =	vld [tilespmem:s25+$0x9A80];
	(erf) = vrcp.f32 v11;
	v1 =	vadd.f32 v52, v1  }
0x242: {  	v35 =	vmul.f32 $7.142857460e-02, v51;
	v37 =	vmin.f32 v3, v57;
	v58 =	vsub.f32 v7, v60;
	v23 =	vld [tilespmem:s25+$0x9A00]  }
0x243: {  	v17 =	vld [tilespmem:s25+$0xC200];
	v2 =	vsub.f32 v34, v38;
	v6 =	vmul.f32 v33, v33;
	v1 =	vadd.f32 v0, v1  }
0x244: {  	v59 =	vmax.f32 v60, v63;
	v21 =	vld [tilespmem:$0x1FE40];
	v52 =	vmin.f32 v7, v15;
	v7 =	vadd.f32 v36, v35  }
0x245: {  	v22 =	vld [tilespmem:s25+$0xDA80];
	v60 =	vsub.f32 v3, v2;
	v3 =	vmax.f32 v2, v55;
	v6 =	vadd.f32 v6, v1  }
0x246: {  	v62 =	vsub.f32 v15, v63;
	v61 =	vsub.f32 v37, v3;
	v3 =	vmin.f32 v7, v15;
	v15 =	vld [tilespmem:$0x1FE50]  }
0x247: {  	v5 =	vmul.f32 $5.000000000e-01, v5;
	v6 =	vadd.f32 v14, v6;
	v14 =	vld [tilespmem:$0x1FE20]  }
0x248: {  	[tilespmem:$0x1FEC0] =	vst v16;
	v16 =	vsub.f32 v35, v36;
	v26 =	vld [tilespmem:s25+$0x8200];
	v19 =	vpop (erf)  }
0x249: {  	v34 =	vld [tilespmem:s25+$0x9880];
	(erf) = vrcp.f32 v5;
	v20 =	vpop (erf)  }
0x24a: {  	v59 =	vsub.f32 v52, v59;
	v52 =	vld [tilespmem:s19+$0xC280];
	v1 =	vsub.f32 v7, v16;
	v7 =	vpop (erf)  }
0x24b: {  	v7 =	vmul.f32 v7, v40;
	v40 =	vmov v47;
	v47 =	vld [tilespmem:$0x1FDF0]  }
0x24c: {  	v33 =	vld [tilespmem:s25+$0xD900];
	v14 =	vsel vm2, v15, v14;
	v15 =	vmul.f32 v19, v39  }
0x24d: {  	v35 =	vld [tilespmem:s25+$0xD880];
	s19 =	smov.u32 s25  }
0x24e: {  	v36 =	vld [tilespmem:s19+$0x9800]  }
0x24f: {  	v38 =	vld [tilespmem:s19+$0xD800]  }
0x250: {  	v37 =	vld [tilespmem:s19+$0x9300];
	v47 =	vsel vm2, v52, v47;
	v52 =	vadd.f32 v15, v9;
	v15 =	vmov v46  }
0x251: {  	v19 =	vmul.f32 v20, v42;
	[tilespmem:$0x1FE40] =	vst v15;
	v15 =	vld [tilespmem:$0x1FE10]  }
0x252: {  	v13 =	vmul.f32 v13, v13;
	v20 =	vpop (erf);
	v42 =	vld [tilespmem:$0x1FE60]  }
0x253: {  	p1 =	sne.s32 s24, $0xF80;
	v2 =	vsub.f32 v57, v55;
	v6 =	vadd.f32 v44, v6;
	v44 =	vld [tilespmem:s19+$0xD200];
	v20 =	vmul.f32 v20, v43  }
.Ltmp4:
0x254: {  	v0 =	vsub.f32 v56, v54;
	[tilespmem:$0x1FE20] =	vst v40;
	v40 =	vld [tilespmem:s19+$0x9280];
	v4 =	vadd.f32 v19, v4;
	v9 =	vmov v51;
	(pc) =	sbr.rel @p1 .LBB2_5-.Ltmp4, $4  }
0x255: {  	v39 =	vld [tilespmem:s19+$0xD300];
	v5 =	vadd.f32 v20, v5;
	[tilespmem:$0x1FE50] =	vst v9;
	v19 =	vmovc v49;
	v49 =	vmul.f32 $5.000000000e-01, v52;
	v46 =	vsub.f32 v14, v47  }
0x256: {  	v43 =	vld [tilespmem:s19+$0x9200];
	v4 =	vmul.f32 $5.000000000e-01, v4;
	[tilespmem:$0x1FDF0] =	vst v19;
	v15 =	vsel vm2, v18, v15;
	v18 =	vadd.f32 v7, v11;
	v11 =	vmovc v48  }
0x257: {  	v52 =	vld [tilespmem:s19+$0x9100];
	v47 =	vadd.f32 v13, v6;
	v21 =	vsel vm2, v42, v21;
	v5 =	vmul.f32 $5.000000000e-01, v5;
	v7 =	vmovc v50;
	[tilespmem:$0x1FE10] =	vst v11  }
0x258: {  	s24 =	sadd.s32 $0x80, s24;
	s20 =	smov.u32 s26;
	v42 =	vld [tilespmem:s19+$0xD280];
	v50 =	vmax.f32 v16, v63;
	[tilespmem:$0x1FE60] =	vst v7;
	v48 =	vsub.f32 v21, v15;
	v51 =	vmul.f32 $5.000000000e-01, v18  }
.Ltmp5:
0x259: {  	_ = 	snop;
	(pc) =	sbr.rel .LBB2_6-.Ltmp5, $1  }
0x25a: {  	_ =	sdelay $0x3  }
.LBB2_8:
0x25b: {  	_ =	sfence.sel $0x180000  }
0x25c: {  	[bflag:$0x0] =	sbarrier.arrive $0xFFFF  }
0x25d: {  	p0 =	sne.s32 s0, $0x0;
	_ =	strace $0x90000047  }
0x25e: {  	s0 =	sadd.s32 @!p0 $0x100000, s1;
	[bflag:$0x2] =	sbarrier.arrive $0xFFFF  }
0x25f: {  	[sflag:s0] =	ssyncadd.tile.s32 @!p0 $0x1;
	_ =	shalt  }
.Lfunc_end2:
_tile_overlayer_lowered:
.L_overlay_start_2:
0x260: {  	(tag) =	ssettag $0x2  }
0x261: {  	s0 =	rddreg [dreg:$0x0];
	s2 =	stileid.u32  }
0x262: {  	s1 =	rddreg [dreg:$0x1];
	p0 =	sne.s32 s2, $0x0  }
0x263: {  	s3 =	rddreg [dreg:$0x2];
	[bflag:$0x3] =	sbarrier.arrive $0xFFFF;
	s2 =	simm.s32 @!p0 $0x1C05  }
0x264: {  	[timem:s3], [sflag:s2] =	dma.local @!p0 [hbm:s0], s1  }
0x265: {  	s0 =	simm.s32 @!p0 $0x5  }
0x266: {  	_ =	swait.ge @!p0 [sflag:s0], s1  }
0x267: {  	s1 =	ssub.s32 @!p0 $0x0, s1;
	[sflag:s0] =	ssyncset.done @!p0 $0x0  }
0x268: {  	[sflag:s0] =	ssyncadd.s32 @!p0 s1  }
0x269: {  	[bflag:$0x3] =	sbarrier.arrive $0xFFFF  }
0x26a: {  	_ =	shalt  }

</sc_bundles>
